<compile_context>
chip_gen: v7x
topology: tpu7x:2x2x1
jax: 0.10.2.dev20260603
libtpu: 0.0.44.dev20260713+nightly
codegen_flags: <defaults>
</compile_context>

<pallas_src>
import functools

import jax
import jax.numpy as jnp
from jax import lax
from jax.experimental import pallas as pl
from jax.experimental.pallas import tpu as pltpu
from jax.experimental.pallas import tpu_sc as plsc

N = 10000
NP = 10112
H = 128
TASKS = 128
G = 512
E = 320000
CHUNK = 128
NCHUNK = 80
PCH = 40
NW = 32
EP = NW * NCHUNK * CHUNK
VOCAB = 173
VOCAB_PAD = 176
_OFFSETS = (0, 119, 123, 135, 147, 157, 163, 169, 171)
BN = 400
NB = N // BN
RPT = NP // 16


def _mesh():
    return plsc.VectorSubcoreMesh(core_axis_name="c", subcore_axis_name="s",
                                  num_cores=2, num_subcores=16)



def _sc_degree_body(col_hbm, z_hbm, ones_hbm, out_hbm, col_v, ones_v, acc_sh):
    c = lax.axis_index("c")
    s = lax.axis_index("s")
    wid = c * 16 + s
    r0 = s * RPT
    pltpu.sync_copy(z_hbm.at[pl.ds(r0, RPT)], acc_sh.at[pl.ds(r0, RPT)])
    pltpu.sync_copy(col_hbm.at[wid], col_v)
    pltpu.sync_copy(ones_hbm, ones_v)
    plsc.subcore_barrier()

    def body(j, carry):
        pltpu.sync_copy(ones_v, acc_sh.at[col_v.at[j]], add=True)
        return carry

    lax.fori_loop(0, NCHUNK, body, 0)
    plsc.subcore_barrier()
    pltpu.sync_copy(acc_sh.at[pl.ds(r0, RPT)], out_hbm.at[c, pl.ds(r0, RPT)])


@functools.cache
def _sc_degree():
    return pl.kernel(
        _sc_degree_body,
        out_type=jax.ShapeDtypeStruct((2, NP, H), jnp.float32),
        mesh=_mesh(),
        scratch_types=[
            pltpu.VMEM((NCHUNK, CHUNK), jnp.int32),
            pltpu.VMEM((CHUNK, H), jnp.float32),
            pltpu.VMEM_SHARED((NP, H), jnp.float32),
        ],
    )



def _sc_scatter_body(g_hbm, row_hbm, col_hbm, z_hbm, out_hbm,
                     row_v, col_v, msg_a, msg_b, acc_sh, sem_a, sem_b):
    c = lax.axis_index("c")
    s = lax.axis_index("s")
    wid = c * 16 + s
    r0 = s * RPT
    pltpu.sync_copy(z_hbm.at[pl.ds(r0, RPT)], acc_sh.at[pl.ds(r0, RPT)])
    plsc.subcore_barrier()

    def start(j, buf, sem):
        pltpu.async_copy(g_hbm.at[row_v.at[j]], buf, sem)

    def wait(buf, sem):
        pltpu.make_async_copy(g_hbm.at[row_v.at[0]], buf, sem).wait()

    for p in range(NCHUNK // PCH):
        pltpu.sync_copy(row_hbm.at[wid, pl.ds(p * PCH, PCH)], row_v)
        pltpu.sync_copy(col_hbm.at[wid, pl.ds(p * PCH, PCH)], col_v)
        start(0, msg_a, sem_a)

        def body(i, carry):
            wait(msg_a, sem_a)
            start(2 * i + 1, msg_b, sem_b)
            pltpu.sync_copy(msg_a, acc_sh.at[col_v.at[2 * i]], add=True)
            wait(msg_b, sem_b)

            @pl.when(2 * i + 2 < PCH)
            def _():
                start(2 * i + 2, msg_a, sem_a)

            pltpu.sync_copy(msg_b, acc_sh.at[col_v.at[2 * i + 1]], add=True)
            return carry

        lax.fori_loop(0, PCH // 2, body, 0)
    plsc.subcore_barrier()
    pltpu.sync_copy(acc_sh.at[pl.ds(r0, RPT)], out_hbm.at[c, pl.ds(r0, RPT)])


@functools.cache
def _sc_scatter():
    return pl.kernel(
        _sc_scatter_body,
        out_type=jax.ShapeDtypeStruct((2, NP, H), jnp.float32),
        mesh=_mesh(),
        scratch_types=[
            pltpu.VMEM((PCH, CHUNK), jnp.int32),
            pltpu.VMEM((PCH, CHUNK), jnp.int32),
            pltpu.VMEM((CHUNK, H), jnp.float32),
            pltpu.VMEM((CHUNK, H), jnp.float32),
            pltpu.VMEM_SHARED((NP, H), jnp.float32),
            pltpu.SemaphoreType.DMA,
            pltpu.SemaphoreType.DMA,
        ],
    )



def _tc_hembed_body(x_ref, tab_ref, h_ref):
    idx = x_ref[:]
    iota = lax.broadcasted_iota(jnp.int32, (BN, VOCAB_PAD), 1)
    p = jnp.zeros((BN, VOCAB_PAD), jnp.float32)
    for j in range(9):
        p = p + (iota == idx[:, j:j + 1]).astype(jnp.float32)
    h_ref[:] = jnp.dot(p, tab_ref[:], preferred_element_type=jnp.float32)


def _tc_hembed(x, tab):
    return pl.pallas_call(
        _tc_hembed_body,
        grid=(NB,),
        in_specs=[
            pl.BlockSpec((BN, 9), lambda i: (i, 0)),
            pl.BlockSpec((VOCAB_PAD, H), lambda i: (0, 0)),
        ],
        out_specs=pl.BlockSpec((BN, H), lambda i: (i, 0)),
        out_shape=jax.ShapeDtypeStruct((N, H), jnp.float32),
    )(x, tab)


def _tc_g1_body(h_ref, dega_ref, degb_ref, w_ref, g_ref, d_ref):
    deg = dega_ref[:, 0:1] + degb_ref[:, 0:1] + 1.0
    d = lax.rsqrt(deg)
    g_ref[:] = d * jnp.dot(h_ref[:], w_ref[:], preferred_element_type=jnp.float32)
    d_ref[:] = d


def _tc_embed(h, dega, degb, w1):
    return pl.pallas_call(
        _tc_g1_body,
        grid=(NB,),
        in_specs=[
            pl.BlockSpec((BN, H), lambda i: (i, 0)),
            pl.BlockSpec((BN, H), lambda i: (i, 0)),
            pl.BlockSpec((BN, H), lambda i: (i, 0)),
            pl.BlockSpec((H, H), lambda i: (0, 0)),
        ],
        out_specs=[
            pl.BlockSpec((BN, H), lambda i: (i, 0)),
            pl.BlockSpec((BN, 1), lambda i: (i, 0)),
        ],
        out_shape=[
            jax.ShapeDtypeStruct((N, H), jnp.float32),
            jax.ShapeDtypeStruct((N, 1), jnp.float32),
        ],
    )(h, dega, degb, w1)



def _tc_layer_body(acca_ref, accb_ref, g_ref, d_ref, b_ref, w_ref, o_ref):
    d = d_ref[:]
    agg = d * (acca_ref[:] + accb_ref[:] + g_ref[:]) + b_ref[:]
    h = jnp.maximum(agg, 0.0)
    o_ref[:] = d * jnp.dot(h, w_ref[:], preferred_element_type=jnp.float32)


def _tc_layer(acca, accb, g, d, b, w):
    return pl.pallas_call(
        _tc_layer_body,
        grid=(NB,),
        in_specs=[
            pl.BlockSpec((BN, H), lambda i: (i, 0)),
            pl.BlockSpec((BN, H), lambda i: (i, 0)),
            pl.BlockSpec((BN, H), lambda i: (i, 0)),
            pl.BlockSpec((BN, 1), lambda i: (i, 0)),
            pl.BlockSpec((1, H), lambda i: (0, 0)),
            pl.BlockSpec((H, H), lambda i: (0, 0)),
        ],
        out_specs=pl.BlockSpec((BN, H), lambda i: (i, 0)),
        out_shape=jax.ShapeDtypeStruct((N, H), jnp.float32),
    )(acca, accb, g, d, b, w)



def _tc_pool_body(acca_ref, accb_ref, g_ref, d_ref, b_ref, batch_ref,
                  lw_ref, lb_ref, o_ref, sums_ref, cnts_ref):
    i = pl.program_id(0)

    @pl.when(i == 0)
    def _():
        sums_ref[:] = jnp.zeros((G, H), jnp.float32)
        cnts_ref[:] = jnp.zeros((G, 1), jnp.float32)

    d = d_ref[:]
    h4 = d * (acca_ref[:] + accb_ref[:] + g_ref[:]) + b_ref[:]
    iota = lax.broadcasted_iota(jnp.int32, (BN, G), 1)
    p = (iota == batch_ref[:]).astype(jnp.float32)
    sums_ref[:] += lax.dot_general(p, h4, (((0,), (0,)), ((), ())),
                                   preferred_element_type=jnp.float32)
    cnts_ref[:] += lax.dot_general(p, jnp.ones((BN, 1), jnp.float32),
                                   (((0,), (0,)), ((), ())),
                                   preferred_element_type=jnp.float32)

    @pl.when(i == NB - 1)
    def _():
        pooled = sums_ref[:] / jnp.maximum(cnts_ref[:], 1.0)
        o_ref[:] = (jnp.dot(pooled, lw_ref[:], preferred_element_type=jnp.float32)
                    + lb_ref[:])


def _tc_pool(acca, accb, g, d, b, batch, lw, lb):
    return pl.pallas_call(
        _tc_pool_body,
        grid=(NB,),
        in_specs=[
            pl.BlockSpec((BN, H), lambda i: (i, 0)),
            pl.BlockSpec((BN, H), lambda i: (i, 0)),
            pl.BlockSpec((BN, H), lambda i: (i, 0)),
            pl.BlockSpec((BN, 1), lambda i: (i, 0)),
            pl.BlockSpec((1, H), lambda i: (0, 0)),
            pl.BlockSpec((BN, 1), lambda i: (i, 0)),
            pl.BlockSpec((H, TASKS), lambda i: (0, 0)),
            pl.BlockSpec((1, TASKS), lambda i: (0, 0)),
        ],
        out_specs=pl.BlockSpec((G, TASKS), lambda i: (0, 0)),
        out_shape=jax.ShapeDtypeStruct((G, TASKS), jnp.float32),
        scratch_shapes=[
            pltpu.VMEM((G, H), jnp.float32),
            pltpu.VMEM((G, 1), jnp.float32),
        ],
    )(acca, accb, g, d, b, batch, lw, lb)



def kernel(x, edge_index, batch, atom_table, W1, b1, W2, b2, W3, b3,
           lin_W, lin_b):
    x = x.astype(jnp.int32) + jnp.asarray(_OFFSETS, jnp.int32)[None, :]
    row = edge_index[0].astype(jnp.int32)
    col = edge_index[1].astype(jnp.int32)
    pad = EP - E
    pad_iota = lax.iota(jnp.int32, pad)
    row_p = jnp.concatenate([row, pad_iota % N])
    col_p = jnp.concatenate([col, N + pad_iota % (NP - N)])
    row_p = row_p.reshape(NW, NCHUNK, CHUNK)
    col_p = col_p.reshape(NW, NCHUNK, CHUNK)

    zeros_h = jnp.zeros((NP, H), jnp.float32)
    ones_h = jnp.ones((CHUNK, H), jnp.float32)
    tab = jnp.pad(atom_table.astype(jnp.float32), ((0, VOCAB_PAD - VOCAB), (0, 0)))

    h_emb = _tc_hembed(x, tab)
    deg2 = _sc_degree()(col_p, zeros_h, ones_h)
    g1, d = _tc_embed(h_emb, deg2[0], deg2[1], W1)
    scat = _sc_scatter()
    acc1 = scat(g1, row_p, col_p, zeros_h)
    g2 = _tc_layer(acc1[0], acc1[1], g1, d, b1.reshape(1, H), W2)
    acc2 = scat(g2, row_p, col_p, zeros_h)
    g3 = _tc_layer(acc2[0], acc2[1], g2, d, b2.reshape(1, H), W3)
    acc3 = scat(g3, row_p, col_p, zeros_h)
    out = _tc_pool(acc3[0], acc3[1], g3, d, b3.reshape(1, H),
                   batch.reshape(N, 1).astype(jnp.int32),
                   lin_W, lin_b.reshape(1, TASKS))
    return out

# --- scband reference (transcript-rebuilt; emitter-appended) ---
"""Pipeline reference for scband-gcn-60455959658660 (READ-ONLY COPY).

The authoritative reference and input builder live on the scoring server;
editing this copy changes nothing except your own understanding.
"""

import jax, jax.numpy as jnp
import numpy as np

ATOM_DIMS = [119, 4, 12, 12, 10, 6, 6, 2, 2]
OFFSETS = np.concatenate([[0], np.cumsum(ATOM_DIMS)[:-1]]).astype(np.int32)
TOTAL_VOCAB = int(sum(ATOM_DIMS))
N = 10000
E = 320000
H = 128
TASKS = 128
G = 512


def setup_inputs(seed: int = 0) -> dict:
    key = jax.random.key(seed)
    ks = jax.random.split(key, 12)
    x = jax.random.randint(ks[0], (N, 9), 0, 2)
    edge_index = jax.random.randint(ks[1], (2, E), 0, N)
    batch = jnp.sort(jax.random.randint(ks[2], (N,), 0, G))
    atom_table = jax.random.normal(ks[3], (TOTAL_VOCAB, H), dtype=jnp.float32) * 0.1
    W1 = jax.random.normal(ks[4], (H, H), dtype=jnp.float32) * (1.0 / np.sqrt(H))
    b1 = jnp.zeros((H,), dtype=jnp.float32)
    W2 = jax.random.normal(ks[5], (H, H), dtype=jnp.float32) * (1.0 / np.sqrt(H))
    b2 = jnp.zeros((H,), dtype=jnp.float32)
    W3 = jax.random.normal(ks[6], (H, H), dtype=jnp.float32) * (1.0 / np.sqrt(H))
    b3 = jnp.zeros((H,), dtype=jnp.float32)
    lin_W = jax.random.normal(ks[7], (H, TASKS), dtype=jnp.float32) * (1.0 / np.sqrt(H))
    lin_b = jnp.zeros((TASKS,), dtype=jnp.float32)
    return {"x": x, "edge_index": edge_index, "batch": batch,
            "atom_table": atom_table, "W1": W1, "b1": b1, "W2": W2, "b2": b2,
            "W3": W3, "b3": b3, "lin_W": lin_W, "lin_b": lin_b}


def _gcn_conv(h, edge_index, W, b):
    n = h.shape[0]
    h = h @ W
    loop = jnp.arange(n)
    row = jnp.concatenate([edge_index[0], loop])
    col = jnp.concatenate([edge_index[1], loop])
    ones = jnp.ones(row.shape[0], dtype=h.dtype)
    deg = jnp.zeros((n,), dtype=h.dtype).at[col].add(ones)
    deg_inv_sqrt = jnp.where(deg > 0, 1.0 / jnp.sqrt(deg), 0.0)
    norm = deg_inv_sqrt[row] * deg_inv_sqrt[col]
    msg = h[row] * norm[:, None]
    out = jnp.zeros_like(h).at[col].add(msg)
    return out + b


def reference(x, edge_index, batch, atom_table, W1, b1, W2, b2, W3, b3, lin_W, lin_b):
    offsets = jnp.asarray(OFFSETS)
    # AtomEncoder: sum of per-feature embeddings (single offset table)
    h = jnp.sum(atom_table[x + offsets[None, :]], axis=1)
    h = _gcn_conv(h, edge_index, W1, b1)
    h = jax.nn.relu(h)
    h = _gcn_conv(h, edge_index, W2, b2)
    h = jax.nn.relu(h)
    h = _gcn_conv(h, edge_index, W3, b3)
    # global_mean_pool
    sums = jax.ops.segment_sum(h, batch, num_segments=G)
    counts = jax.ops.segment_sum(jnp.ones((h.shape[0], 1), dtype=h.dtype), batch, num_segments=G)
    pooled = sums / jnp.maximum(counts, 1.0)
    out = pooled @ lin_W + lin_b
    return out

if __name__ == "__main__":
    import jax
    _d = setup_inputs()
    print(jax.jit(kernel)(*tuple(_d.values())))

</pallas_src>

<mosaic_0001>
#map = affine_map<(d0, d1) -> (0, 0)>
#map1 = affine_map<(d0, d1) -> (0, 0, 0)>
module attributes {stable_mosaic.version = 14 : i64} {
  func.func @_sc_scatter_body(%arg0: i32, %arg1: i32, %arg2: memref<10000x128xf32, #tpu.memory_space<hbm>>, %arg3: memref<32x80x128xi32, #tpu.memory_space<hbm>>, %arg4: memref<32x80x128xi32, #tpu.memory_space<hbm>>, %arg5: memref<10112x128xf32, #tpu.memory_space<hbm>>, %arg6: memref<2x10112x128xf32, #tpu.memory_space<hbm>>, %arg7: memref<40x128xi32, #tpu.memory_space<vmem>>, %arg8: memref<40x128xi32, #tpu.memory_space<vmem>>, %arg9: memref<128x128xf32, #tpu.memory_space<vmem>>, %arg10: memref<128x128xf32, #tpu.memory_space<vmem>>, %arg11: memref<10112x128xf32, #tpu.memory_space<vmem_shared>>, %arg12: memref<!tpu.dma_semaphore, #tpu.memory_space<semaphore_mem>>, %arg13: memref<!tpu.dma_semaphore, #tpu.memory_space<semaphore_mem>>) attributes {dimension_semantics = [#tpu.dimension_semantics<core_parallel>, #tpu.dimension_semantics<subcore_parallel>], iteration_bounds = array<i64: 2, 16>, scalar_prefetch = 0 : i64, scratch_operands = 7 : i64, tpu.core_type = #tpu.core_type<sc_vector_subcore>, window_params = [{transform_indices = #map}, {transform_indices = #map1}, {transform_indices = #map1}, {transform_indices = #map}, {transform_indices = #map1}]} {
    %mul3A = arith.constant 16 : i32
    %mul3A_0 = arith.muli %arg0, %mul3A : i32
    %add3A = arith.addi %mul3A_0, %arg1 : i32
    %mul3A_1 = arith.constant 632 : i32
    %mul3A_2 = arith.muli %arg1, %mul3A_1 : i32
    "tpu.region"() ({
      %run_scoped3A = tpu.sem_alloc : memref<!tpu.dma_semaphore, #tpu.memory_space<semaphore_mem>>
      %dma_start3A_28 = arith.constant 0 : i32
      %dma_start3A_29 = tpu.memref_slice %arg11[%mul3A_2, %dma_start3A_28] : memref<10112x128xf32, #tpu.memory_space<vmem_shared>> -> memref<632x128xf32, #tpu.memory_space<vmem_shared>>
      %dma_start3A_30 = arith.constant 0 : i32
      %dma_start3A_31 = tpu.memref_slice %arg5[%mul3A_2, %dma_start3A_30] : memref<10112x128xf32, #tpu.memory_space<hbm>> -> memref<632x128xf32, #tpu.memory_space<hbm>>
      tpu.enqueue_dma source(%dma_start3A_31 : memref<632x128xf32, #tpu.memory_space<hbm>>) target(%dma_start3A_29 : memref<632x128xf32, #tpu.memory_space<vmem_shared>>) target_semaphore(%run_scoped3A : memref<!tpu.dma_semaphore, #tpu.memory_space<semaphore_mem>>)
      %dma_wait3A = arith.constant 0 : i32
      %dma_wait3A_32 = tpu.memref_slice %arg11[%mul3A_2, %dma_wait3A] : memref<10112x128xf32, #tpu.memory_space<vmem_shared>> -> memref<632x128xf32, #tpu.memory_space<vmem_shared>>
      %dma_wait3A_33 = arith.constant 0 : i32
      %dma_wait3A_34 = tpu.memref_slice %arg5[%mul3A_2, %dma_wait3A_33] : memref<10112x128xf32, #tpu.memory_space<hbm>> -> memref<632x128xf32, #tpu.memory_space<hbm>>
      tpu.wait_dma2 semaphore(%run_scoped3A : memref<!tpu.dma_semaphore, #tpu.memory_space<semaphore_mem>>) src(%dma_wait3A_34 : memref<632x128xf32, #tpu.memory_space<hbm>>) dst(%dma_wait3A_32 : memref<632x128xf32, #tpu.memory_space<vmem_shared>>)
      tpu.yield
    }) : () -> ()
    %barrier3A = arith.constant 0 : index
    tpu.barrier barrier_id(%barrier3A)
    "tpu.region"() ({
      %run_scoped3A = tpu.sem_alloc : memref<!tpu.dma_semaphore, #tpu.memory_space<semaphore_mem>>
      %dma_start3A_28 = arith.constant 0 : i32
      %dma_start3A_29 = arith.constant 0 : i32
      %dma_start3A_30 = tpu.memref_slice %arg3[%add3A, %dma_start3A_28, %dma_start3A_29] : memref<32x80x128xi32, #tpu.memory_space<hbm>> -> memref<1x40x128xi32, #tpu.memory_space<hbm>>
      %dma_start3A_31 = tpu.memref_squeeze %dma_start3A_30 : memref<1x40x128xi32, #tpu.memory_space<hbm>> -> memref<40x128xi32, #tpu.memory_space<hbm>>
      %dma_start3A_32 = arith.constant 0 : i32
      %dma_start3A_33 = arith.constant 0 : i32
      %dma_start3A_34 = tpu.memref_slice %arg3[%add3A, %dma_start3A_32, %dma_start3A_33] : memref<32x80x128xi32, #tpu.memory_space<hbm>> -> memref<1x40x128xi32, #tpu.memory_space<hbm>>
      %dma_start3A_35 = tpu.memref_squeeze %dma_start3A_34 : memref<1x40x128xi32, #tpu.memory_space<hbm>> -> memref<40x128xi32, #tpu.memory_space<hbm>>
      tpu.enqueue_dma source(%dma_start3A_35 : memref<40x128xi32, #tpu.memory_space<hbm>>) target(%arg7 : memref<40x128xi32, #tpu.memory_space<vmem>>) target_semaphore(%run_scoped3A : memref<!tpu.dma_semaphore, #tpu.memory_space<semaphore_mem>>)
      %dma_wait3A = arith.constant 0 : i32
      %dma_wait3A_36 = arith.constant 0 : i32
      %dma_wait3A_37 = tpu.memref_slice %arg3[%add3A, %dma_wait3A, %dma_wait3A_36] : memref<32x80x128xi32, #tpu.memory_space<hbm>> -> memref<1x40x128xi32, #tpu.memory_space<hbm>>
      %dma_wait3A_38 = tpu.memref_squeeze %dma_wait3A_37 : memref<1x40x128xi32, #tpu.memory_space<hbm>> -> memref<40x128xi32, #tpu.memory_space<hbm>>
      %dma_wait3A_39 = arith.constant 0 : i32
      %dma_wait3A_40 = arith.constant 0 : i32
      %dma_wait3A_41 = tpu.memref_slice %arg3[%add3A, %dma_wait3A_39, %dma_wait3A_40] : memref<32x80x128xi32, #tpu.memory_space<hbm>> -> memref<1x40x128xi32, #tpu.memory_space<hbm>>
      %dma_wait3A_42 = tpu.memref_squeeze %dma_wait3A_41 : memref<1x40x128xi32, #tpu.memory_space<hbm>> -> memref<40x128xi32, #tpu.memory_space<hbm>>
      tpu.wait_dma2 semaphore(%run_scoped3A : memref<!tpu.dma_semaphore, #tpu.memory_space<semaphore_mem>>) src(%dma_wait3A_42 : memref<40x128xi32, #tpu.memory_space<hbm>>) dst(%arg7 : memref<40x128xi32, #tpu.memory_space<vmem>>)
      tpu.yield
    }) : () -> ()
    "tpu.region"() ({
      %run_scoped3A = tpu.sem_alloc : memref<!tpu.dma_semaphore, #tpu.memory_space<semaphore_mem>>
      %dma_start3A_28 = arith.constant 0 : i32
      %dma_start3A_29 = arith.constant 0 : i32
      %dma_start3A_30 = tpu.memref_slice %arg4[%add3A, %dma_start3A_28, %dma_start3A_29] : memref<32x80x128xi32, #tpu.memory_space<hbm>> -> memref<1x40x128xi32, #tpu.memory_space<hbm>>
      %dma_start3A_31 = tpu.memref_squeeze %dma_start3A_30 : memref<1x40x128xi32, #tpu.memory_space<hbm>> -> memref<40x128xi32, #tpu.memory_space<hbm>>
      %dma_start3A_32 = arith.constant 0 : i32
      %dma_start3A_33 = arith.constant 0 : i32
      %dma_start3A_34 = tpu.memref_slice %arg4[%add3A, %dma_start3A_32, %dma_start3A_33] : memref<32x80x128xi32, #tpu.memory_space<hbm>> -> memref<1x40x128xi32, #tpu.memory_space<hbm>>
      %dma_start3A_35 = tpu.memref_squeeze %dma_start3A_34 : memref<1x40x128xi32, #tpu.memory_space<hbm>> -> memref<40x128xi32, #tpu.memory_space<hbm>>
      tpu.enqueue_dma source(%dma_start3A_35 : memref<40x128xi32, #tpu.memory_space<hbm>>) target(%arg8 : memref<40x128xi32, #tpu.memory_space<vmem>>) target_semaphore(%run_scoped3A : memref<!tpu.dma_semaphore, #tpu.memory_space<semaphore_mem>>)
      %dma_wait3A = arith.constant 0 : i32
      %dma_wait3A_36 = arith.constant 0 : i32
      %dma_wait3A_37 = tpu.memref_slice %arg4[%add3A, %dma_wait3A, %dma_wait3A_36] : memref<32x80x128xi32, #tpu.memory_space<hbm>> -> memref<1x40x128xi32, #tpu.memory_space<hbm>>
      %dma_wait3A_38 = tpu.memref_squeeze %dma_wait3A_37 : memref<1x40x128xi32, #tpu.memory_space<hbm>> -> memref<40x128xi32, #tpu.memory_space<hbm>>
      %dma_wait3A_39 = arith.constant 0 : i32
      %dma_wait3A_40 = arith.constant 0 : i32
      %dma_wait3A_41 = tpu.memref_slice %arg4[%add3A, %dma_wait3A_39, %dma_wait3A_40] : memref<32x80x128xi32, #tpu.memory_space<hbm>> -> memref<1x40x128xi32, #tpu.memory_space<hbm>>
      %dma_wait3A_42 = tpu.memref_squeeze %dma_wait3A_41 : memref<1x40x128xi32, #tpu.memory_space<hbm>> -> memref<40x128xi32, #tpu.memory_space<hbm>>
      tpu.wait_dma2 semaphore(%run_scoped3A : memref<!tpu.dma_semaphore, #tpu.memory_space<semaphore_mem>>) src(%dma_wait3A_42 : memref<40x128xi32, #tpu.memory_space<hbm>>) dst(%arg8 : memref<40x128xi32, #tpu.memory_space<vmem>>)
      tpu.yield
    }) : () -> ()
    %dma_start3A = arith.constant 0 : i32
    %dma_start3A_3 = arith.constant 0 : i32
    %dma_start3A_4 = tpu.memref_slice %arg7[%dma_start3A, %dma_start3A_3] : memref<40x128xi32, #tpu.memory_space<vmem>> -> memref<1x128xi32, #tpu.memory_space<vmem>>
    %dma_start3A_5 = tpu.memref_squeeze %dma_start3A_4 : memref<1x128xi32, #tpu.memory_space<vmem>> -> memref<128xi32, #tpu.memory_space<vmem>>
    %dma_start3A_6 = arith.constant 0 : i32
    %dma_start3A_7 = arith.constant 0 : i32
    %dma_start3A_8 = tpu.memref_slice %arg2[%dma_start3A_6, %dma_start3A_7] : memref<10000x128xf32, #tpu.memory_space<hbm>> -> memref<10000x128xf32, #tpu.memory_space<hbm>>
    tpu.enqueue_indirect_dma source(%dma_start3A_8 : memref<10000x128xf32, #tpu.memory_space<hbm>>) target(%arg9 : memref<128x128xf32, #tpu.memory_space<vmem>>) offsets(%dma_start3A_5 : memref<128xi32, #tpu.memory_space<vmem>>) semaphore(%arg12 : memref<!tpu.dma_semaphore, #tpu.memory_space<semaphore_mem>>)
    %scan3A = arith.constant 0 : i32
    %scan3A_9 = arith.constant 0 : i32
    %scan3A_10 = arith.constant 20 : i32
    %scan3A_11 = arith.addi %scan3A_9, %scan3A_10 : i32
    %scan3A_12 = arith.constant 1 : i32
    scf.for %scan3A_28 = %scan3A_9 to %scan3A_11 step %scan3A_12  : i32 {
      %dma_wait3A = arith.constant 0 : i32
      %dma_wait3A_29 = arith.constant 0 : i32
      %dma_wait3A_30 = tpu.memref_slice %arg7[%dma_wait3A, %dma_wait3A_29] : memref<40x128xi32, #tpu.memory_space<vmem>> -> memref<1x128xi32, #tpu.memory_space<vmem>>
      %dma_wait3A_31 = tpu.memref_squeeze %dma_wait3A_30 : memref<1x128xi32, #tpu.memory_space<vmem>> -> memref<128xi32, #tpu.memory_space<vmem>>
      %dma_wait3A_32 = arith.constant 0 : i32
      %dma_wait3A_33 = arith.constant 0 : i32
      %dma_wait3A_34 = tpu.memref_slice %arg2[%dma_wait3A_32, %dma_wait3A_33] : memref<10000x128xf32, #tpu.memory_space<hbm>> -> memref<10000x128xf32, #tpu.memory_space<hbm>>
      tpu.wait_indirect_dma semaphore(%arg12 : memref<!tpu.dma_semaphore, #tpu.memory_space<semaphore_mem>>) src(%dma_wait3A_34 : memref<10000x128xf32, #tpu.memory_space<hbm>>) dst(%arg9 : memref<128x128xf32, #tpu.memory_space<vmem>>)
      %mul3A_35 = arith.constant 2 : i32
      %mul3A_36 = arith.muli %mul3A_35, %scan3A_28 : i32
      %add3A_37 = arith.constant 1 : i32
      %add3A_38 = arith.addi %mul3A_36, %add3A_37 : i32
      %dma_start3A_39 = arith.constant 0 : i32
      %dma_start3A_40 = tpu.memref_slice %arg7[%add3A_38, %dma_start3A_39] : memref<40x128xi32, #tpu.memory_space<vmem>> -> memref<1x128xi32, #tpu.memory_space<vmem>>
      %dma_start3A_41 = tpu.memref_squeeze %dma_start3A_40 : memref<1x128xi32, #tpu.memory_space<vmem>> -> memref<128xi32, #tpu.memory_space<vmem>>
      %dma_start3A_42 = arith.constant 0 : i32
      %dma_start3A_43 = arith.constant 0 : i32
      %dma_start3A_44 = tpu.memref_slice %arg2[%dma_start3A_42, %dma_start3A_43] : memref<10000x128xf32, #tpu.memory_space<hbm>> -> memref<10000x128xf32, #tpu.memory_space<hbm>>
      tpu.enqueue_indirect_dma source(%dma_start3A_44 : memref<10000x128xf32, #tpu.memory_space<hbm>>) target(%arg10 : memref<128x128xf32, #tpu.memory_space<vmem>>) offsets(%dma_start3A_41 : memref<128xi32, #tpu.memory_space<vmem>>) semaphore(%arg13 : memref<!tpu.dma_semaphore, #tpu.memory_space<semaphore_mem>>)
      %mul3A_45 = arith.constant 2 : i32
      %mul3A_46 = arith.muli %mul3A_45, %scan3A_28 : i32
      "tpu.region"() ({
        %run_scoped3A = tpu.sem_alloc : memref<!tpu.dma_semaphore, #tpu.memory_space<semaphore_mem>>
        %dma_start3A_64 = arith.constant 0 : i32
        %dma_start3A_65 = tpu.memref_slice %arg8[%mul3A_46, %dma_start3A_64] : memref<40x128xi32, #tpu.memory_space<vmem>> -> memref<1x128xi32, #tpu.memory_space<vmem>>
        %dma_start3A_66 = tpu.memref_squeeze %dma_start3A_65 : memref<1x128xi32, #tpu.memory_space<vmem>> -> memref<128xi32, #tpu.memory_space<vmem>>
        %dma_start3A_67 = arith.constant 0 : i32
        %dma_start3A_68 = arith.constant 0 : i32
        %dma_start3A_69 = tpu.memref_slice %arg11[%dma_start3A_67, %dma_start3A_68] : memref<10112x128xf32, #tpu.memory_space<vmem_shared>> -> memref<10112x128xf32, #tpu.memory_space<vmem_shared>>
        tpu.enqueue_indirect_dma source(%arg9 : memref<128x128xf32, #tpu.memory_space<vmem>>) target(%dma_start3A_69 : memref<10112x128xf32, #tpu.memory_space<vmem_shared>>) offsets(%dma_start3A_66 : memref<128xi32, #tpu.memory_space<vmem>>) semaphore(%run_scoped3A : memref<!tpu.dma_semaphore, #tpu.memory_space<semaphore_mem>>) {add = true}
        %dma_wait3A_70 = arith.constant 0 : i32
        %dma_wait3A_71 = tpu.memref_slice %arg8[%mul3A_46, %dma_wait3A_70] : memref<40x128xi32, #tpu.memory_space<vmem>> -> memref<1x128xi32, #tpu.memory_space<vmem>>
        %dma_wait3A_72 = tpu.memref_squeeze %dma_wait3A_71 : memref<1x128xi32, #tpu.memory_space<vmem>> -> memref<128xi32, #tpu.memory_space<vmem>>
        %dma_wait3A_73 = arith.constant 0 : i32
        %dma_wait3A_74 = arith.constant 0 : i32
        %dma_wait3A_75 = tpu.memref_slice %arg11[%dma_wait3A_73, %dma_wait3A_74] : memref<10112x128xf32, #tpu.memory_space<vmem_shared>> -> memref<10112x128xf32, #tpu.memory_space<vmem_shared>>
        tpu.wait_indirect_dma semaphore(%run_scoped3A : memref<!tpu.dma_semaphore, #tpu.memory_space<semaphore_mem>>) src(%arg9 : memref<128x128xf32, #tpu.memory_space<vmem>>) dst(%dma_wait3A_75 : memref<10112x128xf32, #tpu.memory_space<vmem_shared>>)
        tpu.yield
      }) : () -> ()
      %dma_wait3A_47 = arith.constant 0 : i32
      %dma_wait3A_48 = arith.constant 0 : i32
      %dma_wait3A_49 = tpu.memref_slice %arg7[%dma_wait3A_47, %dma_wait3A_48] : memref<40x128xi32, #tpu.memory_space<vmem>> -> memref<1x128xi32, #tpu.memory_space<vmem>>
      %dma_wait3A_50 = tpu.memref_squeeze %dma_wait3A_49 : memref<1x128xi32, #tpu.memory_space<vmem>> -> memref<128xi32, #tpu.memory_space<vmem>>
      %dma_wait3A_51 = arith.constant 0 : i32
      %dma_wait3A_52 = arith.constant 0 : i32
      %dma_wait3A_53 = tpu.memref_slice %arg2[%dma_wait3A_51, %dma_wait3A_52] : memref<10000x128xf32, #tpu.memory_space<hbm>> -> memref<10000x128xf32, #tpu.memory_space<hbm>>
      tpu.wait_indirect_dma semaphore(%arg13 : memref<!tpu.dma_semaphore, #tpu.memory_space<semaphore_mem>>) src(%dma_wait3A_53 : memref<10000x128xf32, #tpu.memory_space<hbm>>) dst(%arg10 : memref<128x128xf32, #tpu.memory_space<vmem>>)
      %mul3A_54 = arith.constant 2 : i32
      %mul3A_55 = arith.muli %mul3A_54, %scan3A_28 : i32
      %add3A_56 = arith.constant 2 : i32
      %add3A_57 = arith.addi %mul3A_55, %add3A_56 : i32
      %lt3A = arith.constant 40 : i32
      %lt3A_58 = arith.cmpi slt, %add3A_57, %lt3A : i32
      %convert_element_type3A = arith.extui %lt3A_58 : i1 to i32
      %cond3A = arith.constant 0 : i32
      %cond3A_59 = arith.cmpi ne, %convert_element_type3A, %cond3A : i32
      scf.if %cond3A_59 {
        %mul3A_64 = arith.constant 2 : i32
        %mul3A_65 = arith.muli %mul3A_64, %scan3A_28 : i32
        %add3A_66 = arith.constant 2 : i32
        %add3A_67 = arith.addi %mul3A_65, %add3A_66 : i32
        %dma_start3A_68 = arith.constant 0 : i32
        %dma_start3A_69 = tpu.memref_slice %arg7[%add3A_67, %dma_start3A_68] : memref<40x128xi32, #tpu.memory_space<vmem>> -> memref<1x128xi32, #tpu.memory_space<vmem>>
        %dma_start3A_70 = tpu.memref_squeeze %dma_start3A_69 : memref<1x128xi32, #tpu.memory_space<vmem>> -> memref<128xi32, #tpu.memory_space<vmem>>
        %dma_start3A_71 = arith.constant 0 : i32
        %dma_start3A_72 = arith.constant 0 : i32
        %dma_start3A_73 = tpu.memref_slice %arg2[%dma_start3A_71, %dma_start3A_72] : memref<10000x128xf32, #tpu.memory_space<hbm>> -> memref<10000x128xf32, #tpu.memory_space<hbm>>
        tpu.enqueue_indirect_dma source(%dma_start3A_73 : memref<10000x128xf32, #tpu.memory_space<hbm>>) target(%arg9 : memref<128x128xf32, #tpu.memory_space<vmem>>) offsets(%dma_start3A_70 : memref<128xi32, #tpu.memory_space<vmem>>) semaphore(%arg12 : memref<!tpu.dma_semaphore, #tpu.memory_space<semaphore_mem>>)
      } else {
      }
      %mul3A_60 = arith.constant 2 : i32
      %mul3A_61 = arith.muli %mul3A_60, %scan3A_28 : i32
      %add3A_62 = arith.constant 1 : i32
      %add3A_63 = arith.addi %mul3A_61, %add3A_62 : i32
      "tpu.region"() ({
        %run_scoped3A = tpu.sem_alloc : memref<!tpu.dma_semaphore, #tpu.memory_space<semaphore_mem>>
        %dma_start3A_64 = arith.constant 0 : i32
        %dma_start3A_65 = tpu.memref_slice %arg8[%add3A_63, %dma_start3A_64] : memref<40x128xi32, #tpu.memory_space<vmem>> -> memref<1x128xi32, #tpu.memory_space<vmem>>
        %dma_start3A_66 = tpu.memref_squeeze %dma_start3A_65 : memref<1x128xi32, #tpu.memory_space<vmem>> -> memref<128xi32, #tpu.memory_space<vmem>>
        %dma_start3A_67 = arith.constant 0 : i32
        %dma_start3A_68 = arith.constant 0 : i32
        %dma_start3A_69 = tpu.memref_slice %arg11[%dma_start3A_67, %dma_start3A_68] : memref<10112x128xf32, #tpu.memory_space<vmem_shared>> -> memref<10112x128xf32, #tpu.memory_space<vmem_shared>>
        tpu.enqueue_indirect_dma source(%arg10 : memref<128x128xf32, #tpu.memory_space<vmem>>) target(%dma_start3A_69 : memref<10112x128xf32, #tpu.memory_space<vmem_shared>>) offsets(%dma_start3A_66 : memref<128xi32, #tpu.memory_space<vmem>>) semaphore(%run_scoped3A : memref<!tpu.dma_semaphore, #tpu.memory_space<semaphore_mem>>) {add = true}
        %dma_wait3A_70 = arith.constant 0 : i32
        %dma_wait3A_71 = tpu.memref_slice %arg8[%add3A_63, %dma_wait3A_70] : memref<40x128xi32, #tpu.memory_space<vmem>> -> memref<1x128xi32, #tpu.memory_space<vmem>>
        %dma_wait3A_72 = tpu.memref_squeeze %dma_wait3A_71 : memref<1x128xi32, #tpu.memory_space<vmem>> -> memref<128xi32, #tpu.memory_space<vmem>>
        %dma_wait3A_73 = arith.constant 0 : i32
        %dma_wait3A_74 = arith.constant 0 : i32
        %dma_wait3A_75 = tpu.memref_slice %arg11[%dma_wait3A_73, %dma_wait3A_74] : memref<10112x128xf32, #tpu.memory_space<vmem_shared>> -> memref<10112x128xf32, #tpu.memory_space<vmem_shared>>
        tpu.wait_indirect_dma semaphore(%run_scoped3A : memref<!tpu.dma_semaphore, #tpu.memory_space<semaphore_mem>>) src(%arg10 : memref<128x128xf32, #tpu.memory_space<vmem>>) dst(%dma_wait3A_75 : memref<10112x128xf32, #tpu.memory_space<vmem_shared>>)
        tpu.yield
      }) : () -> ()
    }
    %scan3A_13 = arith.constant 20 : i32
    "tpu.region"() ({
      %run_scoped3A = tpu.sem_alloc : memref<!tpu.dma_semaphore, #tpu.memory_space<semaphore_mem>>
      %dma_start3A_28 = arith.constant 40 : i32
      %dma_start3A_29 = arith.constant 0 : i32
      %dma_start3A_30 = tpu.memref_slice %arg3[%add3A, %dma_start3A_28, %dma_start3A_29] : memref<32x80x128xi32, #tpu.memory_space<hbm>> -> memref<1x40x128xi32, #tpu.memory_space<hbm>>
      %dma_start3A_31 = tpu.memref_squeeze %dma_start3A_30 : memref<1x40x128xi32, #tpu.memory_space<hbm>> -> memref<40x128xi32, #tpu.memory_space<hbm>>
      %dma_start3A_32 = arith.constant 40 : i32
      %dma_start3A_33 = arith.constant 0 : i32
      %dma_start3A_34 = tpu.memref_slice %arg3[%add3A, %dma_start3A_32, %dma_start3A_33] : memref<32x80x128xi32, #tpu.memory_space<hbm>> -> memref<1x40x128xi32, #tpu.memory_space<hbm>>
      %dma_start3A_35 = tpu.memref_squeeze %dma_start3A_34 : memref<1x40x128xi32, #tpu.memory_space<hbm>> -> memref<40x128xi32, #tpu.memory_space<hbm>>
      tpu.enqueue_dma source(%dma_start3A_35 : memref<40x128xi32, #tpu.memory_space<hbm>>) target(%arg7 : memref<40x128xi32, #tpu.memory_space<vmem>>) target_semaphore(%run_scoped3A : memref<!tpu.dma_semaphore, #tpu.memory_space<semaphore_mem>>)
      %dma_wait3A = arith.constant 40 : i32
      %dma_wait3A_36 = arith.constant 0 : i32
      %dma_wait3A_37 = tpu.memref_slice %arg3[%add3A, %dma_wait3A, %dma_wait3A_36] : memref<32x80x128xi32, #tpu.memory_space<hbm>> -> memref<1x40x128xi32, #tpu.memory_space<hbm>>
      %dma_wait3A_38 = tpu.memref_squeeze %dma_wait3A_37 : memref<1x40x128xi32, #tpu.memory_space<hbm>> -> memref<40x128xi32, #tpu.memory_space<hbm>>
      %dma_wait3A_39 = arith.constant 40 : i32
      %dma_wait3A_40 = arith.constant 0 : i32
      %dma_wait3A_41 = tpu.memref_slice %arg3[%add3A, %dma_wait3A_39, %dma_wait3A_40] : memref<32x80x128xi32, #tpu.memory_space<hbm>> -> memref<1x40x128xi32, #tpu.memory_space<hbm>>
      %dma_wait3A_42 = tpu.memref_squeeze %dma_wait3A_41 : memref<1x40x128xi32, #tpu.memory_space<hbm>> -> memref<40x128xi32, #tpu.memory_space<hbm>>
      tpu.wait_dma2 semaphore(%run_scoped3A : memref<!tpu.dma_semaphore, #tpu.memory_space<semaphore_mem>>) src(%dma_wait3A_42 : memref<40x128xi32, #tpu.memory_space<hbm>>) dst(%arg7 : memref<40x128xi32, #tpu.memory_space<vmem>>)
      tpu.yield
    }) : () -> ()
    "tpu.region"() ({
      %run_scoped3A = tpu.sem_alloc : memref<!tpu.dma_semaphore, #tpu.memory_space<semaphore_mem>>
      %dma_start3A_28 = arith.constant 40 : i32
      %dma_start3A_29 = arith.constant 0 : i32
      %dma_start3A_30 = tpu.memref_slice %arg4[%add3A, %dma_start3A_28, %dma_start3A_29] : memref<32x80x128xi32, #tpu.memory_space<hbm>> -> memref<1x40x128xi32, #tpu.memory_space<hbm>>
      %dma_start3A_31 = tpu.memref_squeeze %dma_start3A_30 : memref<1x40x128xi32, #tpu.memory_space<hbm>> -> memref<40x128xi32, #tpu.memory_space<hbm>>
      %dma_start3A_32 = arith.constant 40 : i32
      %dma_start3A_33 = arith.constant 0 : i32
      %dma_start3A_34 = tpu.memref_slice %arg4[%add3A, %dma_start3A_32, %dma_start3A_33] : memref<32x80x128xi32, #tpu.memory_space<hbm>> -> memref<1x40x128xi32, #tpu.memory_space<hbm>>
      %dma_start3A_35 = tpu.memref_squeeze %dma_start3A_34 : memref<1x40x128xi32, #tpu.memory_space<hbm>> -> memref<40x128xi32, #tpu.memory_space<hbm>>
      tpu.enqueue_dma source(%dma_start3A_35 : memref<40x128xi32, #tpu.memory_space<hbm>>) target(%arg8 : memref<40x128xi32, #tpu.memory_space<vmem>>) target_semaphore(%run_scoped3A : memref<!tpu.dma_semaphore, #tpu.memory_space<semaphore_mem>>)
      %dma_wait3A = arith.constant 40 : i32
      %dma_wait3A_36 = arith.constant 0 : i32
      %dma_wait3A_37 = tpu.memref_slice %arg4[%add3A, %dma_wait3A, %dma_wait3A_36] : memref<32x80x128xi32, #tpu.memory_space<hbm>> -> memref<1x40x128xi32, #tpu.memory_space<hbm>>
      %dma_wait3A_38 = tpu.memref_squeeze %dma_wait3A_37 : memref<1x40x128xi32, #tpu.memory_space<hbm>> -> memref<40x128xi32, #tpu.memory_space<hbm>>
      %dma_wait3A_39 = arith.constant 40 : i32
      %dma_wait3A_40 = arith.constant 0 : i32
      %dma_wait3A_41 = tpu.memref_slice %arg4[%add3A, %dma_wait3A_39, %dma_wait3A_40] : memref<32x80x128xi32, #tpu.memory_space<hbm>> -> memref<1x40x128xi32, #tpu.memory_space<hbm>>
      %dma_wait3A_42 = tpu.memref_squeeze %dma_wait3A_41 : memref<1x40x128xi32, #tpu.memory_space<hbm>> -> memref<40x128xi32, #tpu.memory_space<hbm>>
      tpu.wait_dma2 semaphore(%run_scoped3A : memref<!tpu.dma_semaphore, #tpu.memory_space<semaphore_mem>>) src(%dma_wait3A_42 : memref<40x128xi32, #tpu.memory_space<hbm>>) dst(%arg8 : memref<40x128xi32, #tpu.memory_space<vmem>>)
      tpu.yield
    }) : () -> ()
    %dma_start3A_14 = arith.constant 0 : i32
    %dma_start3A_15 = arith.constant 0 : i32
    %dma_start3A_16 = tpu.memref_slice %arg7[%dma_start3A_14, %dma_start3A_15] : memref<40x128xi32, #tpu.memory_space<vmem>> -> memref<1x128xi32, #tpu.memory_space<vmem>>
    %dma_start3A_17 = tpu.memref_squeeze %dma_start3A_16 : memref<1x128xi32, #tpu.memory_space<vmem>> -> memref<128xi32, #tpu.memory_space<vmem>>
    %dma_start3A_18 = arith.constant 0 : i32
    %dma_start3A_19 = arith.constant 0 : i32
    %dma_start3A_20 = tpu.memref_slice %arg2[%dma_start3A_18, %dma_start3A_19] : memref<10000x128xf32, #tpu.memory_space<hbm>> -> memref<10000x128xf32, #tpu.memory_space<hbm>>
    tpu.enqueue_indirect_dma source(%dma_start3A_20 : memref<10000x128xf32, #tpu.memory_space<hbm>>) target(%arg9 : memref<128x128xf32, #tpu.memory_space<vmem>>) offsets(%dma_start3A_17 : memref<128xi32, #tpu.memory_space<vmem>>) semaphore(%arg12 : memref<!tpu.dma_semaphore, #tpu.memory_space<semaphore_mem>>)
    %scan3A_21 = arith.constant 0 : i32
    %scan3A_22 = arith.constant 0 : i32
    %scan3A_23 = arith.constant 20 : i32
    %scan3A_24 = arith.addi %scan3A_22, %scan3A_23 : i32
    %scan3A_25 = arith.constant 1 : i32
    scf.for %scan3A_28 = %scan3A_22 to %scan3A_24 step %scan3A_25  : i32 {
      %dma_wait3A = arith.constant 0 : i32
      %dma_wait3A_29 = arith.constant 0 : i32
      %dma_wait3A_30 = tpu.memref_slice %arg7[%dma_wait3A, %dma_wait3A_29] : memref<40x128xi32, #tpu.memory_space<vmem>> -> memref<1x128xi32, #tpu.memory_space<vmem>>
      %dma_wait3A_31 = tpu.memref_squeeze %dma_wait3A_30 : memref<1x128xi32, #tpu.memory_space<vmem>> -> memref<128xi32, #tpu.memory_space<vmem>>
      %dma_wait3A_32 = arith.constant 0 : i32
      %dma_wait3A_33 = arith.constant 0 : i32
      %dma_wait3A_34 = tpu.memref_slice %arg2[%dma_wait3A_32, %dma_wait3A_33] : memref<10000x128xf32, #tpu.memory_space<hbm>> -> memref<10000x128xf32, #tpu.memory_space<hbm>>
      tpu.wait_indirect_dma semaphore(%arg12 : memref<!tpu.dma_semaphore, #tpu.memory_space<semaphore_mem>>) src(%dma_wait3A_34 : memref<10000x128xf32, #tpu.memory_space<hbm>>) dst(%arg9 : memref<128x128xf32, #tpu.memory_space<vmem>>)
      %mul3A_35 = arith.constant 2 : i32
      %mul3A_36 = arith.muli %mul3A_35, %scan3A_28 : i32
      %add3A_37 = arith.constant 1 : i32
      %add3A_38 = arith.addi %mul3A_36, %add3A_37 : i32
      %dma_start3A_39 = arith.constant 0 : i32
      %dma_start3A_40 = tpu.memref_slice %arg7[%add3A_38, %dma_start3A_39] : memref<40x128xi32, #tpu.memory_space<vmem>> -> memref<1x128xi32, #tpu.memory_space<vmem>>
      %dma_start3A_41 = tpu.memref_squeeze %dma_start3A_40 : memref<1x128xi32, #tpu.memory_space<vmem>> -> memref<128xi32, #tpu.memory_space<vmem>>
      %dma_start3A_42 = arith.constant 0 : i32
      %dma_start3A_43 = arith.constant 0 : i32
      %dma_start3A_44 = tpu.memref_slice %arg2[%dma_start3A_42, %dma_start3A_43] : memref<10000x128xf32, #tpu.memory_space<hbm>> -> memref<10000x128xf32, #tpu.memory_space<hbm>>
      tpu.enqueue_indirect_dma source(%dma_start3A_44 : memref<10000x128xf32, #tpu.memory_space<hbm>>) target(%arg10 : memref<128x128xf32, #tpu.memory_space<vmem>>) offsets(%dma_start3A_41 : memref<128xi32, #tpu.memory_space<vmem>>) semaphore(%arg13 : memref<!tpu.dma_semaphore, #tpu.memory_space<semaphore_mem>>)
      %mul3A_45 = arith.constant 2 : i32
      %mul3A_46 = arith.muli %mul3A_45, %scan3A_28 : i32
      "tpu.region"() ({
        %run_scoped3A = tpu.sem_alloc : memref<!tpu.dma_semaphore, #tpu.memory_space<semaphore_mem>>
        %dma_start3A_64 = arith.constant 0 : i32
        %dma_start3A_65 = tpu.memref_slice %arg8[%mul3A_46, %dma_start3A_64] : memref<40x128xi32, #tpu.memory_space<vmem>> -> memref<1x128xi32, #tpu.memory_space<vmem>>
        %dma_start3A_66 = tpu.memref_squeeze %dma_start3A_65 : memref<1x128xi32, #tpu.memory_space<vmem>> -> memref<128xi32, #tpu.memory_space<vmem>>
        %dma_start3A_67 = arith.constant 0 : i32
        %dma_start3A_68 = arith.constant 0 : i32
        %dma_start3A_69 = tpu.memref_slice %arg11[%dma_start3A_67, %dma_start3A_68] : memref<10112x128xf32, #tpu.memory_space<vmem_shared>> -> memref<10112x128xf32, #tpu.memory_space<vmem_shared>>
        tpu.enqueue_indirect_dma source(%arg9 : memref<128x128xf32, #tpu.memory_space<vmem>>) target(%dma_start3A_69 : memref<10112x128xf32, #tpu.memory_space<vmem_shared>>) offsets(%dma_start3A_66 : memref<128xi32, #tpu.memory_space<vmem>>) semaphore(%run_scoped3A : memref<!tpu.dma_semaphore, #tpu.memory_space<semaphore_mem>>) {add = true}
        %dma_wait3A_70 = arith.constant 0 : i32
        %dma_wait3A_71 = tpu.memref_slice %arg8[%mul3A_46, %dma_wait3A_70] : memref<40x128xi32, #tpu.memory_space<vmem>> -> memref<1x128xi32, #tpu.memory_space<vmem>>
        %dma_wait3A_72 = tpu.memref_squeeze %dma_wait3A_71 : memref<1x128xi32, #tpu.memory_space<vmem>> -> memref<128xi32, #tpu.memory_space<vmem>>
        %dma_wait3A_73 = arith.constant 0 : i32
        %dma_wait3A_74 = arith.constant 0 : i32
        %dma_wait3A_75 = tpu.memref_slice %arg11[%dma_wait3A_73, %dma_wait3A_74] : memref<10112x128xf32, #tpu.memory_space<vmem_shared>> -> memref<10112x128xf32, #tpu.memory_space<vmem_shared>>
        tpu.wait_indirect_dma semaphore(%run_scoped3A : memref<!tpu.dma_semaphore, #tpu.memory_space<semaphore_mem>>) src(%arg9 : memref<128x128xf32, #tpu.memory_space<vmem>>) dst(%dma_wait3A_75 : memref<10112x128xf32, #tpu.memory_space<vmem_shared>>)
        tpu.yield
      }) : () -> ()
      %dma_wait3A_47 = arith.constant 0 : i32
      %dma_wait3A_48 = arith.constant 0 : i32
      %dma_wait3A_49 = tpu.memref_slice %arg7[%dma_wait3A_47, %dma_wait3A_48] : memref<40x128xi32, #tpu.memory_space<vmem>> -> memref<1x128xi32, #tpu.memory_space<vmem>>
      %dma_wait3A_50 = tpu.memref_squeeze %dma_wait3A_49 : memref<1x128xi32, #tpu.memory_space<vmem>> -> memref<128xi32, #tpu.memory_space<vmem>>
      %dma_wait3A_51 = arith.constant 0 : i32
      %dma_wait3A_52 = arith.constant 0 : i32
      %dma_wait3A_53 = tpu.memref_slice %arg2[%dma_wait3A_51, %dma_wait3A_52] : memref<10000x128xf32, #tpu.memory_space<hbm>> -> memref<10000x128xf32, #tpu.memory_space<hbm>>
      tpu.wait_indirect_dma semaphore(%arg13 : memref<!tpu.dma_semaphore, #tpu.memory_space<semaphore_mem>>) src(%dma_wait3A_53 : memref<10000x128xf32, #tpu.memory_space<hbm>>) dst(%arg10 : memref<128x128xf32, #tpu.memory_space<vmem>>)
      %mul3A_54 = arith.constant 2 : i32
      %mul3A_55 = arith.muli %mul3A_54, %scan3A_28 : i32
      %add3A_56 = arith.constant 2 : i32
      %add3A_57 = arith.addi %mul3A_55, %add3A_56 : i32
      %lt3A = arith.constant 40 : i32
      %lt3A_58 = arith.cmpi slt, %add3A_57, %lt3A : i32
      %convert_element_type3A = arith.extui %lt3A_58 : i1 to i32
      %cond3A = arith.constant 0 : i32
      %cond3A_59 = arith.cmpi ne, %convert_element_type3A, %cond3A : i32
      scf.if %cond3A_59 {
        %mul3A_64 = arith.constant 2 : i32
        %mul3A_65 = arith.muli %mul3A_64, %scan3A_28 : i32
        %add3A_66 = arith.constant 2 : i32
        %add3A_67 = arith.addi %mul3A_65, %add3A_66 : i32
        %dma_start3A_68 = arith.constant 0 : i32
        %dma_start3A_69 = tpu.memref_slice %arg7[%add3A_67, %dma_start3A_68] : memref<40x128xi32, #tpu.memory_space<vmem>> -> memref<1x128xi32, #tpu.memory_space<vmem>>
        %dma_start3A_70 = tpu.memref_squeeze %dma_start3A_69 : memref<1x128xi32, #tpu.memory_space<vmem>> -> memref<128xi32, #tpu.memory_space<vmem>>
        %dma_start3A_71 = arith.constant 0 : i32
        %dma_start3A_72 = arith.constant 0 : i32
        %dma_start3A_73 = tpu.memref_slice %arg2[%dma_start3A_71, %dma_start3A_72] : memref<10000x128xf32, #tpu.memory_space<hbm>> -> memref<10000x128xf32, #tpu.memory_space<hbm>>
        tpu.enqueue_indirect_dma source(%dma_start3A_73 : memref<10000x128xf32, #tpu.memory_space<hbm>>) target(%arg9 : memref<128x128xf32, #tpu.memory_space<vmem>>) offsets(%dma_start3A_70 : memref<128xi32, #tpu.memory_space<vmem>>) semaphore(%arg12 : memref<!tpu.dma_semaphore, #tpu.memory_space<semaphore_mem>>)
      } else {
      }
      %mul3A_60 = arith.constant 2 : i32
      %mul3A_61 = arith.muli %mul3A_60, %scan3A_28 : i32
      %add3A_62 = arith.constant 1 : i32
      %add3A_63 = arith.addi %mul3A_61, %add3A_62 : i32
      "tpu.region"() ({
        %run_scoped3A = tpu.sem_alloc : memref<!tpu.dma_semaphore, #tpu.memory_space<semaphore_mem>>
        %dma_start3A_64 = arith.constant 0 : i32
        %dma_start3A_65 = tpu.memref_slice %arg8[%add3A_63, %dma_start3A_64] : memref<40x128xi32, #tpu.memory_space<vmem>> -> memref<1x128xi32, #tpu.memory_space<vmem>>
        %dma_start3A_66 = tpu.memref_squeeze %dma_start3A_65 : memref<1x128xi32, #tpu.memory_space<vmem>> -> memref<128xi32, #tpu.memory_space<vmem>>
        %dma_start3A_67 = arith.constant 0 : i32
        %dma_start3A_68 = arith.constant 0 : i32
        %dma_start3A_69 = tpu.memref_slice %arg11[%dma_start3A_67, %dma_start3A_68] : memref<10112x128xf32, #tpu.memory_space<vmem_shared>> -> memref<10112x128xf32, #tpu.memory_space<vmem_shared>>
        tpu.enqueue_indirect_dma source(%arg10 : memref<128x128xf32, #tpu.memory_space<vmem>>) target(%dma_start3A_69 : memref<10112x128xf32, #tpu.memory_space<vmem_shared>>) offsets(%dma_start3A_66 : memref<128xi32, #tpu.memory_space<vmem>>) semaphore(%run_scoped3A : memref<!tpu.dma_semaphore, #tpu.memory_space<semaphore_mem>>) {add = true}
        %dma_wait3A_70 = arith.constant 0 : i32
        %dma_wait3A_71 = tpu.memref_slice %arg8[%add3A_63, %dma_wait3A_70] : memref<40x128xi32, #tpu.memory_space<vmem>> -> memref<1x128xi32, #tpu.memory_space<vmem>>
        %dma_wait3A_72 = tpu.memref_squeeze %dma_wait3A_71 : memref<1x128xi32, #tpu.memory_space<vmem>> -> memref<128xi32, #tpu.memory_space<vmem>>
        %dma_wait3A_73 = arith.constant 0 : i32
        %dma_wait3A_74 = arith.constant 0 : i32
        %dma_wait3A_75 = tpu.memref_slice %arg11[%dma_wait3A_73, %dma_wait3A_74] : memref<10112x128xf32, #tpu.memory_space<vmem_shared>> -> memref<10112x128xf32, #tpu.memory_space<vmem_shared>>
        tpu.wait_indirect_dma semaphore(%run_scoped3A : memref<!tpu.dma_semaphore, #tpu.memory_space<semaphore_mem>>) src(%arg10 : memref<128x128xf32, #tpu.memory_space<vmem>>) dst(%dma_wait3A_75 : memref<10112x128xf32, #tpu.memory_space<vmem_shared>>)
        tpu.yield
      }) : () -> ()
    }
    %scan3A_26 = arith.constant 20 : i32
    %barrier3A_27 = arith.constant 0 : index
    tpu.barrier barrier_id(%barrier3A_27)
    "tpu.region"() ({
      %run_scoped3A = tpu.sem_alloc : memref<!tpu.dma_semaphore, #tpu.memory_space<semaphore_mem>>
      %dma_start3A_28 = arith.constant 0 : i32
      %dma_start3A_29 = tpu.memref_slice %arg6[%arg0, %mul3A_2, %dma_start3A_28] : memref<2x10112x128xf32, #tpu.memory_space<hbm>> -> memref<1x632x128xf32, #tpu.memory_space<hbm>>
      %dma_start3A_30 = tpu.memref_squeeze %dma_start3A_29 : memref<1x632x128xf32, #tpu.memory_space<hbm>> -> memref<632x128xf32, #tpu.memory_space<hbm>>
      %dma_start3A_31 = arith.constant 0 : i32
      %dma_start3A_32 = tpu.memref_slice %arg11[%mul3A_2, %dma_start3A_31] : memref<10112x128xf32, #tpu.memory_space<vmem_shared>> -> memref<632x128xf32, #tpu.memory_space<vmem_shared>>
      tpu.enqueue_dma source(%dma_start3A_32 : memref<632x128xf32, #tpu.memory_space<vmem_shared>>) target(%dma_start3A_30 : memref<632x128xf32, #tpu.memory_space<hbm>>) target_semaphore(%run_scoped3A : memref<!tpu.dma_semaphore, #tpu.memory_space<semaphore_mem>>)
      %dma_wait3A = arith.constant 0 : i32
      %dma_wait3A_33 = tpu.memref_slice %arg6[%arg0, %mul3A_2, %dma_wait3A] : memref<2x10112x128xf32, #tpu.memory_space<hbm>> -> memref<1x632x128xf32, #tpu.memory_space<hbm>>
      %dma_wait3A_34 = tpu.memref_squeeze %dma_wait3A_33 : memref<1x632x128xf32, #tpu.memory_space<hbm>> -> memref<632x128xf32, #tpu.memory_space<hbm>>
      %dma_wait3A_35 = arith.constant 0 : i32
      %dma_wait3A_36 = tpu.memref_slice %arg11[%mul3A_2, %dma_wait3A_35] : memref<10112x128xf32, #tpu.memory_space<vmem_shared>> -> memref<632x128xf32, #tpu.memory_space<vmem_shared>>
      tpu.wait_dma2 semaphore(%run_scoped3A : memref<!tpu.dma_semaphore, #tpu.memory_space<semaphore_mem>>) src(%dma_wait3A_36 : memref<632x128xf32, #tpu.memory_space<vmem_shared>>) dst(%dma_wait3A_34 : memref<632x128xf32, #tpu.memory_space<hbm>>)
      tpu.yield
    }) : () -> ()
    return
  }
}

#map = affine_map<(d0, d1) -> (0, 0)>
#map1 = affine_map<(d0, d1) -> (0, 0, 0)>
module attributes {stable_mosaic.version = 14 : i64} {
  func.func @_sc_scatter_body(%arg0: i32, %arg1: i32, %arg2: memref<10000x128xf32, #tpu.memory_space<hbm>>, %arg3: memref<32x80x128xi32, #tpu.memory_space<hbm>>, %arg4: memref<32x80x128xi32, #tpu.memory_space<hbm>>, %arg5: memref<10112x128xf32, #tpu.memory_space<hbm>>, %arg6: memref<2x10112x128xf32, #tpu.memory_space<hbm>>, %arg7: memref<40x128xi32, #tpu.memory_space<vmem>>, %arg8: memref<40x128xi32, #tpu.memory_space<vmem>>, %arg9: memref<128x128xf32, #tpu.memory_space<vmem>>, %arg10: memref<128x128xf32, #tpu.memory_space<vmem>>, %arg11: memref<10112x128xf32, #tpu.memory_space<vmem_shared>>, %arg12: memref<!tpu.dma_semaphore, #tpu.memory_space<semaphore_mem>>, %arg13: memref<!tpu.dma_semaphore, #tpu.memory_space<semaphore_mem>>) attributes {dimension_semantics = [#tpu.dimension_semantics<core_parallel>, #tpu.dimension_semantics<subcore_parallel>], iteration_bounds = array<i64: 2, 16>, scalar_prefetch = 0 : i64, scratch_operands = 7 : i64, tpu.core_type = #tpu.core_type<sc_vector_subcore>, window_params = [{transform_indices = #map}, {transform_indices = #map1}, {transform_indices = #map1}, {transform_indices = #map}, {transform_indices = #map1}]} {
    %mul3A = arith.constant 16 : i32
    %mul3A_0 = arith.muli %arg0, %mul3A : i32
    %add3A = arith.addi %mul3A_0, %arg1 : i32
    %mul3A_1 = arith.constant 632 : i32
    %mul3A_2 = arith.muli %arg1, %mul3A_1 : i32
    "tpu.region"() ({
      %run_scoped3A = tpu.sem_alloc : memref<!tpu.dma_semaphore, #tpu.memory_space<semaphore_mem>>
      %dma_start3A_28 = arith.constant 0 : i32
      %dma_start3A_29 = tpu.memref_slice %arg11[%mul3A_2, %dma_start3A_28] : memref<10112x128xf32, #tpu.memory_space<vmem_shared>> -> memref<632x128xf32, #tpu.memory_space<vmem_shared>>
      %dma_start3A_30 = arith.constant 0 : i32
      %dma_start3A_31 = tpu.memref_slice %arg5[%mul3A_2, %dma_start3A_30] : memref<10112x128xf32, #tpu.memory_space<hbm>> -> memref<632x128xf32, #tpu.memory_space<hbm>>
      tpu.enqueue_dma source(%dma_start3A_31 : memref<632x128xf32, #tpu.memory_space<hbm>>) target(%dma_start3A_29 : memref<632x128xf32, #tpu.memory_space<vmem_shared>>) target_semaphore(%run_scoped3A : memref<!tpu.dma_semaphore, #tpu.memory_space<semaphore_mem>>)
      %dma_wait3A = arith.constant 0 : i32
      %dma_wait3A_32 = tpu.memref_slice %arg11[%mul3A_2, %dma_wait3A] : memref<10112x128xf32, #tpu.memory_space<vmem_shared>> -> memref<632x128xf32, #tpu.memory_space<vmem_shared>>
      %dma_wait3A_33 = arith.constant 0 : i32
      %dma_wait3A_34 = tpu.memref_slice %arg5[%mul3A_2, %dma_wait3A_33] : memref<10112x128xf32, #tpu.memory_space<hbm>> -> memref<632x128xf32, #tpu.memory_space<hbm>>
      tpu.wait_dma2 semaphore(%run_scoped3A : memref<!tpu.dma_semaphore, #tpu.memory_space<semaphore_mem>>) src(%dma_wait3A_34 : memref<632x128xf32, #tpu.memory_space<hbm>>) dst(%dma_wait3A_32 : memref<632x128xf32, #tpu.memory_space<vmem_shared>>)
      tpu.yield
    }) : () -> ()
    %barrier3A = arith.constant 0 : index
    tpu.barrier barrier_id(%barrier3A)
    "tpu.region"() ({
      %run_scoped3A = tpu.sem_alloc : memref<!tpu.dma_semaphore, #tpu.memory_space<semaphore_mem>>
      %dma_start3A_28 = arith.constant 0 : i32
      %dma_start3A_29 = arith.constant 0 : i32
      %dma_start3A_30 = tpu.memref_slice %arg3[%add3A, %dma_start3A_28, %dma_start3A_29] : memref<32x80x128xi32, #tpu.memory_space<hbm>> -> memref<1x40x128xi32, #tpu.memory_space<hbm>>
      %dma_start3A_31 = tpu.memref_squeeze %dma_start3A_30 : memref<1x40x128xi32, #tpu.memory_space<hbm>> -> memref<40x128xi32, #tpu.memory_space<hbm>>
      %dma_start3A_32 = arith.constant 0 : i32
      %dma_start3A_33 = arith.constant 0 : i32
      %dma_start3A_34 = tpu.memref_slice %arg3[%add3A, %dma_start3A_32, %dma_start3A_33] : memref<32x80x128xi32, #tpu.memory_space<hbm>> -> memref<1x40x128xi32, #tpu.memory_space<hbm>>
      %dma_start3A_35 = tpu.memref_squeeze %dma_start3A_34 : memref<1x40x128xi32, #tpu.memory_space<hbm>> -> memref<40x128xi32, #tpu.memory_space<hbm>>
      tpu.enqueue_dma source(%dma_start3A_35 : memref<40x128xi32, #tpu.memory_space<hbm>>) target(%arg7 : memref<40x128xi32, #tpu.memory_space<vmem>>) target_semaphore(%run_scoped3A : memref<!tpu.dma_semaphore, #tpu.memory_space<semaphore_mem>>)
      %dma_wait3A = arith.constant 0 : i32
      %dma_wait3A_36 = arith.constant 0 : i32
      %dma_wait3A_37 = tpu.memref_slice %arg3[%add3A, %dma_wait3A, %dma_wait3A_36] : memref<32x80x128xi32, #tpu.memory_space<hbm>> -> memref<1x40x128xi32, #tpu.memory_space<hbm>>
      %dma_wait3A_38 = tpu.memref_squeeze %dma_wait3A_37 : memref<1x40x128xi32, #tpu.memory_space<hbm>> -> memref<40x128xi32, #tpu.memory_space<hbm>>
      %dma_wait3A_39 = arith.constant 0 : i32
      %dma_wait3A_40 = arith.constant 0 : i32
      %dma_wait3A_41 = tpu.memref_slice %arg3[%add3A, %dma_wait3A_39, %dma_wait3A_40] : memref<32x80x128xi32, #tpu.memory_space<hbm>> -> memref<1x40x128xi32, #tpu.memory_space<hbm>>
      %dma_wait3A_42 = tpu.memref_squeeze %dma_wait3A_41 : memref<1x40x128xi32, #tpu.memory_space<hbm>> -> memref<40x128xi32, #tpu.memory_space<hbm>>
      tpu.wait_dma2 semaphore(%run_scoped3A : memref<!tpu.dma_semaphore, #tpu.memory_space<semaphore_mem>>) src(%dma_wait3A_42 : memref<40x128xi32, #tpu.memory_space<hbm>>) dst(%arg7 : memref<40x128xi32, #tpu.memory_space<vmem>>)
      tpu.yield
    }) : () -> ()
    "tpu.region"() ({
      %run_scoped3A = tpu.sem_alloc : memref<!tpu.dma_semaphore, #tpu.memory_space<semaphore_mem>>
      %dma_start3A_28 = arith.constant 0 : i32
      %dma_start3A_29 = arith.constant 0 : i32
      %dma_start3A_30 = tpu.memref_slice %arg4[%add3A, %dma_start3A_28, %dma_start3A_29] : memref<32x80x128xi32, #tpu.memory_space<hbm>> -> memref<1x40x128xi32, #tpu.memory_space<hbm>>
      %dma_start3A_31 = tpu.memref_squeeze %dma_start3A_30 : memref<1x40x128xi32, #tpu.memory_space<hbm>> -> memref<40x128xi32, #tpu.memory_space<hbm>>
      %dma_start3A_32 = arith.constant 0 : i32
      %dma_start3A_33 = arith.constant 0 : i32
      %dma_start3A_34 = tpu.memref_slice %arg4[%add3A, %dma_start3A_32, %dma_start3A_33] : memref<32x80x128xi32, #tpu.memory_space<hbm>> -> memref<1x40x128xi32, #tpu.memory_space<hbm>>
      %dma_start3A_35 = tpu.memref_squeeze %dma_start3A_34 : memref<1x40x128xi32, #tpu.memory_space<hbm>> -> memref<40x128xi32, #tpu.memory_space<hbm>>
      tpu.enqueue_dma source(%dma_start3A_35 : memref<40x128xi32, #tpu.memory_space<hbm>>) target(%arg8 : memref<40x128xi32, #tpu.memory_space<vmem>>) target_semaphore(%run_scoped3A : memref<!tpu.dma_semaphore, #tpu.memory_space<semaphore_mem>>)
      %dma_wait3A = arith.constant 0 : i32
      %dma_wait3A_36 = arith.constant 0 : i32
      %dma_wait3A_37 = tpu.memref_slice %arg4[%add3A, %dma_wait3A, %dma_wait3A_36] : memref<32x80x128xi32, #tpu.memory_space<hbm>> -> memref<1x40x128xi32, #tpu.memory_space<hbm>>
      %dma_wait3A_38 = tpu.memref_squeeze %dma_wait3A_37 : memref<1x40x128xi32, #tpu.memory_space<hbm>> -> memref<40x128xi32, #tpu.memory_space<hbm>>
      %dma_wait3A_39 = arith.constant 0 : i32
      %dma_wait3A_40 = arith.constant 0 : i32
      %dma_wait3A_41 = tpu.memref_slice %arg4[%add3A, %dma_wait3A_39, %dma_wait3A_40] : memref<32x80x128xi32, #tpu.memory_space<hbm>> -> memref<1x40x128xi32, #tpu.memory_space<hbm>>
      %dma_wait3A_42 = tpu.memref_squeeze %dma_wait3A_41 : memref<1x40x128xi32, #tpu.memory_space<hbm>> -> memref<40x128xi32, #tpu.memory_space<hbm>>
      tpu.wait_dma2 semaphore(%run_scoped3A : memref<!tpu.dma_semaphore, #tpu.memory_space<semaphore_mem>>) src(%dma_wait3A_42 : memref<40x128xi32, #tpu.memory_space<hbm>>) dst(%arg8 : memref<40x128xi32, #tpu.memory_space<vmem>>)
      tpu.yield
    }) : () -> ()
    %dma_start3A = arith.constant 0 : i32
    %dma_start3A_3 = arith.constant 0 : i32
    %dma_start3A_4 = tpu.memref_slice %arg7[%dma_start3A, %dma_start3A_3] : memref<40x128xi32, #tpu.memory_space<vmem>> -> memref<1x128xi32, #tpu.memory_space<vmem>>
    %dma_start3A_5 = tpu.memref_squeeze %dma_start3A_4 : memref<1x128xi32, #tpu.memory_space<vmem>> -> memref<128xi32, #tpu.memory_space<vmem>>
    %dma_start3A_6 = arith.constant 0 : i32
    %dma_start3A_7 = arith.constant 0 : i32
    %dma_start3A_8 = tpu.memref_slice %arg2[%dma_start3A_6, %dma_start3A_7] : memref<10000x128xf32, #tpu.memory_space<hbm>> -> memref<10000x128xf32, #tpu.memory_space<hbm>>
    tpu.enqueue_indirect_dma source(%dma_start3A_8 : memref<10000x128xf32, #tpu.memory_space<hbm>>) target(%arg9 : memref<128x128xf32, #tpu.memory_space<vmem>>) offsets(%dma_start3A_5 : memref<128xi32, #tpu.memory_space<vmem>>) semaphore(%arg12 : memref<!tpu.dma_semaphore, #tpu.memory_space<semaphore_mem>>)
    %scan3A = arith.constant 0 : i32
    %scan3A_9 = arith.constant 0 : i32
    %scan3A_10 = arith.constant 20 : i32
    %scan3A_11 = arith.addi %scan3A_9, %scan3A_10 : i32
    %scan3A_12 = arith.constant 1 : i32
    scf.for %scan3A_28 = %scan3A_9 to %scan3A_11 step %scan3A_12  : i32 {
      %dma_wait3A = arith.constant 0 : i32
      %dma_wait3A_29 = arith.constant 0 : i32
      %dma_wait3A_30 = tpu.memref_slice %arg7[%dma_wait3A, %dma_wait3A_29] : memref<40x128xi32, #tpu.memory_space<vmem>> -> memref<1x128xi32, #tpu.memory_space<vmem>>
      %dma_wait3A_31 = tpu.memref_squeeze %dma_wait3A_30 : memref<1x128xi32, #tpu.memory_space<vmem>> -> memref<128xi32, #tpu.memory_space<vmem>>
      %dma_wait3A_32 = arith.constant 0 : i32
      %dma_wait3A_33 = arith.constant 0 : i32
      %dma_wait3A_34 = tpu.memref_slice %arg2[%dma_wait3A_32, %dma_wait3A_33] : memref<10000x128xf32, #tpu.memory_space<hbm>> -> memref<10000x128xf32, #tpu.memory_space<hbm>>
      tpu.wait_indirect_dma semaphore(%arg12 : memref<!tpu.dma_semaphore, #tpu.memory_space<semaphore_mem>>) src(%dma_wait3A_34 : memref<10000x128xf32, #tpu.memory_space<hbm>>) dst(%arg9 : memref<128x128xf32, #tpu.memory_space<vmem>>)
      %mul3A_35 = arith.constant 2 : i32
      %mul3A_36 = arith.muli %mul3A_35, %scan3A_28 : i32
      %add3A_37 = arith.constant 1 : i32
      %add3A_38 = arith.addi %mul3A_36, %add3A_37 : i32
      %dma_start3A_39 = arith.constant 0 : i32
      %dma_start3A_40 = tpu.memref_slice %arg7[%add3A_38, %dma_start3A_39] : memref<40x128xi32, #tpu.memory_space<vmem>> -> memref<1x128xi32, #tpu.memory_space<vmem>>
      %dma_start3A_41 = tpu.memref_squeeze %dma_start3A_40 : memref<1x128xi32, #tpu.memory_space<vmem>> -> memref<128xi32, #tpu.memory_space<vmem>>
      %dma_start3A_42 = arith.constant 0 : i32
      %dma_start3A_43 = arith.constant 0 : i32
      %dma_start3A_44 = tpu.memref_slice %arg2[%dma_start3A_42, %dma_start3A_43] : memref<10000x128xf32, #tpu.memory_space<hbm>> -> memref<10000x128xf32, #tpu.memory_space<hbm>>
      tpu.enqueue_indirect_dma source(%dma_start3A_44 : memref<10000x128xf32, #tpu.memory_space<hbm>>) target(%arg10 : memref<128x128xf32, #tpu.memory_space<vmem>>) offsets(%dma_start3A_41 : memref<128xi32, #tpu.memory_space<vmem>>) semaphore(%arg13 : memref<!tpu.dma_semaphore, #tpu.memory_space<semaphore_mem>>)
      %mul3A_45 = arith.constant 2 : i32
      %mul3A_46 = arith.muli %mul3A_45, %scan3A_28 : i32
      "tpu.region"() ({
        %run_scoped3A = tpu.sem_alloc : memref<!tpu.dma_semaphore, #tpu.memory_space<semaphore_mem>>
        %dma_start3A_64 = arith.constant 0 : i32
        %dma_start3A_65 = tpu.memref_slice %arg8[%mul3A_46, %dma_start3A_64] : memref<40x128xi32, #tpu.memory_space<vmem>> -> memref<1x128xi32, #tpu.memory_space<vmem>>
        %dma_start3A_66 = tpu.memref_squeeze %dma_start3A_65 : memref<1x128xi32, #tpu.memory_space<vmem>> -> memref<128xi32, #tpu.memory_space<vmem>>
        %dma_start3A_67 = arith.constant 0 : i32
        %dma_start3A_68 = arith.constant 0 : i32
        %dma_start3A_69 = tpu.memref_slice %arg11[%dma_start3A_67, %dma_start3A_68] : memref<10112x128xf32, #tpu.memory_space<vmem_shared>> -> memref<10112x128xf32, #tpu.memory_space<vmem_shared>>
        tpu.enqueue_indirect_dma source(%arg9 : memref<128x128xf32, #tpu.memory_space<vmem>>) target(%dma_start3A_69 : memref<10112x128xf32, #tpu.memory_space<vmem_shared>>) offsets(%dma_start3A_66 : memref<128xi32, #tpu.memory_space<vmem>>) semaphore(%run_scoped3A : memref<!tpu.dma_semaphore, #tpu.memory_space<semaphore_mem>>) {add = true}
        %dma_wait3A_70 = arith.constant 0 : i32
        %dma_wait3A_71 = tpu.memref_slice %arg8[%mul3A_46, %dma_wait3A_70] : memref<40x128xi32, #tpu.memory_space<vmem>> -> memref<1x128xi32, #tpu.memory_space<vmem>>
        %dma_wait3A_72 = tpu.memref_squeeze %dma_wait3A_71 : memref<1x128xi32, #tpu.memory_space<vmem>> -> memref<128xi32, #tpu.memory_space<vmem>>
        %dma_wait3A_73 = arith.constant 0 : i32
        %dma_wait3A_74 = arith.constant 0 : i32
        %dma_wait3A_75 = tpu.memref_slice %arg11[%dma_wait3A_73, %dma_wait3A_74] : memref<10112x128xf32, #tpu.memory_space<vmem_shared>> -> memref<10112x128xf32, #tpu.memory_space<vmem_shared>>
        tpu.wait_indirect_dma semaphore(%run_scoped3A : memref<!tpu.dma_semaphore, #tpu.memory_space<semaphore_mem>>) src(%arg9 : memref<128x128xf32, #tpu.memory_space<vmem>>) dst(%dma_wait3A_75 : memref<10112x128xf32, #tpu.memory_space<vmem_shared>>)
        tpu.yield
      }) : () -> ()
      %dma_wait3A_47 = arith.constant 0 : i32
      %dma_wait3A_48 = arith.constant 0 : i32
      %dma_wait3A_49 = tpu.memref_slice %arg7[%dma_wait3A_47, %dma_wait3A_48] : memref<40x128xi32, #tpu.memory_space<vmem>> -> memref<1x128xi32, #tpu.memory_space<vmem>>
      %dma_wait3A_50 = tpu.memref_squeeze %dma_wait3A_49 : memref<1x128xi32, #tpu.memory_space<vmem>> -> memref<128xi32, #tpu.memory_space<vmem>>
      %dma_wait3A_51 = arith.constant 0 : i32
      %dma_wait3A_52 = arith.constant 0 : i32
      %dma_wait3A_53 = tpu.memref_slice %arg2[%dma_wait3A_51, %dma_wait3A_52] : memref<10000x128xf32, #tpu.memory_space<hbm>> -> memref<10000x128xf32, #tpu.memory_space<hbm>>
      tpu.wait_indirect_dma semaphore(%arg13 : memref<!tpu.dma_semaphore, #tpu.memory_space<semaphore_mem>>) src(%dma_wait3A_53 : memref<10000x128xf32, #tpu.memory_space<hbm>>) dst(%arg10 : memref<128x128xf32, #tpu.memory_space<vmem>>)
      %mul3A_54 = arith.constant 2 : i32
      %mul3A_55 = arith.muli %mul3A_54, %scan3A_28 : i32
      %add3A_56 = arith.constant 2 : i32
      %add3A_57 = arith.addi %mul3A_55, %add3A_56 : i32
      %lt3A = arith.constant 40 : i32
      %lt3A_58 = arith.cmpi slt, %add3A_57, %lt3A : i32
      %convert_element_type3A = arith.extui %lt3A_58 : i1 to i32
      %cond3A = arith.constant 0 : i32
      %cond3A_59 = arith.cmpi ne, %convert_element_type3A, %cond3A : i32
      scf.if %cond3A_59 {
        %mul3A_64 = arith.constant 2 : i32
        %mul3A_65 = arith.muli %mul3A_64, %scan3A_28 : i32
        %add3A_66 = arith.constant 2 : i32
        %add3A_67 = arith.addi %mul3A_65, %add3A_66 : i32
        %dma_start3A_68 = arith.constant 0 : i32
        %dma_start3A_69 = tpu.memref_slice %arg7[%add3A_67, %dma_start3A_68] : memref<40x128xi32, #tpu.memory_space<vmem>> -> memref<1x128xi32, #tpu.memory_space<vmem>>
        %dma_start3A_70 = tpu.memref_squeeze %dma_start3A_69 : memref<1x128xi32, #tpu.memory_space<vmem>> -> memref<128xi32, #tpu.memory_space<vmem>>
        %dma_start3A_71 = arith.constant 0 : i32
        %dma_start3A_72 = arith.constant 0 : i32
        %dma_start3A_73 = tpu.memref_slice %arg2[%dma_start3A_71, %dma_start3A_72] : memref<10000x128xf32, #tpu.memory_space<hbm>> -> memref<10000x128xf32, #tpu.memory_space<hbm>>
        tpu.enqueue_indirect_dma source(%dma_start3A_73 : memref<10000x128xf32, #tpu.memory_space<hbm>>) target(%arg9 : memref<128x128xf32, #tpu.memory_space<vmem>>) offsets(%dma_start3A_70 : memref<128xi32, #tpu.memory_space<vmem>>) semaphore(%arg12 : memref<!tpu.dma_semaphore, #tpu.memory_space<semaphore_mem>>)
      } else {
      }
      %mul3A_60 = arith.constant 2 : i32
      %mul3A_61 = arith.muli %mul3A_60, %scan3A_28 : i32
      %add3A_62 = arith.constant 1 : i32
      %add3A_63 = arith.addi %mul3A_61, %add3A_62 : i32
      "tpu.region"() ({
        %run_scoped3A = tpu.sem_alloc : memref<!tpu.dma_semaphore, #tpu.memory_space<semaphore_mem>>
        %dma_start3A_64 = arith.constant 0 : i32
        %dma_start3A_65 = tpu.memref_slice %arg8[%add3A_63, %dma_start3A_64] : memref<40x128xi32, #tpu.memory_space<vmem>> -> memref<1x128xi32, #tpu.memory_space<vmem>>
        %dma_start3A_66 = tpu.memref_squeeze %dma_start3A_65 : memref<1x128xi32, #tpu.memory_space<vmem>> -> memref<128xi32, #tpu.memory_space<vmem>>
        %dma_start3A_67 = arith.constant 0 : i32
        %dma_start3A_68 = arith.constant 0 : i32
        %dma_start3A_69 = tpu.memref_slice %arg11[%dma_start3A_67, %dma_start3A_68] : memref<10112x128xf32, #tpu.memory_space<vmem_shared>> -> memref<10112x128xf32, #tpu.memory_space<vmem_shared>>
        tpu.enqueue_indirect_dma source(%arg10 : memref<128x128xf32, #tpu.memory_space<vmem>>) target(%dma_start3A_69 : memref<10112x128xf32, #tpu.memory_space<vmem_shared>>) offsets(%dma_start3A_66 : memref<128xi32, #tpu.memory_space<vmem>>) semaphore(%run_scoped3A : memref<!tpu.dma_semaphore, #tpu.memory_space<semaphore_mem>>) {add = true}
        %dma_wait3A_70 = arith.constant 0 : i32
        %dma_wait3A_71 = tpu.memref_slice %arg8[%add3A_63, %dma_wait3A_70] : memref<40x128xi32, #tpu.memory_space<vmem>> -> memref<1x128xi32, #tpu.memory_space<vmem>>
        %dma_wait3A_72 = tpu.memref_squeeze %dma_wait3A_71 : memref<1x128xi32, #tpu.memory_space<vmem>> -> memref<128xi32, #tpu.memory_space<vmem>>
        %dma_wait3A_73 = arith.constant 0 : i32
        %dma_wait3A_74 = arith.constant 0 : i32
        %dma_wait3A_75 = tpu.memref_slice %arg11[%dma_wait3A_73, %dma_wait3A_74] : memref<10112x128xf32, #tpu.memory_space<vmem_shared>> -> memref<10112x128xf32, #tpu.memory_space<vmem_shared>>
        tpu.wait_indirect_dma semaphore(%run_scoped3A : memref<!tpu.dma_semaphore, #tpu.memory_space<semaphore_mem>>) src(%arg10 : memref<128x128xf32, #tpu.memory_space<vmem>>) dst(%dma_wait3A_75 : memref<10112x128xf32, #tpu.memory_space<vmem_shared>>)
        tpu.yield
      }) : () -> ()
    }
    %scan3A_13 = arith.constant 20 : i32
    "tpu.region"() ({
      %run_scoped3A = tpu.sem_alloc : memref<!tpu.dma_semaphore, #tpu.memory_space<semaphore_mem>>
      %dma_start3A_28 = arith.constant 40 : i32
      %dma_start3A_29 = arith.constant 0 : i32
      %dma_start3A_30 = tpu.memref_slice %arg3[%add3A, %dma_start3A_28, %dma_start3A_29] : memref<32x80x128xi32, #tpu.memory_space<hbm>> -> memref<1x40x128xi32, #tpu.memory_space<hbm>>
      %dma_start3A_31 = tpu.memref_squeeze %dma_start3A_30 : memref<1x40x128xi32, #tpu.memory_space<hbm>> -> memref<40x128xi32, #tpu.memory_space<hbm>>
      %dma_start3A_32 = arith.constant 40 : i32
      %dma_start3A_33 = arith.constant 0 : i32
      %dma_start3A_34 = tpu.memref_slice %arg3[%add3A, %dma_start3A_32, %dma_start3A_33] : memref<32x80x128xi32, #tpu.memory_space<hbm>> -> memref<1x40x128xi32, #tpu.memory_space<hbm>>
      %dma_start3A_35 = tpu.memref_squeeze %dma_start3A_34 : memref<1x40x128xi32, #tpu.memory_space<hbm>> -> memref<40x128xi32, #tpu.memory_space<hbm>>
      tpu.enqueue_dma source(%dma_start3A_35 : memref<40x128xi32, #tpu.memory_space<hbm>>) target(%arg7 : memref<40x128xi32, #tpu.memory_space<vmem>>) target_semaphore(%run_scoped3A : memref<!tpu.dma_semaphore, #tpu.memory_space<semaphore_mem>>)
      %dma_wait3A = arith.constant 40 : i32
      %dma_wait3A_36 = arith.constant 0 : i32
      %dma_wait3A_37 = tpu.memref_slice %arg3[%add3A, %dma_wait3A, %dma_wait3A_36] : memref<32x80x128xi32, #tpu.memory_space<hbm>> -> memref<1x40x128xi32, #tpu.memory_space<hbm>>
      %dma_wait3A_38 = tpu.memref_squeeze %dma_wait3A_37 : memref<1x40x128xi32, #tpu.memory_space<hbm>> -> memref<40x128xi32, #tpu.memory_space<hbm>>
      %dma_wait3A_39 = arith.constant 40 : i32
      %dma_wait3A_40 = arith.constant 0 : i32
      %dma_wait3A_41 = tpu.memref_slice %arg3[%add3A, %dma_wait3A_39, %dma_wait3A_40] : memref<32x80x128xi32, #tpu.memory_space<hbm>> -> memref<1x40x128xi32, #tpu.memory_space<hbm>>
      %dma_wait3A_42 = tpu.memref_squeeze %dma_wait3A_41 : memref<1x40x128xi32, #tpu.memory_space<hbm>> -> memref<40x128xi32, #tpu.memory_space<hbm>>
      tpu.wait_dma2 semaphore(%run_scoped3A : memref<!tpu.dma_semaphore, #tpu.memory_space<semaphore_mem>>) src(%dma_wait3A_42 : memref<40x128xi32, #tpu.memory_space<hbm>>) dst(%arg7 : memref<40x128xi32, #tpu.memory_space<vmem>>)
      tpu.yield
    }) : () -> ()
    "tpu.region"() ({
      %run_scoped3A = tpu.sem_alloc : memref<!tpu.dma_semaphore, #tpu.memory_space<semaphore_mem>>
      %dma_start3A_28 = arith.constant 40 : i32
      %dma_start3A_29 = arith.constant 0 : i32
      %dma_start3A_30 = tpu.memref_slice %arg4[%add3A, %dma_start3A_28, %dma_start3A_29] : memref<32x80x128xi32, #tpu.memory_space<hbm>> -> memref<1x40x128xi32, #tpu.memory_space<hbm>>
      %dma_start3A_31 = tpu.memref_squeeze %dma_start3A_30 : memref<1x40x128xi32, #tpu.memory_space<hbm>> -> memref<40x128xi32, #tpu.memory_space<hbm>>
      %dma_start3A_32 = arith.constant 40 : i32
      %dma_start3A_33 = arith.constant 0 : i32
      %dma_start3A_34 = tpu.memref_slice %arg4[%add3A, %dma_start3A_32, %dma_start3A_33] : memref<32x80x128xi32, #tpu.memory_space<hbm>> -> memref<1x40x128xi32, #tpu.memory_space<hbm>>
      %dma_start3A_35 = tpu.memref_squeeze %dma_start3A_34 : memref<1x40x128xi32, #tpu.memory_space<hbm>> -> memref<40x128xi32, #tpu.memory_space<hbm>>
      tpu.enqueue_dma source(%dma_start3A_35 : memref<40x128xi32, #tpu.memory_space<hbm>>) target(%arg8 : memref<40x128xi32, #tpu.memory_space<vmem>>) target_semaphore(%run_scoped3A : memref<!tpu.dma_semaphore, #tpu.memory_space<semaphore_mem>>)
      %dma_wait3A = arith.constant 40 : i32
      %dma_wait3A_36 = arith.constant 0 : i32
      %dma_wait3A_37 = tpu.memref_slice %arg4[%add3A, %dma_wait3A, %dma_wait3A_36] : memref<32x80x128xi32, #tpu.memory_space<hbm>> -> memref<1x40x128xi32, #tpu.memory_space<hbm>>
      %dma_wait3A_38 = tpu.memref_squeeze %dma_wait3A_37 : memref<1x40x128xi32, #tpu.memory_space<hbm>> -> memref<40x128xi32, #tpu.memory_space<hbm>>
      %dma_wait3A_39 = arith.constant 40 : i32
      %dma_wait3A_40 = arith.constant 0 : i32
      %dma_wait3A_41 = tpu.memref_slice %arg4[%add3A, %dma_wait3A_39, %dma_wait3A_40] : memref<32x80x128xi32, #tpu.memory_space<hbm>> -> memref<1x40x128xi32, #tpu.memory_space<hbm>>
      %dma_wait3A_42 = tpu.memref_squeeze %dma_wait3A_41 : memref<1x40x128xi32, #tpu.memory_space<hbm>> -> memref<40x128xi32, #tpu.memory_space<hbm>>
      tpu.wait_dma2 semaphore(%run_scoped3A : memref<!tpu.dma_semaphore, #tpu.memory_space<semaphore_mem>>) src(%dma_wait3A_42 : memref<40x128xi32, #tpu.memory_space<hbm>>) dst(%arg8 : memref<40x128xi32, #tpu.memory_space<vmem>>)
      tpu.yield
    }) : () -> ()
    %dma_start3A_14 = arith.constant 0 : i32
    %dma_start3A_15 = arith.constant 0 : i32
    %dma_start3A_16 = tpu.memref_slice %arg7[%dma_start3A_14, %dma_start3A_15] : memref<40x128xi32, #tpu.memory_space<vmem>> -> memref<1x128xi32, #tpu.memory_space<vmem>>
    %dma_start3A_17 = tpu.memref_squeeze %dma_start3A_16 : memref<1x128xi32, #tpu.memory_space<vmem>> -> memref<128xi32, #tpu.memory_space<vmem>>
    %dma_start3A_18 = arith.constant 0 : i32
    %dma_start3A_19 = arith.constant 0 : i32
    %dma_start3A_20 = tpu.memref_slice %arg2[%dma_start3A_18, %dma_start3A_19] : memref<10000x128xf32, #tpu.memory_space<hbm>> -> memref<10000x128xf32, #tpu.memory_space<hbm>>
    tpu.enqueue_indirect_dma source(%dma_start3A_20 : memref<10000x128xf32, #tpu.memory_space<hbm>>) target(%arg9 : memref<128x128xf32, #tpu.memory_space<vmem>>) offsets(%dma_start3A_17 : memref<128xi32, #tpu.memory_space<vmem>>) semaphore(%arg12 : memref<!tpu.dma_semaphore, #tpu.memory_space<semaphore_mem>>)
    %scan3A_21 = arith.constant 0 : i32
    %scan3A_22 = arith.constant 0 : i32
    %scan3A_23 = arith.constant 20 : i32
    %scan3A_24 = arith.addi %scan3A_22, %scan3A_23 : i32
    %scan3A_25 = arith.constant 1 : i32
    scf.for %scan3A_28 = %scan3A_22 to %scan3A_24 step %scan3A_25  : i32 {
      %dma_wait3A = arith.constant 0 : i32
      %dma_wait3A_29 = arith.constant 0 : i32
      %dma_wait3A_30 = tpu.memref_slice %arg7[%dma_wait3A, %dma_wait3A_29] : memref<40x128xi32, #tpu.memory_space<vmem>> -> memref<1x128xi32, #tpu.memory_space<vmem>>
      %dma_wait3A_31 = tpu.memref_squeeze %dma_wait3A_30 : memref<1x128xi32, #tpu.memory_space<vmem>> -> memref<128xi32, #tpu.memory_space<vmem>>
      %dma_wait3A_32 = arith.constant 0 : i32
      %dma_wait3A_33 = arith.constant 0 : i32
      %dma_wait3A_34 = tpu.memref_slice %arg2[%dma_wait3A_32, %dma_wait3A_33] : memref<10000x128xf32, #tpu.memory_space<hbm>> -> memref<10000x128xf32, #tpu.memory_space<hbm>>
      tpu.wait_indirect_dma semaphore(%arg12 : memref<!tpu.dma_semaphore, #tpu.memory_space<semaphore_mem>>) src(%dma_wait3A_34 : memref<10000x128xf32, #tpu.memory_space<hbm>>) dst(%arg9 : memref<128x128xf32, #tpu.memory_space<vmem>>)
      %mul3A_35 = arith.constant 2 : i32
      %mul3A_36 = arith.muli %mul3A_35, %scan3A_28 : i32
      %add3A_37 = arith.constant 1 : i32
      %add3A_38 = arith.addi %mul3A_36, %add3A_37 : i32
      %dma_start3A_39 = arith.constant 0 : i32
      %dma_start3A_40 = tpu.memref_slice %arg7[%add3A_38, %dma_start3A_39] : memref<40x128xi32, #tpu.memory_space<vmem>> -> memref<1x128xi32, #tpu.memory_space<vmem>>
      %dma_start3A_41 = tpu.memref_squeeze %dma_start3A_40 : memref<1x128xi32, #tpu.memory_space<vmem>> -> memref<128xi32, #tpu.memory_space<vmem>>
      %dma_start3A_42 = arith.constant 0 : i32
      %dma_start3A_43 = arith.constant 0 : i32
      %dma_start3A_44 = tpu.memref_slice %arg2[%dma_start3A_42, %dma_start3A_43] : memref<10000x128xf32, #tpu.memory_space<hbm>> -> memref<10000x128xf32, #tpu.memory_space<hbm>>
      tpu.enqueue_indirect_dma source(%dma_start3A_44 : memref<10000x128xf32, #tpu.memory_space<hbm>>) target(%arg10 : memref<128x128xf32, #tpu.memory_space<vmem>>) offsets(%dma_start3A_41 : memref<128xi32, #tpu.memory_space<vmem>>) semaphore(%arg13 : memref<!tpu.dma_semaphore, #tpu.memory_space<semaphore_mem>>)
      %mul3A_45 = arith.constant 2 : i32
      %mul3A_46 = arith.muli %mul3A_45, %scan3A_28 : i32
      "tpu.region"() ({
        %run_scoped3A = tpu.sem_alloc : memref<!tpu.dma_semaphore, #tpu.memory_space<semaphore_mem>>
        %dma_start3A_64 = arith.constant 0 : i32
        %dma_start3A_65 = tpu.memref_slice %arg8[%mul3A_46, %dma_start3A_64] : memref<40x128xi32, #tpu.memory_space<vmem>> -> memref<1x128xi32, #tpu.memory_space<vmem>>
        %dma_start3A_66 = tpu.memref_squeeze %dma_start3A_65 : memref<1x128xi32, #tpu.memory_space<vmem>> -> memref<128xi32, #tpu.memory_space<vmem>>
        %dma_start3A_67 = arith.constant 0 : i32
        %dma_start3A_68 = arith.constant 0 : i32
        %dma_start3A_69 = tpu.memref_slice %arg11[%dma_start3A_67, %dma_start3A_68] : memref<10112x128xf32, #tpu.memory_space<vmem_shared>> -> memref<10112x128xf32, #tpu.memory_space<vmem_shared>>
        tpu.enqueue_indirect_dma source(%arg9 : memref<128x128xf32, #tpu.memory_space<vmem>>) target(%dma_start3A_69 : memref<10112x128xf32, #tpu.memory_space<vmem_shared>>) offsets(%dma_start3A_66 : memref<128xi32, #tpu.memory_space<vmem>>) semaphore(%run_scoped3A : memref<!tpu.dma_semaphore, #tpu.memory_space<semaphore_mem>>) {add = true}
        %dma_wait3A_70 = arith.constant 0 : i32
        %dma_wait3A_71 = tpu.memref_slice %arg8[%mul3A_46, %dma_wait3A_70] : memref<40x128xi32, #tpu.memory_space<vmem>> -> memref<1x128xi32, #tpu.memory_space<vmem>>
        %dma_wait3A_72 = tpu.memref_squeeze %dma_wait3A_71 : memref<1x128xi32, #tpu.memory_space<vmem>> -> memref<128xi32, #tpu.memory_space<vmem>>
        %dma_wait3A_73 = arith.constant 0 : i32
        %dma_wait3A_74 = arith.constant 0 : i32
        %dma_wait3A_75 = tpu.memref_slice %arg11[%dma_wait3A_73, %dma_wait3A_74] : memref<10112x128xf32, #tpu.memory_space<vmem_shared>> -> memref<10112x128xf32, #tpu.memory_space<vmem_shared>>
        tpu.wait_indirect_dma semaphore(%run_scoped3A : memref<!tpu.dma_semaphore, #tpu.memory_space<semaphore_mem>>) src(%arg9 : memref<128x128xf32, #tpu.memory_space<vmem>>) dst(%dma_wait3A_75 : memref<10112x128xf32, #tpu.memory_space<vmem_shared>>)
        tpu.yield
      }) : () -> ()
      %dma_wait3A_47 = arith.constant 0 : i32
      %dma_wait3A_48 = arith.constant 0 : i32
      %dma_wait3A_49 = tpu.memref_slice %arg7[%dma_wait3A_47, %dma_wait3A_48] : memref<40x128xi32, #tpu.memory_space<vmem>> -> memref<1x128xi32, #tpu.memory_space<vmem>>
      %dma_wait3A_50 = tpu.memref_squeeze %dma_wait3A_49 : memref<1x128xi32, #tpu.memory_space<vmem>> -> memref<128xi32, #tpu.memory_space<vmem>>
      %dma_wait3A_51 = arith.constant 0 : i32
      %dma_wait3A_52 = arith.constant 0 : i32
      %dma_wait3A_53 = tpu.memref_slice %arg2[%dma_wait3A_51, %dma_wait3A_52] : memref<10000x128xf32, #tpu.memory_space<hbm>> -> memref<10000x128xf32, #tpu.memory_space<hbm>>
      tpu.wait_indirect_dma semaphore(%arg13 : memref<!tpu.dma_semaphore, #tpu.memory_space<semaphore_mem>>) src(%dma_wait3A_53 : memref<10000x128xf32, #tpu.memory_space<hbm>>) dst(%arg10 : memref<128x128xf32, #tpu.memory_space<vmem>>)
      %mul3A_54 = arith.constant 2 : i32
      %mul3A_55 = arith.muli %mul3A_54, %scan3A_28 : i32
      %add3A_56 = arith.constant 2 : i32
      %add3A_57 = arith.addi %mul3A_55, %add3A_56 : i32
      %lt3A = arith.constant 40 : i32
      %lt3A_58 = arith.cmpi slt, %add3A_57, %lt3A : i32
      %convert_element_type3A = arith.extui %lt3A_58 : i1 to i32
      %cond3A = arith.constant 0 : i32
      %cond3A_59 = arith.cmpi ne, %convert_element_type3A, %cond3A : i32
      scf.if %cond3A_59 {
        %mul3A_64 = arith.constant 2 : i32
        %mul3A_65 = arith.muli %mul3A_64, %scan3A_28 : i32
        %add3A_66 = arith.constant 2 : i32
        %add3A_67 = arith.addi %mul3A_65, %add3A_66 : i32
        %dma_start3A_68 = arith.constant 0 : i32
        %dma_start3A_69 = tpu.memref_slice %arg7[%add3A_67, %dma_start3A_68] : memref<40x128xi32, #tpu.memory_space<vmem>> -> memref<1x128xi32, #tpu.memory_space<vmem>>
        %dma_start3A_70 = tpu.memref_squeeze %dma_start3A_69 : memref<1x128xi32, #tpu.memory_space<vmem>> -> memref<128xi32, #tpu.memory_space<vmem>>
        %dma_start3A_71 = arith.constant 0 : i32
        %dma_start3A_72 = arith.constant 0 : i32
        %dma_start3A_73 = tpu.memref_slice %arg2[%dma_start3A_71, %dma_start3A_72] : memref<10000x128xf32, #tpu.memory_space<hbm>> -> memref<10000x128xf32, #tpu.memory_space<hbm>>
        tpu.enqueue_indirect_dma source(%dma_start3A_73 : memref<10000x128xf32, #tpu.memory_space<hbm>>) target(%arg9 : memref<128x128xf32, #tpu.memory_space<vmem>>) offsets(%dma_start3A_70 : memref<128xi32, #tpu.memory_space<vmem>>) semaphore(%arg12 : memref<!tpu.dma_semaphore, #tpu.memory_space<semaphore_mem>>)
      } else {
      }
      %mul3A_60 = arith.constant 2 : i32
      %mul3A_61 = arith.muli %mul3A_60, %scan3A_28 : i32
      %add3A_62 = arith.constant 1 : i32
      %add3A_63 = arith.addi %mul3A_61, %add3A_62 : i32
      "tpu.region"() ({
        %run_scoped3A = tpu.sem_alloc : memref<!tpu.dma_semaphore, #tpu.memory_space<semaphore_mem>>
        %dma_start3A_64 = arith.constant 0 : i32
        %dma_start3A_65 = tpu.memref_slice %arg8[%add3A_63, %dma_start3A_64] : memref<40x128xi32, #tpu.memory_space<vmem>> -> memref<1x128xi32, #tpu.memory_space<vmem>>
        %dma_start3A_66 = tpu.memref_squeeze %dma_start3A_65 : memref<1x128xi32, #tpu.memory_space<vmem>> -> memref<128xi32, #tpu.memory_space<vmem>>
        %dma_start3A_67 = arith.constant 0 : i32
        %dma_start3A_68 = arith.constant 0 : i32
        %dma_start3A_69 = tpu.memref_slice %arg11[%dma_start3A_67, %dma_start3A_68] : memref<10112x128xf32, #tpu.memory_space<vmem_shared>> -> memref<10112x128xf32, #tpu.memory_space<vmem_shared>>
        tpu.enqueue_indirect_dma source(%arg10 : memref<128x128xf32, #tpu.memory_space<vmem>>) target(%dma_start3A_69 : memref<10112x128xf32, #tpu.memory_space<vmem_shared>>) offsets(%dma_start3A_66 : memref<128xi32, #tpu.memory_space<vmem>>) semaphore(%run_scoped3A : memref<!tpu.dma_semaphore, #tpu.memory_space<semaphore_mem>>) {add = true}
        %dma_wait3A_70 = arith.constant 0 : i32
        %dma_wait3A_71 = tpu.memref_slice %arg8[%add3A_63, %dma_wait3A_70] : memref<40x128xi32, #tpu.memory_space<vmem>> -> memref<1x128xi32, #tpu.memory_space<vmem>>
        %dma_wait3A_72 = tpu.memref_squeeze %dma_wait3A_71 : memref<1x128xi32, #tpu.memory_space<vmem>> -> memref<128xi32, #tpu.memory_space<vmem>>
        %dma_wait3A_73 = arith.constant 0 : i32
        %dma_wait3A_74 = arith.constant 0 : i32
        %dma_wait3A_75 = tpu.memref_slice %arg11[%dma_wait3A_73, %dma_wait3A_74] : memref<10112x128xf32, #tpu.memory_space<vmem_shared>> -> memref<10112x128xf32, #tpu.memory_space<vmem_shared>>
        tpu.wait_indirect_dma semaphore(%run_scoped3A : memref<!tpu.dma_semaphore, #tpu.memory_space<semaphore_mem>>) src(%arg10 : memref<128x128xf32, #tpu.memory_space<vmem>>) dst(%dma_wait3A_75 : memref<10112x128xf32, #tpu.memory_space<vmem_shared>>)
        tpu.yield
      }) : () -> ()
    }
    %scan3A_26 = arith.constant 20 : i32
    %barrier3A_27 = arith.constant 0 : index
    tpu.barrier barrier_id(%barrier3A_27)
    "tpu.region"() ({
      %run_scoped3A = tpu.sem_alloc : memref<!tpu.dma_semaphore, #tpu.memory_space<semaphore_mem>>
      %dma_start3A_28 = arith.constant 0 : i32
      %dma_start3A_29 = tpu.memref_slice %arg6[%arg0, %mul3A_2, %dma_start3A_28] : memref<2x10112x128xf32, #tpu.memory_space<hbm>> -> memref<1x632x128xf32, #tpu.memory_space<hbm>>
      %dma_start3A_30 = tpu.memref_squeeze %dma_start3A_29 : memref<1x632x128xf32, #tpu.memory_space<hbm>> -> memref<632x128xf32, #tpu.memory_space<hbm>>
      %dma_start3A_31 = arith.constant 0 : i32
      %dma_start3A_32 = tpu.memref_slice %arg11[%mul3A_2, %dma_start3A_31] : memref<10112x128xf32, #tpu.memory_space<vmem_shared>> -> memref<632x128xf32, #tpu.memory_space<vmem_shared>>
      tpu.enqueue_dma source(%dma_start3A_32 : memref<632x128xf32, #tpu.memory_space<vmem_shared>>) target(%dma_start3A_30 : memref<632x128xf32, #tpu.memory_space<hbm>>) target_semaphore(%run_scoped3A : memref<!tpu.dma_semaphore, #tpu.memory_space<semaphore_mem>>)
      %dma_wait3A = arith.constant 0 : i32
      %dma_wait3A_33 = tpu.memref_slice %arg6[%arg0, %mul3A_2, %dma_wait3A] : memref<2x10112x128xf32, #tpu.memory_space<hbm>> -> memref<1x632x128xf32, #tpu.memory_space<hbm>>
      %dma_wait3A_34 = tpu.memref_squeeze %dma_wait3A_33 : memref<1x632x128xf32, #tpu.memory_space<hbm>> -> memref<632x128xf32, #tpu.memory_space<hbm>>
      %dma_wait3A_35 = arith.constant 0 : i32
      %dma_wait3A_36 = tpu.memref_slice %arg11[%mul3A_2, %dma_wait3A_35] : memref<10112x128xf32, #tpu.memory_space<vmem_shared>> -> memref<632x128xf32, #tpu.memory_space<vmem_shared>>
      tpu.wait_dma2 semaphore(%run_scoped3A : memref<!tpu.dma_semaphore, #tpu.memory_space<semaphore_mem>>) src(%dma_wait3A_36 : memref<632x128xf32, #tpu.memory_space<vmem_shared>>) dst(%dma_wait3A_34 : memref<632x128xf32, #tpu.memory_space<hbm>>)
      tpu.yield
    }) : () -> ()
    return
  }
}

#map = affine_map<(d0, d1) -> (0, 0, 0)>
#map1 = affine_map<(d0, d1) -> (0, 0)>
module attributes {stable_mosaic.version = 14 : i64} {
  func.func @_sc_degree_body(%arg0: i32, %arg1: i32, %arg2: memref<32x80x128xi32, #tpu.memory_space<hbm>>, %arg3: memref<10112x128xf32, #tpu.memory_space<hbm>>, %arg4: memref<128x128xf32, #tpu.memory_space<hbm>>, %arg5: memref<2x10112x128xf32, #tpu.memory_space<hbm>>, %arg6: memref<80x128xi32, #tpu.memory_space<vmem>>, %arg7: memref<128x128xf32, #tpu.memory_space<vmem>>, %arg8: memref<10112x128xf32, #tpu.memory_space<vmem_shared>>) attributes {dimension_semantics = [#tpu.dimension_semantics<core_parallel>, #tpu.dimension_semantics<subcore_parallel>], iteration_bounds = array<i64: 2, 16>, scalar_prefetch = 0 : i64, scratch_operands = 3 : i64, tpu.core_type = #tpu.core_type<sc_vector_subcore>, window_params = [{transform_indices = #map}, {transform_indices = #map1}, {transform_indices = #map1}, {transform_indices = #map}]} {
    %mul3A = arith.constant 16 : i32
    %mul3A_0 = arith.muli %arg0, %mul3A : i32
    %add3A = arith.addi %mul3A_0, %arg1 : i32
    %mul3A_1 = arith.constant 632 : i32
    %mul3A_2 = arith.muli %arg1, %mul3A_1 : i32
    "tpu.region"() ({
      %run_scoped3A = tpu.sem_alloc : memref<!tpu.dma_semaphore, #tpu.memory_space<semaphore_mem>>
      %dma_start3A = arith.constant 0 : i32
      %dma_start3A_9 = tpu.memref_slice %arg8[%mul3A_2, %dma_start3A] : memref<10112x128xf32, #tpu.memory_space<vmem_shared>> -> memref<632x128xf32, #tpu.memory_space<vmem_shared>>
      %dma_start3A_10 = arith.constant 0 : i32
      %dma_start3A_11 = tpu.memref_slice %arg3[%mul3A_2, %dma_start3A_10] : memref<10112x128xf32, #tpu.memory_space<hbm>> -> memref<632x128xf32, #tpu.memory_space<hbm>>
      tpu.enqueue_dma source(%dma_start3A_11 : memref<632x128xf32, #tpu.memory_space<hbm>>) target(%dma_start3A_9 : memref<632x128xf32, #tpu.memory_space<vmem_shared>>) target_semaphore(%run_scoped3A : memref<!tpu.dma_semaphore, #tpu.memory_space<semaphore_mem>>)
      %dma_wait3A = arith.constant 0 : i32
      %dma_wait3A_12 = tpu.memref_slice %arg8[%mul3A_2, %dma_wait3A] : memref<10112x128xf32, #tpu.memory_space<vmem_shared>> -> memref<632x128xf32, #tpu.memory_space<vmem_shared>>
      %dma_wait3A_13 = arith.constant 0 : i32
      %dma_wait3A_14 = tpu.memref_slice %arg3[%mul3A_2, %dma_wait3A_13] : memref<10112x128xf32, #tpu.memory_space<hbm>> -> memref<632x128xf32, #tpu.memory_space<hbm>>
      tpu.wait_dma2 semaphore(%run_scoped3A : memref<!tpu.dma_semaphore, #tpu.memory_space<semaphore_mem>>) src(%dma_wait3A_14 : memref<632x128xf32, #tpu.memory_space<hbm>>) dst(%dma_wait3A_12 : memref<632x128xf32, #tpu.memory_space<vmem_shared>>)
      tpu.yield
    }) : () -> ()
    "tpu.region"() ({
      %run_scoped3A = tpu.sem_alloc : memref<!tpu.dma_semaphore, #tpu.memory_space<semaphore_mem>>
      %dma_start3A = arith.constant 0 : i32
      %dma_start3A_9 = arith.constant 0 : i32
      %dma_start3A_10 = tpu.memref_slice %arg2[%add3A, %dma_start3A, %dma_start3A_9] : memref<32x80x128xi32, #tpu.memory_space<hbm>> -> memref<1x80x128xi32, #tpu.memory_space<hbm>>
      %dma_start3A_11 = tpu.memref_squeeze %dma_start3A_10 : memref<1x80x128xi32, #tpu.memory_space<hbm>> -> memref<80x128xi32, #tpu.memory_space<hbm>>
      %dma_start3A_12 = arith.constant 0 : i32
      %dma_start3A_13 = arith.constant 0 : i32
      %dma_start3A_14 = tpu.memref_slice %arg2[%add3A, %dma_start3A_12, %dma_start3A_13] : memref<32x80x128xi32, #tpu.memory_space<hbm>> -> memref<1x80x128xi32, #tpu.memory_space<hbm>>
      %dma_start3A_15 = tpu.memref_squeeze %dma_start3A_14 : memref<1x80x128xi32, #tpu.memory_space<hbm>> -> memref<80x128xi32, #tpu.memory_space<hbm>>
      tpu.enqueue_dma source(%dma_start3A_15 : memref<80x128xi32, #tpu.memory_space<hbm>>) target(%arg6 : memref<80x128xi32, #tpu.memory_space<vmem>>) target_semaphore(%run_scoped3A : memref<!tpu.dma_semaphore, #tpu.memory_space<semaphore_mem>>)
      %dma_wait3A = arith.constant 0 : i32
      %dma_wait3A_16 = arith.constant 0 : i32
      %dma_wait3A_17 = tpu.memref_slice %arg2[%add3A, %dma_wait3A, %dma_wait3A_16] : memref<32x80x128xi32, #tpu.memory_space<hbm>> -> memref<1x80x128xi32, #tpu.memory_space<hbm>>
      %dma_wait3A_18 = tpu.memref_squeeze %dma_wait3A_17 : memref<1x80x128xi32, #tpu.memory_space<hbm>> -> memref<80x128xi32, #tpu.memory_space<hbm>>
      %dma_wait3A_19 = arith.constant 0 : i32
      %dma_wait3A_20 = arith.constant 0 : i32
      %dma_wait3A_21 = tpu.memref_slice %arg2[%add3A, %dma_wait3A_19, %dma_wait3A_20] : memref<32x80x128xi32, #tpu.memory_space<hbm>> -> memref<1x80x128xi32, #tpu.memory_space<hbm>>
      %dma_wait3A_22 = tpu.memref_squeeze %dma_wait3A_21 : memref<1x80x128xi32, #tpu.memory_space<hbm>> -> memref<80x128xi32, #tpu.memory_space<hbm>>
      tpu.wait_dma2 semaphore(%run_scoped3A : memref<!tpu.dma_semaphore, #tpu.memory_space<semaphore_mem>>) src(%dma_wait3A_22 : memref<80x128xi32, #tpu.memory_space<hbm>>) dst(%arg6 : memref<80x128xi32, #tpu.memory_space<vmem>>)
      tpu.yield
    }) : () -> ()
    "tpu.region"() ({
      %run_scoped3A = tpu.sem_alloc : memref<!tpu.dma_semaphore, #tpu.memory_space<semaphore_mem>>
      tpu.enqueue_dma source(%arg4 : memref<128x128xf32, #tpu.memory_space<hbm>>) target(%arg7 : memref<128x128xf32, #tpu.memory_space<vmem>>) target_semaphore(%run_scoped3A : memref<!tpu.dma_semaphore, #tpu.memory_space<semaphore_mem>>)
      tpu.wait_dma2 semaphore(%run_scoped3A : memref<!tpu.dma_semaphore, #tpu.memory_space<semaphore_mem>>) src(%arg4 : memref<128x128xf32, #tpu.memory_space<hbm>>) dst(%arg7 : memref<128x128xf32, #tpu.memory_space<vmem>>)
      tpu.yield
    }) : () -> ()
    %barrier3A = arith.constant 0 : index
    tpu.barrier barrier_id(%barrier3A)
    %scan3A = arith.constant 0 : i32
    %scan3A_3 = arith.constant 0 : i32
    %scan3A_4 = arith.constant 80 : i32
    %scan3A_5 = arith.addi %scan3A_3, %scan3A_4 : i32
    %scan3A_6 = arith.constant 1 : i32
    scf.for %scan3A_9 = %scan3A_3 to %scan3A_5 step %scan3A_6  : i32 {
      "tpu.region"() ({
        %run_scoped3A = tpu.sem_alloc : memref<!tpu.dma_semaphore, #tpu.memory_space<semaphore_mem>>
        %dma_start3A = arith.constant 0 : i32
        %dma_start3A_10 = tpu.memref_slice %arg6[%scan3A_9, %dma_start3A] : memref<80x128xi32, #tpu.memory_space<vmem>> -> memref<1x128xi32, #tpu.memory_space<vmem>>
        %dma_start3A_11 = tpu.memref_squeeze %dma_start3A_10 : memref<1x128xi32, #tpu.memory_space<vmem>> -> memref<128xi32, #tpu.memory_space<vmem>>
        %dma_start3A_12 = arith.constant 0 : i32
        %dma_start3A_13 = arith.constant 0 : i32
        %dma_start3A_14 = tpu.memref_slice %arg8[%dma_start3A_12, %dma_start3A_13] : memref<10112x128xf32, #tpu.memory_space<vmem_shared>> -> memref<10112x128xf32, #tpu.memory_space<vmem_shared>>
        tpu.enqueue_indirect_dma source(%arg7 : memref<128x128xf32, #tpu.memory_space<vmem>>) target(%dma_start3A_14 : memref<10112x128xf32, #tpu.memory_space<vmem_shared>>) offsets(%dma_start3A_11 : memref<128xi32, #tpu.memory_space<vmem>>) semaphore(%run_scoped3A : memref<!tpu.dma_semaphore, #tpu.memory_space<semaphore_mem>>) {add = true}
        %dma_wait3A = arith.constant 0 : i32
        %dma_wait3A_15 = tpu.memref_slice %arg6[%scan3A_9, %dma_wait3A] : memref<80x128xi32, #tpu.memory_space<vmem>> -> memref<1x128xi32, #tpu.memory_space<vmem>>
        %dma_wait3A_16 = tpu.memref_squeeze %dma_wait3A_15 : memref<1x128xi32, #tpu.memory_space<vmem>> -> memref<128xi32, #tpu.memory_space<vmem>>
        %dma_wait3A_17 = arith.constant 0 : i32
        %dma_wait3A_18 = arith.constant 0 : i32
        %dma_wait3A_19 = tpu.memref_slice %arg8[%dma_wait3A_17, %dma_wait3A_18] : memref<10112x128xf32, #tpu.memory_space<vmem_shared>> -> memref<10112x128xf32, #tpu.memory_space<vmem_shared>>
        tpu.wait_indirect_dma semaphore(%run_scoped3A : memref<!tpu.dma_semaphore, #tpu.memory_space<semaphore_mem>>) src(%arg7 : memref<128x128xf32, #tpu.memory_space<vmem>>) dst(%dma_wait3A_19 : memref<10112x128xf32, #tpu.memory_space<vmem_shared>>)
        tpu.yield
      }) : () -> ()
    }
    %scan3A_7 = arith.constant 80 : i32
    %barrier3A_8 = arith.constant 0 : index
    tpu.barrier barrier_id(%barrier3A_8)
    "tpu.region"() ({
      %run_scoped3A = tpu.sem_alloc : memref<!tpu.dma_semaphore, #tpu.memory_space<semaphore_mem>>
      %dma_start3A = arith.constant 0 : i32
      %dma_start3A_9 = tpu.memref_slice %arg5[%arg0, %mul3A_2, %dma_start3A] : memref<2x10112x128xf32, #tpu.memory_space<hbm>> -> memref<1x632x128xf32, #tpu.memory_space<hbm>>
      %dma_start3A_10 = tpu.memref_squeeze %dma_start3A_9 : memref<1x632x128xf32, #tpu.memory_space<hbm>> -> memref<632x128xf32, #tpu.memory_space<hbm>>
      %dma_start3A_11 = arith.constant 0 : i32
      %dma_start3A_12 = tpu.memref_slice %arg8[%mul3A_2, %dma_start3A_11] : memref<10112x128xf32, #tpu.memory_space<vmem_shared>> -> memref<632x128xf32, #tpu.memory_space<vmem_shared>>
      tpu.enqueue_dma source(%dma_start3A_12 : memref<632x128xf32, #tpu.memory_space<vmem_shared>>) target(%dma_start3A_10 : memref<632x128xf32, #tpu.memory_space<hbm>>) target_semaphore(%run_scoped3A : memref<!tpu.dma_semaphore, #tpu.memory_space<semaphore_mem>>)
      %dma_wait3A = arith.constant 0 : i32
      %dma_wait3A_13 = tpu.memref_slice %arg5[%arg0, %mul3A_2, %dma_wait3A] : memref<2x10112x128xf32, #tpu.memory_space<hbm>> -> memref<1x632x128xf32, #tpu.memory_space<hbm>>
      %dma_wait3A_14 = tpu.memref_squeeze %dma_wait3A_13 : memref<1x632x128xf32, #tpu.memory_space<hbm>> -> memref<632x128xf32, #tpu.memory_space<hbm>>
      %dma_wait3A_15 = arith.constant 0 : i32
      %dma_wait3A_16 = tpu.memref_slice %arg8[%mul3A_2, %dma_wait3A_15] : memref<10112x128xf32, #tpu.memory_space<vmem_shared>> -> memref<632x128xf32, #tpu.memory_space<vmem_shared>>
      tpu.wait_dma2 semaphore(%run_scoped3A : memref<!tpu.dma_semaphore, #tpu.memory_space<semaphore_mem>>) src(%dma_wait3A_16 : memref<632x128xf32, #tpu.memory_space<vmem_shared>>) dst(%dma_wait3A_14 : memref<632x128xf32, #tpu.memory_space<hbm>>)
      tpu.yield
    }) : () -> ()
    return
  }
}

#map = affine_map<(d0, d1) -> (0, 0)>
#map1 = affine_map<(d0, d1) -> (0, 0, 0)>
module attributes {stable_mosaic.version = 14 : i64} {
  func.func @_sc_scatter_body(%arg0: i32, %arg1: i32, %arg2: memref<10000x128xf32, #tpu.memory_space<hbm>>, %arg3: memref<32x80x128xi32, #tpu.memory_space<hbm>>, %arg4: memref<32x80x128xi32, #tpu.memory_space<hbm>>, %arg5: memref<10112x128xf32, #tpu.memory_space<hbm>>, %arg6: memref<2x10112x128xf32, #tpu.memory_space<hbm>>, %arg7: memref<40x128xi32, #tpu.memory_space<vmem>>, %arg8: memref<40x128xi32, #tpu.memory_space<vmem>>, %arg9: memref<128x128xf32, #tpu.memory_space<vmem>>, %arg10: memref<128x128xf32, #tpu.memory_space<vmem>>, %arg11: memref<10112x128xf32, #tpu.memory_space<vmem_shared>>, %arg12: memref<!tpu.dma_semaphore, #tpu.memory_space<semaphore_mem>>, %arg13: memref<!tpu.dma_semaphore, #tpu.memory_space<semaphore_mem>>) attributes {dimension_semantics = [#tpu.dimension_semantics<core_parallel>, #tpu.dimension_semantics<subcore_parallel>], iteration_bounds = array<i64: 2, 16>, scalar_prefetch = 0 : i64, scratch_operands = 7 : i64, tpu.core_type = #tpu.core_type<sc_vector_subcore>, window_params = [{transform_indices = #map}, {transform_indices = #map1}, {transform_indices = #map1}, {transform_indices = #map}, {transform_indices = #map1}]} {
    %mul3A = arith.constant 16 : i32
    %mul3A_0 = arith.muli %arg0, %mul3A : i32
    %add3A = arith.addi %mul3A_0, %arg1 : i32
    %mul3A_1 = arith.constant 632 : i32
    %mul3A_2 = arith.muli %arg1, %mul3A_1 : i32
    "tpu.region"() ({
      %run_scoped3A = tpu.sem_alloc : memref<!tpu.dma_semaphore, #tpu.memory_space<semaphore_mem>>
      %dma_start3A_28 = arith.constant 0 : i32
      %dma_start3A_29 = tpu.memref_slice %arg11[%mul3A_2, %dma_start3A_28] : memref<10112x128xf32, #tpu.memory_space<vmem_shared>> -> memref<632x128xf32, #tpu.memory_space<vmem_shared>>
      %dma_start3A_30 = arith.constant 0 : i32
      %dma_start3A_31 = tpu.memref_slice %arg5[%mul3A_2, %dma_start3A_30] : memref<10112x128xf32, #tpu.memory_space<hbm>> -> memref<632x128xf32, #tpu.memory_space<hbm>>
      tpu.enqueue_dma source(%dma_start3A_31 : memref<632x128xf32, #tpu.memory_space<hbm>>) target(%dma_start3A_29 : memref<632x128xf32, #tpu.memory_space<vmem_shared>>) target_semaphore(%run_scoped3A : memref<!tpu.dma_semaphore, #tpu.memory_space<semaphore_mem>>)
      %dma_wait3A = arith.constant 0 : i32
      %dma_wait3A_32 = tpu.memref_slice %arg11[%mul3A_2, %dma_wait3A] : memref<10112x128xf32, #tpu.memory_space<vmem_shared>> -> memref<632x128xf32, #tpu.memory_space<vmem_shared>>
      %dma_wait3A_33 = arith.constant 0 : i32
      %dma_wait3A_34 = tpu.memref_slice %arg5[%mul3A_2, %dma_wait3A_33] : memref<10112x128xf32, #tpu.memory_space<hbm>> -> memref<632x128xf32, #tpu.memory_space<hbm>>
      tpu.wait_dma2 semaphore(%run_scoped3A : memref<!tpu.dma_semaphore, #tpu.memory_space<semaphore_mem>>) src(%dma_wait3A_34 : memref<632x128xf32, #tpu.memory_space<hbm>>) dst(%dma_wait3A_32 : memref<632x128xf32, #tpu.memory_space<vmem_shared>>)
      tpu.yield
    }) : () -> ()
    %barrier3A = arith.constant 0 : index
    tpu.barrier barrier_id(%barrier3A)
    "tpu.region"() ({
      %run_scoped3A = tpu.sem_alloc : memref<!tpu.dma_semaphore, #tpu.memory_space<semaphore_mem>>
      %dma_start3A_28 = arith.constant 0 : i32
      %dma_start3A_29 = arith.constant 0 : i32
      %dma_start3A_30 = tpu.memref_slice %arg3[%add3A, %dma_start3A_28, %dma_start3A_29] : memref<32x80x128xi32, #tpu.memory_space<hbm>> -> memref<1x40x128xi32, #tpu.memory_space<hbm>>
      %dma_start3A_31 = tpu.memref_squeeze %dma_start3A_30 : memref<1x40x128xi32, #tpu.memory_space<hbm>> -> memref<40x128xi32, #tpu.memory_space<hbm>>
      %dma_start3A_32 = arith.constant 0 : i32
      %dma_start3A_33 = arith.constant 0 : i32
      %dma_start3A_34 = tpu.memref_slice %arg3[%add3A, %dma_start3A_32, %dma_start3A_33] : memref<32x80x128xi32, #tpu.memory_space<hbm>> -> memref<1x40x128xi32, #tpu.memory_space<hbm>>
      %dma_start3A_35 = tpu.memref_squeeze %dma_start3A_34 : memref<1x40x128xi32, #tpu.memory_space<hbm>> -> memref<40x128xi32, #tpu.memory_space<hbm>>
      tpu.enqueue_dma source(%dma_start3A_35 : memref<40x128xi32, #tpu.memory_space<hbm>>) target(%arg7 : memref<40x128xi32, #tpu.memory_space<vmem>>) target_semaphore(%run_scoped3A : memref<!tpu.dma_semaphore, #tpu.memory_space<semaphore_mem>>)
      %dma_wait3A = arith.constant 0 : i32
      %dma_wait3A_36 = arith.constant 0 : i32
      %dma_wait3A_37 = tpu.memref_slice %arg3[%add3A, %dma_wait3A, %dma_wait3A_36] : memref<32x80x128xi32, #tpu.memory_space<hbm>> -> memref<1x40x128xi32, #tpu.memory_space<hbm>>
      %dma_wait3A_38 = tpu.memref_squeeze %dma_wait3A_37 : memref<1x40x128xi32, #tpu.memory_space<hbm>> -> memref<40x128xi32, #tpu.memory_space<hbm>>
      %dma_wait3A_39 = arith.constant 0 : i32
      %dma_wait3A_40 = arith.constant 0 : i32
      %dma_wait3A_41 = tpu.memref_slice %arg3[%add3A, %dma_wait3A_39, %dma_wait3A_40] : memref<32x80x128xi32, #tpu.memory_space<hbm>> -> memref<1x40x128xi32, #tpu.memory_space<hbm>>
      %dma_wait3A_42 = tpu.memref_squeeze %dma_wait3A_41 : memref<1x40x128xi32, #tpu.memory_space<hbm>> -> memref<40x128xi32, #tpu.memory_space<hbm>>
      tpu.wait_dma2 semaphore(%run_scoped3A : memref<!tpu.dma_semaphore, #tpu.memory_space<semaphore_mem>>) src(%dma_wait3A_42 : memref<40x128xi32, #tpu.memory_space<hbm>>) dst(%arg7 : memref<40x128xi32, #tpu.memory_space<vmem>>)
      tpu.yield
    }) : () -> ()
    "tpu.region"() ({
      %run_scoped3A = tpu.sem_alloc : memref<!tpu.dma_semaphore, #tpu.memory_space<semaphore_mem>>
      %dma_start3A_28 = arith.constant 0 : i32
      %dma_start3A_29 = arith.constant 0 : i32
      %dma_start3A_30 = tpu.memref_slice %arg4[%add3A, %dma_start3A_28, %dma_start3A_29] : memref<32x80x128xi32, #tpu.memory_space<hbm>> -> memref<1x40x128xi32, #tpu.memory_space<hbm>>
      %dma_start3A_31 = tpu.memref_squeeze %dma_start3A_30 : memref<1x40x128xi32, #tpu.memory_space<hbm>> -> memref<40x128xi32, #tpu.memory_space<hbm>>
      %dma_start3A_32 = arith.constant 0 : i32
      %dma_start3A_33 = arith.constant 0 : i32
      %dma_start3A_34 = tpu.memref_slice %arg4[%add3A, %dma_start3A_32, %dma_start3A_33] : memref<32x80x128xi32, #tpu.memory_space<hbm>> -> memref<1x40x128xi32, #tpu.memory_space<hbm>>
      %dma_start3A_35 = tpu.memref_squeeze %dma_start3A_34 : memref<1x40x128xi32, #tpu.memory_space<hbm>> -> memref<40x128xi32, #tpu.memory_space<hbm>>
      tpu.enqueue_dma source(%dma_start3A_35 : memref<40x128xi32, #tpu.memory_space<hbm>>) target(%arg8 : memref<40x128xi32, #tpu.memory_space<vmem>>) target_semaphore(%run_scoped3A : memref<!tpu.dma_semaphore, #tpu.memory_space<semaphore_mem>>)
      %dma_wait3A = arith.constant 0 : i32
      %dma_wait3A_36 = arith.constant 0 : i32
      %dma_wait3A_37 = tpu.memref_slice %arg4[%add3A, %dma_wait3A, %dma_wait3A_36] : memref<32x80x128xi32, #tpu.memory_space<hbm>> -> memref<1x40x128xi32, #tpu.memory_space<hbm>>
      %dma_wait3A_38 = tpu.memref_squeeze %dma_wait3A_37 : memref<1x40x128xi32, #tpu.memory_space<hbm>> -> memref<40x128xi32, #tpu.memory_space<hbm>>
      %dma_wait3A_39 = arith.constant 0 : i32
      %dma_wait3A_40 = arith.constant 0 : i32
      %dma_wait3A_41 = tpu.memref_slice %arg4[%add3A, %dma_wait3A_39, %dma_wait3A_40] : memref<32x80x128xi32, #tpu.memory_space<hbm>> -> memref<1x40x128xi32, #tpu.memory_space<hbm>>
      %dma_wait3A_42 = tpu.memref_squeeze %dma_wait3A_41 : memref<1x40x128xi32, #tpu.memory_space<hbm>> -> memref<40x128xi32, #tpu.memory_space<hbm>>
      tpu.wait_dma2 semaphore(%run_scoped3A : memref<!tpu.dma_semaphore, #tpu.memory_space<semaphore_mem>>) src(%dma_wait3A_42 : memref<40x128xi32, #tpu.memory_space<hbm>>) dst(%arg8 : memref<40x128xi32, #tpu.memory_space<vmem>>)
      tpu.yield
    }) : () -> ()
    %dma_start3A = arith.constant 0 : i32
    %dma_start3A_3 = arith.constant 0 : i32
    %dma_start3A_4 = tpu.memref_slice %arg7[%dma_start3A, %dma_start3A_3] : memref<40x128xi32, #tpu.memory_space<vmem>> -> memref<1x128xi32, #tpu.memory_space<vmem>>
    %dma_start3A_5 = tpu.memref_squeeze %dma_start3A_4 : memref<1x128xi32, #tpu.memory_space<vmem>> -> memref<128xi32, #tpu.memory_space<vmem>>
    %dma_start3A_6 = arith.constant 0 : i32
    %dma_start3A_7 = arith.constant 0 : i32
    %dma_start3A_8 = tpu.memref_slice %arg2[%dma_start3A_6, %dma_start3A_7] : memref<10000x128xf32, #tpu.memory_space<hbm>> -> memref<10000x128xf32, #tpu.memory_space<hbm>>
    tpu.enqueue_indirect_dma source(%dma_start3A_8 : memref<10000x128xf32, #tpu.memory_space<hbm>>) target(%arg9 : memref<128x128xf32, #tpu.memory_space<vmem>>) offsets(%dma_start3A_5 : memref<128xi32, #tpu.memory_space<vmem>>) semaphore(%arg12 : memref<!tpu.dma_semaphore, #tpu.memory_space<semaphore_mem>>)
    %scan3A = arith.constant 0 : i32
    %scan3A_9 = arith.constant 0 : i32
    %scan3A_10 = arith.constant 20 : i32
    %scan3A_11 = arith.addi %scan3A_9, %scan3A_10 : i32
    %scan3A_12 = arith.constant 1 : i32
    scf.for %scan3A_28 = %scan3A_9 to %scan3A_11 step %scan3A_12  : i32 {
      %dma_wait3A = arith.constant 0 : i32
      %dma_wait3A_29 = arith.constant 0 : i32
      %dma_wait3A_30 = tpu.memref_slice %arg7[%dma_wait3A, %dma_wait3A_29] : memref<40x128xi32, #tpu.memory_space<vmem>> -> memref<1x128xi32, #tpu.memory_space<vmem>>
      %dma_wait3A_31 = tpu.memref_squeeze %dma_wait3A_30 : memref<1x128xi32, #tpu.memory_space<vmem>> -> memref<128xi32, #tpu.memory_space<vmem>>
      %dma_wait3A_32 = arith.constant 0 : i32
      %dma_wait3A_33 = arith.constant 0 : i32
      %dma_wait3A_34 = tpu.memref_slice %arg2[%dma_wait3A_32, %dma_wait3A_33] : memref<10000x128xf32, #tpu.memory_space<hbm>> -> memref<10000x128xf32, #tpu.memory_space<hbm>>
      tpu.wait_indirect_dma semaphore(%arg12 : memref<!tpu.dma_semaphore, #tpu.memory_space<semaphore_mem>>) src(%dma_wait3A_34 : memref<10000x128xf32, #tpu.memory_space<hbm>>) dst(%arg9 : memref<128x128xf32, #tpu.memory_space<vmem>>)
      %mul3A_35 = arith.constant 2 : i32
      %mul3A_36 = arith.muli %mul3A_35, %scan3A_28 : i32
      %add3A_37 = arith.constant 1 : i32
      %add3A_38 = arith.addi %mul3A_36, %add3A_37 : i32
      %dma_start3A_39 = arith.constant 0 : i32
      %dma_start3A_40 = tpu.memref_slice %arg7[%add3A_38, %dma_start3A_39] : memref<40x128xi32, #tpu.memory_space<vmem>> -> memref<1x128xi32, #tpu.memory_space<vmem>>
      %dma_start3A_41 = tpu.memref_squeeze %dma_start3A_40 : memref<1x128xi32, #tpu.memory_space<vmem>> -> memref<128xi32, #tpu.memory_space<vmem>>
      %dma_start3A_42 = arith.constant 0 : i32
      %dma_start3A_43 = arith.constant 0 : i32
      %dma_start3A_44 = tpu.memref_slice %arg2[%dma_start3A_42, %dma_start3A_43] : memref<10000x128xf32, #tpu.memory_space<hbm>> -> memref<10000x128xf32, #tpu.memory_space<hbm>>
      tpu.enqueue_indirect_dma source(%dma_start3A_44 : memref<10000x128xf32, #tpu.memory_space<hbm>>) target(%arg10 : memref<128x128xf32, #tpu.memory_space<vmem>>) offsets(%dma_start3A_41 : memref<128xi32, #tpu.memory_space<vmem>>) semaphore(%arg13 : memref<!tpu.dma_semaphore, #tpu.memory_space<semaphore_mem>>)
      %mul3A_45 = arith.constant 2 : i32
      %mul3A_46 = arith.muli %mul3A_45, %scan3A_28 : i32
      "tpu.region"() ({
        %run_scoped3A = tpu.sem_alloc : memref<!tpu.dma_semaphore, #tpu.memory_space<semaphore_mem>>
        %dma_start3A_64 = arith.constant 0 : i32
        %dma_start3A_65 = tpu.memref_slice %arg8[%mul3A_46, %dma_start3A_64] : memref<40x128xi32, #tpu.memory_space<vmem>> -> memref<1x128xi32, #tpu.memory_space<vmem>>
        %dma_start3A_66 = tpu.memref_squeeze %dma_start3A_65 : memref<1x128xi32, #tpu.memory_space<vmem>> -> memref<128xi32, #tpu.memory_space<vmem>>
        %dma_start3A_67 = arith.constant 0 : i32
        %dma_start3A_68 = arith.constant 0 : i32
        %dma_start3A_69 = tpu.memref_slice %arg11[%dma_start3A_67, %dma_start3A_68] : memref<10112x128xf32, #tpu.memory_space<vmem_shared>> -> memref<10112x128xf32, #tpu.memory_space<vmem_shared>>
        tpu.enqueue_indirect_dma source(%arg9 : memref<128x128xf32, #tpu.memory_space<vmem>>) target(%dma_start3A_69 : memref<10112x128xf32, #tpu.memory_space<vmem_shared>>) offsets(%dma_start3A_66 : memref<128xi32, #tpu.memory_space<vmem>>) semaphore(%run_scoped3A : memref<!tpu.dma_semaphore, #tpu.memory_space<semaphore_mem>>) {add = true}
        %dma_wait3A_70 = arith.constant 0 : i32
        %dma_wait3A_71 = tpu.memref_slice %arg8[%mul3A_46, %dma_wait3A_70] : memref<40x128xi32, #tpu.memory_space<vmem>> -> memref<1x128xi32, #tpu.memory_space<vmem>>
        %dma_wait3A_72 = tpu.memref_squeeze %dma_wait3A_71 : memref<1x128xi32, #tpu.memory_space<vmem>> -> memref<128xi32, #tpu.memory_space<vmem>>
        %dma_wait3A_73 = arith.constant 0 : i32
        %dma_wait3A_74 = arith.constant 0 : i32
        %dma_wait3A_75 = tpu.memref_slice %arg11[%dma_wait3A_73, %dma_wait3A_74] : memref<10112x128xf32, #tpu.memory_space<vmem_shared>> -> memref<10112x128xf32, #tpu.memory_space<vmem_shared>>
        tpu.wait_indirect_dma semaphore(%run_scoped3A : memref<!tpu.dma_semaphore, #tpu.memory_space<semaphore_mem>>) src(%arg9 : memref<128x128xf32, #tpu.memory_space<vmem>>) dst(%dma_wait3A_75 : memref<10112x128xf32, #tpu.memory_space<vmem_shared>>)
        tpu.yield
      }) : () -> ()
      %dma_wait3A_47 = arith.constant 0 : i32
      %dma_wait3A_48 = arith.constant 0 : i32
      %dma_wait3A_49 = tpu.memref_slice %arg7[%dma_wait3A_47, %dma_wait3A_48] : memref<40x128xi32, #tpu.memory_space<vmem>> -> memref<1x128xi32, #tpu.memory_space<vmem>>
      %dma_wait3A_50 = tpu.memref_squeeze %dma_wait3A_49 : memref<1x128xi32, #tpu.memory_space<vmem>> -> memref<128xi32, #tpu.memory_space<vmem>>
      %dma_wait3A_51 = arith.constant 0 : i32
      %dma_wait3A_52 = arith.constant 0 : i32
      %dma_wait3A_53 = tpu.memref_slice %arg2[%dma_wait3A_51, %dma_wait3A_52] : memref<10000x128xf32, #tpu.memory_space<hbm>> -> memref<10000x128xf32, #tpu.memory_space<hbm>>
      tpu.wait_indirect_dma semaphore(%arg13 : memref<!tpu.dma_semaphore, #tpu.memory_space<semaphore_mem>>) src(%dma_wait3A_53 : memref<10000x128xf32, #tpu.memory_space<hbm>>) dst(%arg10 : memref<128x128xf32, #tpu.memory_space<vmem>>)
      %mul3A_54 = arith.constant 2 : i32
      %mul3A_55 = arith.muli %mul3A_54, %scan3A_28 : i32
      %add3A_56 = arith.constant 2 : i32
      %add3A_57 = arith.addi %mul3A_55, %add3A_56 : i32
      %lt3A = arith.constant 40 : i32
      %lt3A_58 = arith.cmpi slt, %add3A_57, %lt3A : i32
      %convert_element_type3A = arith.extui %lt3A_58 : i1 to i32
      %cond3A = arith.constant 0 : i32
      %cond3A_59 = arith.cmpi ne, %convert_element_type3A, %cond3A : i32
      scf.if %cond3A_59 {
        %mul3A_64 = arith.constant 2 : i32
        %mul3A_65 = arith.muli %mul3A_64, %scan3A_28 : i32
        %add3A_66 = arith.constant 2 : i32
        %add3A_67 = arith.addi %mul3A_65, %add3A_66 : i32
        %dma_start3A_68 = arith.constant 0 : i32
        %dma_start3A_69 = tpu.memref_slice %arg7[%add3A_67, %dma_start3A_68] : memref<40x128xi32, #tpu.memory_space<vmem>> -> memref<1x128xi32, #tpu.memory_space<vmem>>
        %dma_start3A_70 = tpu.memref_squeeze %dma_start3A_69 : memref<1x128xi32, #tpu.memory_space<vmem>> -> memref<128xi32, #tpu.memory_space<vmem>>
        %dma_start3A_71 = arith.constant 0 : i32
        %dma_start3A_72 = arith.constant 0 : i32
        %dma_start3A_73 = tpu.memref_slice %arg2[%dma_start3A_71, %dma_start3A_72] : memref<10000x128xf32, #tpu.memory_space<hbm>> -> memref<10000x128xf32, #tpu.memory_space<hbm>>
        tpu.enqueue_indirect_dma source(%dma_start3A_73 : memref<10000x128xf32, #tpu.memory_space<hbm>>) target(%arg9 : memref<128x128xf32, #tpu.memory_space<vmem>>) offsets(%dma_start3A_70 : memref<128xi32, #tpu.memory_space<vmem>>) semaphore(%arg12 : memref<!tpu.dma_semaphore, #tpu.memory_space<semaphore_mem>>)
      } else {
      }
      %mul3A_60 = arith.constant 2 : i32
      %mul3A_61 = arith.muli %mul3A_60, %scan3A_28 : i32
      %add3A_62 = arith.constant 1 : i32
      %add3A_63 = arith.addi %mul3A_61, %add3A_62 : i32
      "tpu.region"() ({
        %run_scoped3A = tpu.sem_alloc : memref<!tpu.dma_semaphore, #tpu.memory_space<semaphore_mem>>
        %dma_start3A_64 = arith.constant 0 : i32
        %dma_start3A_65 = tpu.memref_slice %arg8[%add3A_63, %dma_start3A_64] : memref<40x128xi32, #tpu.memory_space<vmem>> -> memref<1x128xi32, #tpu.memory_space<vmem>>
        %dma_start3A_66 = tpu.memref_squeeze %dma_start3A_65 : memref<1x128xi32, #tpu.memory_space<vmem>> -> memref<128xi32, #tpu.memory_space<vmem>>
        %dma_start3A_67 = arith.constant 0 : i32
        %dma_start3A_68 = arith.constant 0 : i32
        %dma_start3A_69 = tpu.memref_slice %arg11[%dma_start3A_67, %dma_start3A_68] : memref<10112x128xf32, #tpu.memory_space<vmem_shared>> -> memref<10112x128xf32, #tpu.memory_space<vmem_shared>>
        tpu.enqueue_indirect_dma source(%arg10 : memref<128x128xf32, #tpu.memory_space<vmem>>) target(%dma_start3A_69 : memref<10112x128xf32, #tpu.memory_space<vmem_shared>>) offsets(%dma_start3A_66 : memref<128xi32, #tpu.memory_space<vmem>>) semaphore(%run_scoped3A : memref<!tpu.dma_semaphore, #tpu.memory_space<semaphore_mem>>) {add = true}
        %dma_wait3A_70 = arith.constant 0 : i32
        %dma_wait3A_71 = tpu.memref_slice %arg8[%add3A_63, %dma_wait3A_70] : memref<40x128xi32, #tpu.memory_space<vmem>> -> memref<1x128xi32, #tpu.memory_space<vmem>>
        %dma_wait3A_72 = tpu.memref_squeeze %dma_wait3A_71 : memref<1x128xi32, #tpu.memory_space<vmem>> -> memref<128xi32, #tpu.memory_space<vmem>>
        %dma_wait3A_73 = arith.constant 0 : i32
        %dma_wait3A_74 = arith.constant 0 : i32
        %dma_wait3A_75 = tpu.memref_slice %arg11[%dma_wait3A_73, %dma_wait3A_74] : memref<10112x128xf32, #tpu.memory_space<vmem_shared>> -> memref<10112x128xf32, #tpu.memory_space<vmem_shared>>
        tpu.wait_indirect_dma semaphore(%run_scoped3A : memref<!tpu.dma_semaphore, #tpu.memory_space<semaphore_mem>>) src(%arg10 : memref<128x128xf32, #tpu.memory_space<vmem>>) dst(%dma_wait3A_75 : memref<10112x128xf32, #tpu.memory_space<vmem_shared>>)
        tpu.yield
      }) : () -> ()
    }
    %scan3A_13 = arith.constant 20 : i32
    "tpu.region"() ({
      %run_scoped3A = tpu.sem_alloc : memref<!tpu.dma_semaphore, #tpu.memory_space<semaphore_mem>>
      %dma_start3A_28 = arith.constant 40 : i32
      %dma_start3A_29 = arith.constant 0 : i32
      %dma_start3A_30 = tpu.memref_slice %arg3[%add3A, %dma_start3A_28, %dma_start3A_29] : memref<32x80x128xi32, #tpu.memory_space<hbm>> -> memref<1x40x128xi32, #tpu.memory_space<hbm>>
      %dma_start3A_31 = tpu.memref_squeeze %dma_start3A_30 : memref<1x40x128xi32, #tpu.memory_space<hbm>> -> memref<40x128xi32, #tpu.memory_space<hbm>>
      %dma_start3A_32 = arith.constant 40 : i32
      %dma_start3A_33 = arith.constant 0 : i32
      %dma_start3A_34 = tpu.memref_slice %arg3[%add3A, %dma_start3A_32, %dma_start3A_33] : memref<32x80x128xi32, #tpu.memory_space<hbm>> -> memref<1x40x128xi32, #tpu.memory_space<hbm>>
      %dma_start3A_35 = tpu.memref_squeeze %dma_start3A_34 : memref<1x40x128xi32, #tpu.memory_space<hbm>> -> memref<40x128xi32, #tpu.memory_space<hbm>>
      tpu.enqueue_dma source(%dma_start3A_35 : memref<40x128xi32, #tpu.memory_space<hbm>>) target(%arg7 : memref<40x128xi32, #tpu.memory_space<vmem>>) target_semaphore(%run_scoped3A : memref<!tpu.dma_semaphore, #tpu.memory_space<semaphore_mem>>)
      %dma_wait3A = arith.constant 40 : i32
      %dma_wait3A_36 = arith.constant 0 : i32
      %dma_wait3A_37 = tpu.memref_slice %arg3[%add3A, %dma_wait3A, %dma_wait3A_36] : memref<32x80x128xi32, #tpu.memory_space<hbm>> -> memref<1x40x128xi32, #tpu.memory_space<hbm>>
      %dma_wait3A_38 = tpu.memref_squeeze %dma_wait3A_37 : memref<1x40x128xi32, #tpu.memory_space<hbm>> -> memref<40x128xi32, #tpu.memory_space<hbm>>
      %dma_wait3A_39 = arith.constant 40 : i32
      %dma_wait3A_40 = arith.constant 0 : i32
      %dma_wait3A_41 = tpu.memref_slice %arg3[%add3A, %dma_wait3A_39, %dma_wait3A_40] : memref<32x80x128xi32, #tpu.memory_space<hbm>> -> memref<1x40x128xi32, #tpu.memory_space<hbm>>
      %dma_wait3A_42 = tpu.memref_squeeze %dma_wait3A_41 : memref<1x40x128xi32, #tpu.memory_space<hbm>> -> memref<40x128xi32, #tpu.memory_space<hbm>>
      tpu.wait_dma2 semaphore(%run_scoped3A : memref<!tpu.dma_semaphore, #tpu.memory_space<semaphore_mem>>) src(%dma_wait3A_42 : memref<40x128xi32, #tpu.memory_space<hbm>>) dst(%arg7 : memref<40x128xi32, #tpu.memory_space<vmem>>)
      tpu.yield
    }) : () -> ()
    "tpu.region"() ({
      %run_scoped3A = tpu.sem_alloc : memref<!tpu.dma_semaphore, #tpu.memory_space<semaphore_mem>>
      %dma_start3A_28 = arith.constant 40 : i32
      %dma_start3A_29 = arith.constant 0 : i32
      %dma_start3A_30 = tpu.memref_slice %arg4[%add3A, %dma_start3A_28, %dma_start3A_29] : memref<32x80x128xi32, #tpu.memory_space<hbm>> -> memref<1x40x128xi32, #tpu.memory_space<hbm>>
      %dma_start3A_31 = tpu.memref_squeeze %dma_start3A_30 : memref<1x40x128xi32, #tpu.memory_space<hbm>> -> memref<40x128xi32, #tpu.memory_space<hbm>>
      %dma_start3A_32 = arith.constant 40 : i32
      %dma_start3A_33 = arith.constant 0 : i32
      %dma_start3A_34 = tpu.memref_slice %arg4[%add3A, %dma_start3A_32, %dma_start3A_33] : memref<32x80x128xi32, #tpu.memory_space<hbm>> -> memref<1x40x128xi32, #tpu.memory_space<hbm>>
      %dma_start3A_35 = tpu.memref_squeeze %dma_start3A_34 : memref<1x40x128xi32, #tpu.memory_space<hbm>> -> memref<40x128xi32, #tpu.memory_space<hbm>>
      tpu.enqueue_dma source(%dma_start3A_35 : memref<40x128xi32, #tpu.memory_space<hbm>>) target(%arg8 : memref<40x128xi32, #tpu.memory_space<vmem>>) target_semaphore(%run_scoped3A : memref<!tpu.dma_semaphore, #tpu.memory_space<semaphore_mem>>)
      %dma_wait3A = arith.constant 40 : i32
      %dma_wait3A_36 = arith.constant 0 : i32
      %dma_wait3A_37 = tpu.memref_slice %arg4[%add3A, %dma_wait3A, %dma_wait3A_36] : memref<32x80x128xi32, #tpu.memory_space<hbm>> -> memref<1x40x128xi32, #tpu.memory_space<hbm>>
      %dma_wait3A_38 = tpu.memref_squeeze %dma_wait3A_37 : memref<1x40x128xi32, #tpu.memory_space<hbm>> -> memref<40x128xi32, #tpu.memory_space<hbm>>
      %dma_wait3A_39 = arith.constant 40 : i32
      %dma_wait3A_40 = arith.constant 0 : i32
      %dma_wait3A_41 = tpu.memref_slice %arg4[%add3A, %dma_wait3A_39, %dma_wait3A_40] : memref<32x80x128xi32, #tpu.memory_space<hbm>> -> memref<1x40x128xi32, #tpu.memory_space<hbm>>
      %dma_wait3A_42 = tpu.memref_squeeze %dma_wait3A_41 : memref<1x40x128xi32, #tpu.memory_space<hbm>> -> memref<40x128xi32, #tpu.memory_space<hbm>>
      tpu.wait_dma2 semaphore(%run_scoped3A : memref<!tpu.dma_semaphore, #tpu.memory_space<semaphore_mem>>) src(%dma_wait3A_42 : memref<40x128xi32, #tpu.memory_space<hbm>>) dst(%arg8 : memref<40x128xi32, #tpu.memory_space<vmem>>)
      tpu.yield
    }) : () -> ()
    %dma_start3A_14 = arith.constant 0 : i32
    %dma_start3A_15 = arith.constant 0 : i32
    %dma_start3A_16 = tpu.memref_slice %arg7[%dma_start3A_14, %dma_start3A_15] : memref<40x128xi32, #tpu.memory_space<vmem>> -> memref<1x128xi32, #tpu.memory_space<vmem>>
    %dma_start3A_17 = tpu.memref_squeeze %dma_start3A_16 : memref<1x128xi32, #tpu.memory_space<vmem>> -> memref<128xi32, #tpu.memory_space<vmem>>
    %dma_start3A_18 = arith.constant 0 : i32
    %dma_start3A_19 = arith.constant 0 : i32
    %dma_start3A_20 = tpu.memref_slice %arg2[%dma_start3A_18, %dma_start3A_19] : memref<10000x128xf32, #tpu.memory_space<hbm>> -> memref<10000x128xf32, #tpu.memory_space<hbm>>
    tpu.enqueue_indirect_dma source(%dma_start3A_20 : memref<10000x128xf32, #tpu.memory_space<hbm>>) target(%arg9 : memref<128x128xf32, #tpu.memory_space<vmem>>) offsets(%dma_start3A_17 : memref<128xi32, #tpu.memory_space<vmem>>) semaphore(%arg12 : memref<!tpu.dma_semaphore, #tpu.memory_space<semaphore_mem>>)
    %scan3A_21 = arith.constant 0 : i32
    %scan3A_22 = arith.constant 0 : i32
    %scan3A_23 = arith.constant 20 : i32
    %scan3A_24 = arith.addi %scan3A_22, %scan3A_23 : i32
    %scan3A_25 = arith.constant 1 : i32
    scf.for %scan3A_28 = %scan3A_22 to %scan3A_24 step %scan3A_25  : i32 {
      %dma_wait3A = arith.constant 0 : i32
      %dma_wait3A_29 = arith.constant 0 : i32
      %dma_wait3A_30 = tpu.memref_slice %arg7[%dma_wait3A, %dma_wait3A_29] : memref<40x128xi32, #tpu.memory_space<vmem>> -> memref<1x128xi32, #tpu.memory_space<vmem>>
      %dma_wait3A_31 = tpu.memref_squeeze %dma_wait3A_30 : memref<1x128xi32, #tpu.memory_space<vmem>> -> memref<128xi32, #tpu.memory_space<vmem>>
      %dma_wait3A_32 = arith.constant 0 : i32
      %dma_wait3A_33 = arith.constant 0 : i32
      %dma_wait3A_34 = tpu.memref_slice %arg2[%dma_wait3A_32, %dma_wait3A_33] : memref<10000x128xf32, #tpu.memory_space<hbm>> -> memref<10000x128xf32, #tpu.memory_space<hbm>>
      tpu.wait_indirect_dma semaphore(%arg12 : memref<!tpu.dma_semaphore, #tpu.memory_space<semaphore_mem>>) src(%dma_wait3A_34 : memref<10000x128xf32, #tpu.memory_space<hbm>>) dst(%arg9 : memref<128x128xf32, #tpu.memory_space<vmem>>)
      %mul3A_35 = arith.constant 2 : i32
      %mul3A_36 = arith.muli %mul3A_35, %scan3A_28 : i32
      %add3A_37 = arith.constant 1 : i32
      %add3A_38 = arith.addi %mul3A_36, %add3A_37 : i32
      %dma_start3A_39 = arith.constant 0 : i32
      %dma_start3A_40 = tpu.memref_slice %arg7[%add3A_38, %dma_start3A_39] : memref<40x128xi32, #tpu.memory_space<vmem>> -> memref<1x128xi32, #tpu.memory_space<vmem>>
      %dma_start3A_41 = tpu.memref_squeeze %dma_start3A_40 : memref<1x128xi32, #tpu.memory_space<vmem>> -> memref<128xi32, #tpu.memory_space<vmem>>
      %dma_start3A_42 = arith.constant 0 : i32
      %dma_start3A_43 = arith.constant 0 : i32
      %dma_start3A_44 = tpu.memref_slice %arg2[%dma_start3A_42, %dma_start3A_43] : memref<10000x128xf32, #tpu.memory_space<hbm>> -> memref<10000x128xf32, #tpu.memory_space<hbm>>
      tpu.enqueue_indirect_dma source(%dma_start3A_44 : memref<10000x128xf32, #tpu.memory_space<hbm>>) target(%arg10 : memref<128x128xf32, #tpu.memory_space<vmem>>) offsets(%dma_start3A_41 : memref<128xi32, #tpu.memory_space<vmem>>) semaphore(%arg13 : memref<!tpu.dma_semaphore, #tpu.memory_space<semaphore_mem>>)
      %mul3A_45 = arith.constant 2 : i32
      %mul3A_46 = arith.muli %mul3A_45, %scan3A_28 : i32
      "tpu.region"() ({
        %run_scoped3A = tpu.sem_alloc : memref<!tpu.dma_semaphore, #tpu.memory_space<semaphore_mem>>
        %dma_start3A_64 = arith.constant 0 : i32
        %dma_start3A_65 = tpu.memref_slice %arg8[%mul3A_46, %dma_start3A_64] : memref<40x128xi32, #tpu.memory_space<vmem>> -> memref<1x128xi32, #tpu.memory_space<vmem>>
        %dma_start3A_66 = tpu.memref_squeeze %dma_start3A_65 : memref<1x128xi32, #tpu.memory_space<vmem>> -> memref<128xi32, #tpu.memory_space<vmem>>
        %dma_start3A_67 = arith.constant 0 : i32
        %dma_start3A_68 = arith.constant 0 : i32
        %dma_start3A_69 = tpu.memref_slice %arg11[%dma_start3A_67, %dma_start3A_68] : memref<10112x128xf32, #tpu.memory_space<vmem_shared>> -> memref<10112x128xf32, #tpu.memory_space<vmem_shared>>
        tpu.enqueue_indirect_dma source(%arg9 : memref<128x128xf32, #tpu.memory_space<vmem>>) target(%dma_start3A_69 : memref<10112x128xf32, #tpu.memory_space<vmem_shared>>) offsets(%dma_start3A_66 : memref<128xi32, #tpu.memory_space<vmem>>) semaphore(%run_scoped3A : memref<!tpu.dma_semaphore, #tpu.memory_space<semaphore_mem>>) {add = true}
        %dma_wait3A_70 = arith.constant 0 : i32
        %dma_wait3A_71 = tpu.memref_slice %arg8[%mul3A_46, %dma_wait3A_70] : memref<40x128xi32, #tpu.memory_space<vmem>> -> memref<1x128xi32, #tpu.memory_space<vmem>>
        %dma_wait3A_72 = tpu.memref_squeeze %dma_wait3A_71 : memref<1x128xi32, #tpu.memory_space<vmem>> -> memref<128xi32, #tpu.memory_space<vmem>>
        %dma_wait3A_73 = arith.constant 0 : i32
        %dma_wait3A_74 = arith.constant 0 : i32
        %dma_wait3A_75 = tpu.memref_slice %arg11[%dma_wait3A_73, %dma_wait3A_74] : memref<10112x128xf32, #tpu.memory_space<vmem_shared>> -> memref<10112x128xf32, #tpu.memory_space<vmem_shared>>
        tpu.wait_indirect_dma semaphore(%run_scoped3A : memref<!tpu.dma_semaphore, #tpu.memory_space<semaphore_mem>>) src(%arg9 : memref<128x128xf32, #tpu.memory_space<vmem>>) dst(%dma_wait3A_75 : memref<10112x128xf32, #tpu.memory_space<vmem_shared>>)
        tpu.yield
      }) : () -> ()
      %dma_wait3A_47 = arith.constant 0 : i32
      %dma_wait3A_48 = arith.constant 0 : i32
      %dma_wait3A_49 = tpu.memref_slice %arg7[%dma_wait3A_47, %dma_wait3A_48] : memref<40x128xi32, #tpu.memory_space<vmem>> -> memref<1x128xi32, #tpu.memory_space<vmem>>
      %dma_wait3A_50 = tpu.memref_squeeze %dma_wait3A_49 : memref<1x128xi32, #tpu.memory_space<vmem>> -> memref<128xi32, #tpu.memory_space<vmem>>
      %dma_wait3A_51 = arith.constant 0 : i32
      %dma_wait3A_52 = arith.constant 0 : i32
      %dma_wait3A_53 = tpu.memref_slice %arg2[%dma_wait3A_51, %dma_wait3A_52] : memref<10000x128xf32, #tpu.memory_space<hbm>> -> memref<10000x128xf32, #tpu.memory_space<hbm>>
      tpu.wait_indirect_dma semaphore(%arg13 : memref<!tpu.dma_semaphore, #tpu.memory_space<semaphore_mem>>) src(%dma_wait3A_53 : memref<10000x128xf32, #tpu.memory_space<hbm>>) dst(%arg10 : memref<128x128xf32, #tpu.memory_space<vmem>>)
      %mul3A_54 = arith.constant 2 : i32
      %mul3A_55 = arith.muli %mul3A_54, %scan3A_28 : i32
      %add3A_56 = arith.constant 2 : i32
      %add3A_57 = arith.addi %mul3A_55, %add3A_56 : i32
      %lt3A = arith.constant 40 : i32
      %lt3A_58 = arith.cmpi slt, %add3A_57, %lt3A : i32
      %convert_element_type3A = arith.extui %lt3A_58 : i1 to i32
      %cond3A = arith.constant 0 : i32
      %cond3A_59 = arith.cmpi ne, %convert_element_type3A, %cond3A : i32
      scf.if %cond3A_59 {
        %mul3A_64 = arith.constant 2 : i32
        %mul3A_65 = arith.muli %mul3A_64, %scan3A_28 : i32
        %add3A_66 = arith.constant 2 : i32
        %add3A_67 = arith.addi %mul3A_65, %add3A_66 : i32
        %dma_start3A_68 = arith.constant 0 : i32
        %dma_start3A_69 = tpu.memref_slice %arg7[%add3A_67, %dma_start3A_68] : memref<40x128xi32, #tpu.memory_space<vmem>> -> memref<1x128xi32, #tpu.memory_space<vmem>>
        %dma_start3A_70 = tpu.memref_squeeze %dma_start3A_69 : memref<1x128xi32, #tpu.memory_space<vmem>> -> memref<128xi32, #tpu.memory_space<vmem>>
        %dma_start3A_71 = arith.constant 0 : i32
        %dma_start3A_72 = arith.constant 0 : i32
        %dma_start3A_73 = tpu.memref_slice %arg2[%dma_start3A_71, %dma_start3A_72] : memref<10000x128xf32, #tpu.memory_space<hbm>> -> memref<10000x128xf32, #tpu.memory_space<hbm>>
        tpu.enqueue_indirect_dma source(%dma_start3A_73 : memref<10000x128xf32, #tpu.memory_space<hbm>>) target(%arg9 : memref<128x128xf32, #tpu.memory_space<vmem>>) offsets(%dma_start3A_70 : memref<128xi32, #tpu.memory_space<vmem>>) semaphore(%arg12 : memref<!tpu.dma_semaphore, #tpu.memory_space<semaphore_mem>>)
      } else {
      }
      %mul3A_60 = arith.constant 2 : i32
      %mul3A_61 = arith.muli %mul3A_60, %scan3A_28 : i32
      %add3A_62 = arith.constant 1 : i32
      %add3A_63 = arith.addi %mul3A_61, %add3A_62 : i32
      "tpu.region"() ({
        %run_scoped3A = tpu.sem_alloc : memref<!tpu.dma_semaphore, #tpu.memory_space<semaphore_mem>>
        %dma_start3A_64 = arith.constant 0 : i32
        %dma_start3A_65 = tpu.memref_slice %arg8[%add3A_63, %dma_start3A_64] : memref<40x128xi32, #tpu.memory_space<vmem>> -> memref<1x128xi32, #tpu.memory_space<vmem>>
        %dma_start3A_66 = tpu.memref_squeeze %dma_start3A_65 : memref<1x128xi32, #tpu.memory_space<vmem>> -> memref<128xi32, #tpu.memory_space<vmem>>
        %dma_start3A_67 = arith.constant 0 : i32
        %dma_start3A_68 = arith.constant 0 : i32
        %dma_start3A_69 = tpu.memref_slice %arg11[%dma_start3A_67, %dma_start3A_68] : memref<10112x128xf32, #tpu.memory_space<vmem_shared>> -> memref<10112x128xf32, #tpu.memory_space<vmem_shared>>
        tpu.enqueue_indirect_dma source(%arg10 : memref<128x128xf32, #tpu.memory_space<vmem>>) target(%dma_start3A_69 : memref<10112x128xf32, #tpu.memory_space<vmem_shared>>) offsets(%dma_start3A_66 : memref<128xi32, #tpu.memory_space<vmem>>) semaphore(%run_scoped3A : memref<!tpu.dma_semaphore, #tpu.memory_space<semaphore_mem>>) {add = true}
        %dma_wait3A_70 = arith.constant 0 : i32
        %dma_wait3A_71 = tpu.memref_slice %arg8[%add3A_63, %dma_wait3A_70] : memref<40x128xi32, #tpu.memory_space<vmem>> -> memref<1x128xi32, #tpu.memory_space<vmem>>
        %dma_wait3A_72 = tpu.memref_squeeze %dma_wait3A_71 : memref<1x128xi32, #tpu.memory_space<vmem>> -> memref<128xi32, #tpu.memory_space<vmem>>
        %dma_wait3A_73 = arith.constant 0 : i32
        %dma_wait3A_74 = arith.constant 0 : i32
        %dma_wait3A_75 = tpu.memref_slice %arg11[%dma_wait3A_73, %dma_wait3A_74] : memref<10112x128xf32, #tpu.memory_space<vmem_shared>> -> memref<10112x128xf32, #tpu.memory_space<vmem_shared>>
        tpu.wait_indirect_dma semaphore(%run_scoped3A : memref<!tpu.dma_semaphore, #tpu.memory_space<semaphore_mem>>) src(%arg10 : memref<128x128xf32, #tpu.memory_space<vmem>>) dst(%dma_wait3A_75 : memref<10112x128xf32, #tpu.memory_space<vmem_shared>>)
        tpu.yield
      }) : () -> ()
    }
    %scan3A_26 = arith.constant 20 : i32
    %barrier3A_27 = arith.constant 0 : index
    tpu.barrier barrier_id(%barrier3A_27)
    "tpu.region"() ({
      %run_scoped3A = tpu.sem_alloc : memref<!tpu.dma_semaphore, #tpu.memory_space<semaphore_mem>>
      %dma_start3A_28 = arith.constant 0 : i32
      %dma_start3A_29 = tpu.memref_slice %arg6[%arg0, %mul3A_2, %dma_start3A_28] : memref<2x10112x128xf32, #tpu.memory_space<hbm>> -> memref<1x632x128xf32, #tpu.memory_space<hbm>>
      %dma_start3A_30 = tpu.memref_squeeze %dma_start3A_29 : memref<1x632x128xf32, #tpu.memory_space<hbm>> -> memref<632x128xf32, #tpu.memory_space<hbm>>
      %dma_start3A_31 = arith.constant 0 : i32
      %dma_start3A_32 = tpu.memref_slice %arg11[%mul3A_2, %dma_start3A_31] : memref<10112x128xf32, #tpu.memory_space<vmem_shared>> -> memref<632x128xf32, #tpu.memory_space<vmem_shared>>
      tpu.enqueue_dma source(%dma_start3A_32 : memref<632x128xf32, #tpu.memory_space<vmem_shared>>) target(%dma_start3A_30 : memref<632x128xf32, #tpu.memory_space<hbm>>) target_semaphore(%run_scoped3A : memref<!tpu.dma_semaphore, #tpu.memory_space<semaphore_mem>>)
      %dma_wait3A = arith.constant 0 : i32
      %dma_wait3A_33 = tpu.memref_slice %arg6[%arg0, %mul3A_2, %dma_wait3A] : memref<2x10112x128xf32, #tpu.memory_space<hbm>> -> memref<1x632x128xf32, #tpu.memory_space<hbm>>
      %dma_wait3A_34 = tpu.memref_squeeze %dma_wait3A_33 : memref<1x632x128xf32, #tpu.memory_space<hbm>> -> memref<632x128xf32, #tpu.memory_space<hbm>>
      %dma_wait3A_35 = arith.constant 0 : i32
      %dma_wait3A_36 = tpu.memref_slice %arg11[%mul3A_2, %dma_wait3A_35] : memref<10112x128xf32, #tpu.memory_space<vmem_shared>> -> memref<632x128xf32, #tpu.memory_space<vmem_shared>>
      tpu.wait_dma2 semaphore(%run_scoped3A : memref<!tpu.dma_semaphore, #tpu.memory_space<semaphore_mem>>) src(%dma_wait3A_36 : memref<632x128xf32, #tpu.memory_space<vmem_shared>>) dst(%dma_wait3A_34 : memref<632x128xf32, #tpu.memory_space<hbm>>)
      tpu.yield
    }) : () -> ()
    return
  }
}

module attributes {stable_mosaic.version = 14 : i64} {
  func.func @_tc_hembed_body(%arg0: i32, %arg1: memref<400x9xi32, #tpu.memory_space<vmem>>, %arg2: memref<176x128xf32, #tpu.memory_space<vmem>>, %arg3: memref<400x128xf32, #tpu.memory_space<vmem>>) attributes {dimension_semantics = [#tpu.dimension_semantics<arbitrary>], iteration_bounds = array<i64: 25>, scalar_prefetch = 0 : i64, scratch_operands = 0 : i64, tpu.core_type = #tpu.core_type<tc>, window_params = [{transform_indices = @transform_0, window_bounds = array<i64: 400, 9>}, {pipeline_mode = #tpu.pipeline_mode<synchronous>, transform_indices = @transform_1, window_bounds = array<i64: 176, 128>}, {transform_indices = @transform_2, window_bounds = array<i64: 400, 128>}]} {
    %get3A = arith.constant 0 : index
    %get3A_0 = arith.constant 0 : index
    %get3A_1 = vector.load %arg1[%get3A, %get3A_0] : memref<400x9xi32, #tpu.memory_space<vmem>>, vector<400x9xi32>
    %iota3A = tpu.iota {dimensions = array<i32: 1>} : vector<400x176xi32>
    %broadcast_in_dim3A = arith.constant 0.000000e+00 : f32
    %broadcast_in_dim3A_2 = vector.broadcast %broadcast_in_dim3A : f32 to vector<400x176xf32>
    %slice3A = vector.extract_strided_slice %get3A_1 {offsets = [0, 0], sizes = [400, 1], strides = [1, 1]} : vector<400x9xi32> to vector<400x1xi32>
    %eq3A = vector.broadcast %slice3A : vector<400x1xi32> to vector<400x176xi32>
    %eq3A_3 = arith.cmpi eq, %iota3A, %eq3A : vector<400x176xi32>
    %convert_element_type3A = arith.extui %eq3A_3 : vector<400x176xi1> to vector<400x176xi32>
    %convert_element_type3A_4 = arith.sitofp %convert_element_type3A : vector<400x176xi32> to vector<400x176xf32>
    %add3A = arith.addf %broadcast_in_dim3A_2, %convert_element_type3A_4 : vector<400x176xf32>
    %slice3A_5 = vector.extract_strided_slice %get3A_1 {offsets = [0, 1], sizes = [400, 1], strides = [1, 1]} : vector<400x9xi32> to vector<400x1xi32>
    %eq3A_6 = vector.broadcast %slice3A_5 : vector<400x1xi32> to vector<400x176xi32>
    %eq3A_7 = arith.cmpi eq, %iota3A, %eq3A_6 : vector<400x176xi32>
    %convert_element_type3A_8 = arith.extui %eq3A_7 : vector<400x176xi1> to vector<400x176xi32>
    %convert_element_type3A_9 = arith.sitofp %convert_element_type3A_8 : vector<400x176xi32> to vector<400x176xf32>
    %add3A_10 = arith.addf %add3A, %convert_element_type3A_9 : vector<400x176xf32>
    %slice3A_11 = vector.extract_strided_slice %get3A_1 {offsets = [0, 2], sizes = [400, 1], strides = [1, 1]} : vector<400x9xi32> to vector<400x1xi32>
    %eq3A_12 = vector.broadcast %slice3A_11 : vector<400x1xi32> to vector<400x176xi32>
    %eq3A_13 = arith.cmpi eq, %iota3A, %eq3A_12 : vector<400x176xi32>
    %convert_element_type3A_14 = arith.extui %eq3A_13 : vector<400x176xi1> to vector<400x176xi32>
    %convert_element_type3A_15 = arith.sitofp %convert_element_type3A_14 : vector<400x176xi32> to vector<400x176xf32>
    %add3A_16 = arith.addf %add3A_10, %convert_element_type3A_15 : vector<400x176xf32>
    %slice3A_17 = vector.extract_strided_slice %get3A_1 {offsets = [0, 3], sizes = [400, 1], strides = [1, 1]} : vector<400x9xi32> to vector<400x1xi32>
    %eq3A_18 = vector.broadcast %slice3A_17 : vector<400x1xi32> to vector<400x176xi32>
    %eq3A_19 = arith.cmpi eq, %iota3A, %eq3A_18 : vector<400x176xi32>
    %convert_element_type3A_20 = arith.extui %eq3A_19 : vector<400x176xi1> to vector<400x176xi32>
    %convert_element_type3A_21 = arith.sitofp %convert_element_type3A_20 : vector<400x176xi32> to vector<400x176xf32>
    %add3A_22 = arith.addf %add3A_16, %convert_element_type3A_21 : vector<400x176xf32>
    %slice3A_23 = vector.extract_strided_slice %get3A_1 {offsets = [0, 4], sizes = [400, 1], strides = [1, 1]} : vector<400x9xi32> to vector<400x1xi32>
    %eq3A_24 = vector.broadcast %slice3A_23 : vector<400x1xi32> to vector<400x176xi32>
    %eq3A_25 = arith.cmpi eq, %iota3A, %eq3A_24 : vector<400x176xi32>
    %convert_element_type3A_26 = arith.extui %eq3A_25 : vector<400x176xi1> to vector<400x176xi32>
    %convert_element_type3A_27 = arith.sitofp %convert_element_type3A_26 : vector<400x176xi32> to vector<400x176xf32>
    %add3A_28 = arith.addf %add3A_22, %convert_element_type3A_27 : vector<400x176xf32>
    %slice3A_29 = vector.extract_strided_slice %get3A_1 {offsets = [0, 5], sizes = [400, 1], strides = [1, 1]} : vector<400x9xi32> to vector<400x1xi32>
    %eq3A_30 = vector.broadcast %slice3A_29 : vector<400x1xi32> to vector<400x176xi32>
    %eq3A_31 = arith.cmpi eq, %iota3A, %eq3A_30 : vector<400x176xi32>
    %convert_element_type3A_32 = arith.extui %eq3A_31 : vector<400x176xi1> to vector<400x176xi32>
    %convert_element_type3A_33 = arith.sitofp %convert_element_type3A_32 : vector<400x176xi32> to vector<400x176xf32>
    %add3A_34 = arith.addf %add3A_28, %convert_element_type3A_33 : vector<400x176xf32>
    %slice3A_35 = vector.extract_strided_slice %get3A_1 {offsets = [0, 6], sizes = [400, 1], strides = [1, 1]} : vector<400x9xi32> to vector<400x1xi32>
    %eq3A_36 = vector.broadcast %slice3A_35 : vector<400x1xi32> to vector<400x176xi32>
    %eq3A_37 = arith.cmpi eq, %iota3A, %eq3A_36 : vector<400x176xi32>
    %convert_element_type3A_38 = arith.extui %eq3A_37 : vector<400x176xi1> to vector<400x176xi32>
    %convert_element_type3A_39 = arith.sitofp %convert_element_type3A_38 : vector<400x176xi32> to vector<400x176xf32>
    %add3A_40 = arith.addf %add3A_34, %convert_element_type3A_39 : vector<400x176xf32>
    %slice3A_41 = vector.extract_strided_slice %get3A_1 {offsets = [0, 7], sizes = [400, 1], strides = [1, 1]} : vector<400x9xi32> to vector<400x1xi32>
    %eq3A_42 = vector.broadcast %slice3A_41 : vector<400x1xi32> to vector<400x176xi32>
    %eq3A_43 = arith.cmpi eq, %iota3A, %eq3A_42 : vector<400x176xi32>
    %convert_element_type3A_44 = arith.extui %eq3A_43 : vector<400x176xi1> to vector<400x176xi32>
    %convert_element_type3A_45 = arith.sitofp %convert_element_type3A_44 : vector<400x176xi32> to vector<400x176xf32>
    %add3A_46 = arith.addf %add3A_40, %convert_element_type3A_45 : vector<400x176xf32>
    %slice3A_47 = vector.extract_strided_slice %get3A_1 {offsets = [0, 8], sizes = [400, 1], strides = [1, 1]} : vector<400x9xi32> to vector<400x1xi32>
    %eq3A_48 = vector.broadcast %slice3A_47 : vector<400x1xi32> to vector<400x176xi32>
    %eq3A_49 = arith.cmpi eq, %iota3A, %eq3A_48 : vector<400x176xi32>
    %convert_element_type3A_50 = arith.extui %eq3A_49 : vector<400x176xi1> to vector<400x176xi32>
    %convert_element_type3A_51 = arith.sitofp %convert_element_type3A_50 : vector<400x176xi32> to vector<400x176xf32>
    %add3A_52 = arith.addf %add3A_46, %convert_element_type3A_51 : vector<400x176xf32>
    %get3A_53 = arith.constant 0 : index
    %get3A_54 = arith.constant 0 : index
    %get3A_55 = vector.load %arg2[%get3A_53, %get3A_54] : memref<176x128xf32, #tpu.memory_space<vmem>>, vector<176x128xf32>
    %dot_general3A = arith.constant dense<0.000000e+00> : vector<400x128xf32>
    %dot_general3A_56 = tpu.matmul %add3A_52, %get3A_55, %dot_general3A {dimension_numbers = #tpu.dot_dimension_numbers<[1], [0], [0], [1], [0, 0, 1, 1], [], []>, transpose_lhs_hint = false} : vector<400x176xf32>, vector<176x128xf32>, vector<400x128xf32> -> vector<400x128xf32>
    %swap3A = arith.constant 0 : index
    %swap3A_57 = arith.constant 0 : index
    %swap3A_58 = vector.load %arg3[%swap3A, %swap3A_57] : memref<400x128xf32, #tpu.memory_space<vmem>>, vector<400x128xf32>
    tpu.vector_store %arg3[%swap3A, %swap3A_57], %dot_general3A_56 {strides = array<i32>} : memref<400x128xf32, #tpu.memory_space<vmem>>, vector<400x128xf32>,
    return
  }
  func.func @transform_0(%arg0: i32) -> (i32, i32) {
    %c0_i32 = arith.constant 0 : i32
    %c0_i32_0 = arith.constant 0 : i32
    return %arg0, %c0_i32 : i32, i32
  }
  func.func @transform_1(%arg0: i32) -> (i32, i32) {
    %c0_i32 = arith.constant 0 : i32
    %c0_i32_0 = arith.constant 0 : i32
    %c0_i32_1 = arith.constant 0 : i32
    return %c0_i32, %c0_i32_0 : i32, i32
  }
  func.func @transform_2(%arg0: i32) -> (i32, i32) {
    %c0_i32 = arith.constant 0 : i32
    %c0_i32_0 = arith.constant 0 : i32
    return %arg0, %c0_i32 : i32, i32
  }
}

module attributes {stable_mosaic.version = 14 : i64} {
  func.func @_tc_g1_body(%arg0: i32, %arg1: memref<400x128xf32, #tpu.memory_space<vmem>>, %arg2: memref<400x128xf32, #tpu.memory_space<vmem>>, %arg3: memref<400x128xf32, #tpu.memory_space<vmem>>, %arg4: memref<128x128xf32, #tpu.memory_space<vmem>>, %arg5: memref<400x128xf32, #tpu.memory_space<vmem>>, %arg6: memref<400x1xf32, #tpu.memory_space<vmem>>) attributes {dimension_semantics = [#tpu.dimension_semantics<arbitrary>], iteration_bounds = array<i64: 25>, scalar_prefetch = 0 : i64, scratch_operands = 0 : i64, tpu.core_type = #tpu.core_type<tc>, window_params = [{transform_indices = @transform_0, window_bounds = array<i64: 400, 128>}, {transform_indices = @transform_1, window_bounds = array<i64: 400, 128>}, {transform_indices = @transform_2, window_bounds = array<i64: 400, 128>}, {pipeline_mode = #tpu.pipeline_mode<synchronous>, transform_indices = @transform_3, window_bounds = array<i64: 128, 128>}, {transform_indices = @transform_4, window_bounds = array<i64: 400, 128>}, {transform_indices = @transform_5, window_bounds = array<i64: 400, 1>}]} {
    %get3A = arith.constant 0 : index
    %get3A_0 = arith.constant 0 : index
    %get3A_1 = vector.load %arg2[%get3A, %get3A_0] : memref<400x128xf32, #tpu.memory_space<vmem>>, vector<400x1xf32>
    %get3A_2 = arith.constant 0 : index
    %get3A_3 = arith.constant 0 : index
    %get3A_4 = vector.load %arg3[%get3A_2, %get3A_3] : memref<400x128xf32, #tpu.memory_space<vmem>>, vector<400x1xf32>
    %add3A = arith.addf %get3A_1, %get3A_4 : vector<400x1xf32>
    %add3A_5 = arith.constant 1.000000e+00 : f32
    %add3A_6 = vector.broadcast %add3A_5 : f32 to vector<400x1xf32>
    %add3A_7 = arith.addf %add3A, %add3A_6 : vector<400x1xf32>
    %rsqrt3A = math.rsqrt %add3A_7 : vector<400x1xf32>
    %get3A_8 = arith.constant 0 : index
    %get3A_9 = arith.constant 0 : index
    %get3A_10 = vector.load %arg1[%get3A_8, %get3A_9] : memref<400x128xf32, #tpu.memory_space<vmem>>, vector<400x128xf32>
    %get3A_11 = arith.constant 0 : index
    %get3A_12 = arith.constant 0 : index
    %get3A_13 = vector.load %arg4[%get3A_11, %get3A_12] : memref<128x128xf32, #tpu.memory_space<vmem>>, vector<128x128xf32>
    %dot_general3A = arith.constant dense<0.000000e+00> : vector<400x128xf32>
    %dot_general3A_14 = tpu.matmul %get3A_10, %get3A_13, %dot_general3A {dimension_numbers = #tpu.dot_dimension_numbers<[1], [0], [0], [1], [0, 0, 1, 1], [], []>, transpose_lhs_hint = false} : vector<400x128xf32>, vector<128x128xf32>, vector<400x128xf32> -> vector<400x128xf32>
    %mul3A = vector.broadcast %rsqrt3A : vector<400x1xf32> to vector<400x128xf32>
    %mul3A_15 = arith.mulf %mul3A, %dot_general3A_14 : vector<400x128xf32>
    %swap3A = arith.constant 0 : index
    %swap3A_16 = arith.constant 0 : index
    %swap3A_17 = vector.load %arg5[%swap3A, %swap3A_16] : memref<400x128xf32, #tpu.memory_space<vmem>>, vector<400x128xf32>
    tpu.vector_store %arg5[%swap3A, %swap3A_16], %mul3A_15 {strides = array<i32>} : memref<400x128xf32, #tpu.memory_space<vmem>>, vector<400x128xf32>,
    %swap3A_18 = arith.constant 0 : index
    %swap3A_19 = arith.constant 0 : index
    %swap3A_20 = vector.load %arg6[%swap3A_18, %swap3A_19] : memref<400x1xf32, #tpu.memory_space<vmem>>, vector<400x1xf32>
    tpu.vector_store %arg6[%swap3A_18, %swap3A_19], %rsqrt3A {strides = array<i32>} : memref<400x1xf32, #tpu.memory_space<vmem>>, vector<400x1xf32>,
    return
  }
  func.func @transform_0(%arg0: i32) -> (i32, i32) {
    %c0_i32 = arith.constant 0 : i32
    %c0_i32_0 = arith.constant 0 : i32
    return %arg0, %c0_i32 : i32, i32
  }
  func.func @transform_1(%arg0: i32) -> (i32, i32) {
    %c0_i32 = arith.constant 0 : i32
    %c0_i32_0 = arith.constant 0 : i32
    return %arg0, %c0_i32 : i32, i32
  }
  func.func @transform_2(%arg0: i32) -> (i32, i32) {
    %c0_i32 = arith.constant 0 : i32
    %c0_i32_0 = arith.constant 0 : i32
    return %arg0, %c0_i32 : i32, i32
  }
  func.func @transform_3(%arg0: i32) -> (i32, i32) {
    %c0_i32 = arith.constant 0 : i32
    %c0_i32_0 = arith.constant 0 : i32
    %c0_i32_1 = arith.constant 0 : i32
    return %c0_i32, %c0_i32_0 : i32, i32
  }
  func.func @transform_4(%arg0: i32) -> (i32, i32) {
    %c0_i32 = arith.constant 0 : i32
    %c0_i32_0 = arith.constant 0 : i32
    return %arg0, %c0_i32 : i32, i32
  }
  func.func @transform_5(%arg0: i32) -> (i32, i32) {
    %c0_i32 = arith.constant 0 : i32
    %c0_i32_0 = arith.constant 0 : i32
    return %arg0, %c0_i32 : i32, i32
  }
}

module attributes {stable_mosaic.version = 14 : i64} {
  func.func @_tc_layer_body(%arg0: i32, %arg1: memref<400x128xf32, #tpu.memory_space<vmem>>, %arg2: memref<400x128xf32, #tpu.memory_space<vmem>>, %arg3: memref<400x128xf32, #tpu.memory_space<vmem>>, %arg4: memref<400x1xf32, #tpu.memory_space<vmem>>, %arg5: memref<1x128xf32, #tpu.memory_space<vmem>>, %arg6: memref<128x128xf32, #tpu.memory_space<vmem>>, %arg7: memref<400x128xf32, #tpu.memory_space<vmem>>) attributes {dimension_semantics = [#tpu.dimension_semantics<arbitrary>], iteration_bounds = array<i64: 25>, scalar_prefetch = 0 : i64, scratch_operands = 0 : i64, tpu.core_type = #tpu.core_type<tc>, window_params = [{transform_indices = @transform_0, window_bounds = array<i64: 400, 128>}, {transform_indices = @transform_1, window_bounds = array<i64: 400, 128>}, {transform_indices = @transform_2, window_bounds = array<i64: 400, 128>}, {transform_indices = @transform_3, window_bounds = array<i64: 400, 1>}, {pipeline_mode = #tpu.pipeline_mode<synchronous>, transform_indices = @transform_4, window_bounds = array<i64: 1, 128>}, {pipeline_mode = #tpu.pipeline_mode<synchronous>, transform_indices = @transform_5, window_bounds = array<i64: 128, 128>}, {transform_indices = @transform_6, window_bounds = array<i64: 400, 128>}]} {
    %get3A = arith.constant 0 : index
    %get3A_0 = arith.constant 0 : index
    %get3A_1 = vector.load %arg4[%get3A, %get3A_0] : memref<400x1xf32, #tpu.memory_space<vmem>>, vector<400x1xf32>
    %get3A_2 = arith.constant 0 : index
    %get3A_3 = arith.constant 0 : index
    %get3A_4 = vector.load %arg1[%get3A_2, %get3A_3] : memref<400x128xf32, #tpu.memory_space<vmem>>, vector<400x128xf32>
    %get3A_5 = arith.constant 0 : index
    %get3A_6 = arith.constant 0 : index
    %get3A_7 = vector.load %arg2[%get3A_5, %get3A_6] : memref<400x128xf32, #tpu.memory_space<vmem>>, vector<400x128xf32>
    %add3A = arith.addf %get3A_4, %get3A_7 : vector<400x128xf32>
    %get3A_8 = arith.constant 0 : index
    %get3A_9 = arith.constant 0 : index
    %get3A_10 = vector.load %arg3[%get3A_8, %get3A_9] : memref<400x128xf32, #tpu.memory_space<vmem>>, vector<400x128xf32>
    %add3A_11 = arith.addf %add3A, %get3A_10 : vector<400x128xf32>
    %mul3A = vector.broadcast %get3A_1 : vector<400x1xf32> to vector<400x128xf32>
    %mul3A_12 = arith.mulf %mul3A, %add3A_11 : vector<400x128xf32>
    %get3A_13 = arith.constant 0 : index
    %get3A_14 = arith.constant 0 : index
    %get3A_15 = vector.load %arg5[%get3A_13, %get3A_14] : memref<1x128xf32, #tpu.memory_space<vmem>>, vector<1x128xf32>
    %add3A_16 = vector.broadcast %get3A_15 : vector<1x128xf32> to vector<400x128xf32>
    %add3A_17 = arith.addf %mul3A_12, %add3A_16 : vector<400x128xf32>
    %max3A = arith.constant 0.000000e+00 : f32
    %max3A_18 = vector.broadcast %max3A : f32 to vector<400x128xf32>
    %max3A_19 = arith.maximumf %add3A_17, %max3A_18 : vector<400x128xf32>
    %get3A_20 = arith.constant 0 : index
    %get3A_21 = arith.constant 0 : index
    %get3A_22 = vector.load %arg6[%get3A_20, %get3A_21] : memref<128x128xf32, #tpu.memory_space<vmem>>, vector<128x128xf32>
    %dot_general3A = arith.constant dense<0.000000e+00> : vector<400x128xf32>
    %dot_general3A_23 = tpu.matmul %max3A_19, %get3A_22, %dot_general3A {dimension_numbers = #tpu.dot_dimension_numbers<[1], [0], [0], [1], [0, 0, 1, 1], [], []>, transpose_lhs_hint = false} : vector<400x128xf32>, vector<128x128xf32>, vector<400x128xf32> -> vector<400x128xf32>
    %mul3A_24 = vector.broadcast %get3A_1 : vector<400x1xf32> to vector<400x128xf32>
    %mul3A_25 = arith.mulf %mul3A_24, %dot_general3A_23 : vector<400x128xf32>
    %swap3A = arith.constant 0 : index
    %swap3A_26 = arith.constant 0 : index
    %swap3A_27 = vector.load %arg7[%swap3A, %swap3A_26] : memref<400x128xf32, #tpu.memory_space<vmem>>, vector<400x128xf32>
    tpu.vector_store %arg7[%swap3A, %swap3A_26], %mul3A_25 {strides = array<i32>} : memref<400x128xf32, #tpu.memory_space<vmem>>, vector<400x128xf32>,
    return
  }
  func.func @transform_0(%arg0: i32) -> (i32, i32) {
    %c0_i32 = arith.constant 0 : i32
    %c0_i32_0 = arith.constant 0 : i32
    return %arg0, %c0_i32 : i32, i32
  }
  func.func @transform_1(%arg0: i32) -> (i32, i32) {
    %c0_i32 = arith.constant 0 : i32
    %c0_i32_0 = arith.constant 0 : i32
    return %arg0, %c0_i32 : i32, i32
  }
  func.func @transform_2(%arg0: i32) -> (i32, i32) {
    %c0_i32 = arith.constant 0 : i32
    %c0_i32_0 = arith.constant 0 : i32
    return %arg0, %c0_i32 : i32, i32
  }
  func.func @transform_3(%arg0: i32) -> (i32, i32) {
    %c0_i32 = arith.constant 0 : i32
    %c0_i32_0 = arith.constant 0 : i32
    return %arg0, %c0_i32 : i32, i32
  }
  func.func @transform_4(%arg0: i32) -> (i32, i32) {
    %c0_i32 = arith.constant 0 : i32
    %c0_i32_0 = arith.constant 0 : i32
    %c0_i32_1 = arith.constant 0 : i32
    return %c0_i32, %c0_i32_0 : i32, i32
  }
  func.func @transform_5(%arg0: i32) -> (i32, i32) {
    %c0_i32 = arith.constant 0 : i32
    %c0_i32_0 = arith.constant 0 : i32
    %c0_i32_1 = arith.constant 0 : i32
    return %c0_i32, %c0_i32_0 : i32, i32
  }
  func.func @transform_6(%arg0: i32) -> (i32, i32) {
    %c0_i32 = arith.constant 0 : i32
    %c0_i32_0 = arith.constant 0 : i32
    return %arg0, %c0_i32 : i32, i32
  }
}

module attributes {stable_mosaic.version = 14 : i64} {
  func.func @_tc_pool_body(%arg0: i32, %arg1: memref<400x128xf32, #tpu.memory_space<vmem>>, %arg2: memref<400x128xf32, #tpu.memory_space<vmem>>, %arg3: memref<400x128xf32, #tpu.memory_space<vmem>>, %arg4: memref<400x1xf32, #tpu.memory_space<vmem>>, %arg5: memref<1x128xf32, #tpu.memory_space<vmem>>, %arg6: memref<400x1xi32, #tpu.memory_space<vmem>>, %arg7: memref<128x128xf32, #tpu.memory_space<vmem>>, %arg8: memref<1x128xf32, #tpu.memory_space<vmem>>, %arg9: memref<512x128xf32, #tpu.memory_space<vmem>>, %arg10: memref<512x128xf32, #tpu.memory_space<vmem>>, %arg11: memref<512x1xf32, #tpu.memory_space<vmem>>) attributes {dimension_semantics = [#tpu.dimension_semantics<arbitrary>], iteration_bounds = array<i64: 25>, scalar_prefetch = 0 : i64, scratch_operands = 2 : i64, tpu.core_type = #tpu.core_type<tc>, window_params = [{transform_indices = @transform_0, window_bounds = array<i64: 400, 128>}, {transform_indices = @transform_1, window_bounds = array<i64: 400, 128>}, {transform_indices = @transform_2, window_bounds = array<i64: 400, 128>}, {transform_indices = @transform_3, window_bounds = array<i64: 400, 1>}, {pipeline_mode = #tpu.pipeline_mode<synchronous>, transform_indices = @transform_4, window_bounds = array<i64: 1, 128>}, {transform_indices = @transform_5, window_bounds = array<i64: 400, 1>}, {pipeline_mode = #tpu.pipeline_mode<synchronous>, transform_indices = @transform_6, window_bounds = array<i64: 128, 128>}, {pipeline_mode = #tpu.pipeline_mode<synchronous>, transform_indices = @transform_7, window_bounds = array<i64: 1, 128>}, {pipeline_mode = #tpu.pipeline_mode<synchronous>, transform_indices = @transform_8, window_bounds = array<i64: 512, 128>}]} {
    %eq3A = arith.constant 0 : i32
    %eq3A_0 = arith.cmpi eq, %arg0, %eq3A : i32
    %convert_element_type3A = arith.extui %eq3A_0 : i1 to i32
    %cond3A = arith.constant 0 : i32
    %cond3A_1 = arith.cmpi ne, %convert_element_type3A, %cond3A : i32
    scf.if %cond3A_1 {
      %broadcast_in_dim3A_49 = arith.constant 0.000000e+00 : f32
      %broadcast_in_dim3A_50 = vector.broadcast %broadcast_in_dim3A_49 : f32 to vector<512x128xf32>
      %swap3A_51 = arith.constant 0 : index
      %swap3A_52 = arith.constant 0 : index
      %swap3A_53 = vector.load %arg10[%swap3A_51, %swap3A_52] : memref<512x128xf32, #tpu.memory_space<vmem>>, vector<512x128xf32>
      tpu.vector_store %arg10[%swap3A_51, %swap3A_52], %broadcast_in_dim3A_50 {strides = array<i32>} : memref<512x128xf32, #tpu.memory_space<vmem>>, vector<512x128xf32>,
      %broadcast_in_dim3A_54 = arith.constant 0.000000e+00 : f32
      %broadcast_in_dim3A_55 = vector.broadcast %broadcast_in_dim3A_54 : f32 to vector<512x1xf32>
      %swap3A_56 = arith.constant 0 : index
      %swap3A_57 = arith.constant 0 : index
      %swap3A_58 = vector.load %arg11[%swap3A_56, %swap3A_57] : memref<512x1xf32, #tpu.memory_space<vmem>>, vector<512x1xf32>
      tpu.vector_store %arg11[%swap3A_56, %swap3A_57], %broadcast_in_dim3A_55 {strides = array<i32>} : memref<512x1xf32, #tpu.memory_space<vmem>>, vector<512x1xf32>,
    } else {
    }
    %get3A = arith.constant 0 : index
    %get3A_2 = arith.constant 0 : index
    %get3A_3 = vector.load %arg4[%get3A, %get3A_2] : memref<400x1xf32, #tpu.memory_space<vmem>>, vector<400x1xf32>
    %get3A_4 = arith.constant 0 : index
    %get3A_5 = arith.constant 0 : index
    %get3A_6 = vector.load %arg1[%get3A_4, %get3A_5] : memref<400x128xf32, #tpu.memory_space<vmem>>, vector<400x128xf32>
    %get3A_7 = arith.constant 0 : index
    %get3A_8 = arith.constant 0 : index
    %get3A_9 = vector.load %arg2[%get3A_7, %get3A_8] : memref<400x128xf32, #tpu.memory_space<vmem>>, vector<400x128xf32>
    %add3A = arith.addf %get3A_6, %get3A_9 : vector<400x128xf32>
    %get3A_10 = arith.constant 0 : index
    %get3A_11 = arith.constant 0 : index
    %get3A_12 = vector.load %arg3[%get3A_10, %get3A_11] : memref<400x128xf32, #tpu.memory_space<vmem>>, vector<400x128xf32>
    %add3A_13 = arith.addf %add3A, %get3A_12 : vector<400x128xf32>
    %mul3A = vector.broadcast %get3A_3 : vector<400x1xf32> to vector<400x128xf32>
    %mul3A_14 = arith.mulf %mul3A, %add3A_13 : vector<400x128xf32>
    %get3A_15 = arith.constant 0 : index
    %get3A_16 = arith.constant 0 : index
    %get3A_17 = vector.load %arg5[%get3A_15, %get3A_16] : memref<1x128xf32, #tpu.memory_space<vmem>>, vector<1x128xf32>
    %add3A_18 = vector.broadcast %get3A_17 : vector<1x128xf32> to vector<400x128xf32>
    %add3A_19 = arith.addf %mul3A_14, %add3A_18 : vector<400x128xf32>
    %iota3A = tpu.iota {dimensions = array<i32: 1>} : vector<400x512xi32>
    %get3A_20 = arith.constant 0 : index
    %get3A_21 = arith.constant 0 : index
    %get3A_22 = vector.load %arg6[%get3A_20, %get3A_21] : memref<400x1xi32, #tpu.memory_space<vmem>>, vector<400x1xi32>
    %eq3A_23 = vector.broadcast %get3A_22 : vector<400x1xi32> to vector<400x512xi32>
    %eq3A_24 = arith.cmpi eq, %iota3A, %eq3A_23 : vector<400x512xi32>
    %convert_element_type3A_25 = arith.extui %eq3A_24 : vector<400x512xi1> to vector<400x512xi32>
    %convert_element_type3A_26 = arith.sitofp %convert_element_type3A_25 : vector<400x512xi32> to vector<400x512xf32>
    %get3A_27 = arith.constant 0 : index
    %get3A_28 = arith.constant 0 : index
    %get3A_29 = vector.load %arg10[%get3A_27, %get3A_28] : memref<512x128xf32, #tpu.memory_space<vmem>>, vector<512x128xf32>
    %dot_general3A = arith.constant dense<0.000000e+00> : vector<512x128xf32>
    %dot_general3A_30 = tpu.matmul %convert_element_type3A_26, %add3A_19, %dot_general3A {dimension_numbers = #tpu.dot_dimension_numbers<[0], [0], [1], [1], [0, 1, 1, 1], [], []>, transpose_lhs_hint = false} : vector<400x512xf32>, vector<400x128xf32>, vector<512x128xf32> -> vector<512x128xf32>
    %add3A_31 = arith.addf %get3A_29, %dot_general3A_30 : vector<512x128xf32>
    %swap3A = arith.constant 0 : index
    %swap3A_32 = arith.constant 0 : index
    %swap3A_33 = vector.load %arg10[%swap3A, %swap3A_32] : memref<512x128xf32, #tpu.memory_space<vmem>>, vector<512x128xf32>
    tpu.vector_store %arg10[%swap3A, %swap3A_32], %add3A_31 {strides = array<i32>} : memref<512x128xf32, #tpu.memory_space<vmem>>, vector<512x128xf32>,
    %get3A_34 = arith.constant 0 : index
    %get3A_35 = arith.constant 0 : index
    %get3A_36 = vector.load %arg11[%get3A_34, %get3A_35] : memref<512x1xf32, #tpu.memory_space<vmem>>, vector<512x1xf32>
    %broadcast_in_dim3A = arith.constant 1.000000e+00 : f32
    %broadcast_in_dim3A_37 = vector.broadcast %broadcast_in_dim3A : f32 to vector<400x1xf32>
    %dot_general3A_38 = arith.constant dense<0.000000e+00> : vector<512x1xf32>
    %dot_general3A_39 = tpu.matmul %convert_element_type3A_26, %broadcast_in_dim3A_37, %dot_general3A_38 {dimension_numbers = #tpu.dot_dimension_numbers<[0], [0], [1], [1], [0, 1, 1, 1], [], []>, transpose_lhs_hint = false} : vector<400x512xf32>, vector<400x1xf32>, vector<512x1xf32> -> vector<512x1xf32>
    %add3A_40 = arith.addf %get3A_36, %dot_general3A_39 : vector<512x1xf32>
    %swap3A_41 = arith.constant 0 : index
    %swap3A_42 = arith.constant 0 : index
    %swap3A_43 = vector.load %arg11[%swap3A_41, %swap3A_42] : memref<512x1xf32, #tpu.memory_space<vmem>>, vector<512x1xf32>
    tpu.vector_store %arg11[%swap3A_41, %swap3A_42], %add3A_40 {strides = array<i32>} : memref<512x1xf32, #tpu.memory_space<vmem>>, vector<512x1xf32>,
    %eq3A_44 = arith.constant 24 : i32
    %eq3A_45 = arith.cmpi eq, %arg0, %eq3A_44 : i32
    %convert_element_type3A_46 = arith.extui %eq3A_45 : i1 to i32
    %cond3A_47 = arith.constant 0 : i32
    %cond3A_48 = arith.cmpi ne, %convert_element_type3A_46, %cond3A_47 : i32
    scf.if %cond3A_48 {
      %get3A_49 = arith.constant 0 : index
      %get3A_50 = arith.constant 0 : index
      %get3A_51 = vector.load %arg10[%get3A_49, %get3A_50] : memref<512x128xf32, #tpu.memory_space<vmem>>, vector<512x128xf32>
      %get3A_52 = arith.constant 0 : index
      %get3A_53 = arith.constant 0 : index
      %get3A_54 = vector.load %arg11[%get3A_52, %get3A_53] : memref<512x1xf32, #tpu.memory_space<vmem>>, vector<512x1xf32>
      %max3A = arith.constant 1.000000e+00 : f32
      %max3A_55 = vector.broadcast %max3A : f32 to vector<512x1xf32>
      %max3A_56 = arith.maximumf %get3A_54, %max3A_55 : vector<512x1xf32>
      %div3A = vector.broadcast %max3A_56 : vector<512x1xf32> to vector<512x128xf32>
      %div3A_57 = arith.divf %get3A_51, %div3A : vector<512x128xf32>
      %get3A_58 = arith.constant 0 : index
      %get3A_59 = arith.constant 0 : index
      %get3A_60 = vector.load %arg7[%get3A_58, %get3A_59] : memref<128x128xf32, #tpu.memory_space<vmem>>, vector<128x128xf32>
      %dot_general3A_61 = arith.constant dense<0.000000e+00> : vector<512x128xf32>
      %dot_general3A_62 = tpu.matmul %div3A_57, %get3A_60, %dot_general3A_61 {dimension_numbers = #tpu.dot_dimension_numbers<[1], [0], [0], [1], [0, 0, 1, 1], [], []>, transpose_lhs_hint = false} : vector<512x128xf32>, vector<128x128xf32>, vector<512x128xf32> -> vector<512x128xf32>
      %get3A_63 = arith.constant 0 : index
      %get3A_64 = arith.constant 0 : index
      %get3A_65 = vector.load %arg8[%get3A_63, %get3A_64] : memref<1x128xf32, #tpu.memory_space<vmem>>, vector<1x128xf32>
      %add3A_66 = vector.broadcast %get3A_65 : vector<1x128xf32> to vector<512x128xf32>
      %add3A_67 = arith.addf %dot_general3A_62, %add3A_66 : vector<512x128xf32>
      %swap3A_68 = arith.constant 0 : index
      %swap3A_69 = arith.constant 0 : index
      %swap3A_70 = vector.load %arg9[%swap3A_68, %swap3A_69] : memref<512x128xf32, #tpu.memory_space<vmem>>, vector<512x128xf32>
      tpu.vector_store %arg9[%swap3A_68, %swap3A_69], %add3A_67 {strides = array<i32>} : memref<512x128xf32, #tpu.memory_space<vmem>>, vector<512x128xf32>,
    } else {
    }
    return
  }
  func.func @transform_0(%arg0: i32) -> (i32, i32) {
    %c0_i32 = arith.constant 0 : i32
    %c0_i32_0 = arith.constant 0 : i32
    return %arg0, %c0_i32 : i32, i32
  }
  func.func @transform_1(%arg0: i32) -> (i32, i32) {
    %c0_i32 = arith.constant 0 : i32
    %c0_i32_0 = arith.constant 0 : i32
    return %arg0, %c0_i32 : i32, i32
  }
  func.func @transform_2(%arg0: i32) -> (i32, i32) {
    %c0_i32 = arith.constant 0 : i32
    %c0_i32_0 = arith.constant 0 : i32
    return %arg0, %c0_i32 : i32, i32
  }
  func.func @transform_3(%arg0: i32) -> (i32, i32) {
    %c0_i32 = arith.constant 0 : i32
    %c0_i32_0 = arith.constant 0 : i32
    return %arg0, %c0_i32 : i32, i32
  }
  func.func @transform_4(%arg0: i32) -> (i32, i32) {
    %c0_i32 = arith.constant 0 : i32
    %c0_i32_0 = arith.constant 0 : i32
    %c0_i32_1 = arith.constant 0 : i32
    return %c0_i32, %c0_i32_0 : i32, i32
  }
  func.func @transform_5(%arg0: i32) -> (i32, i32) {
    %c0_i32 = arith.constant 0 : i32
    %c0_i32_0 = arith.constant 0 : i32
    return %arg0, %c0_i32 : i32, i32
  }
  func.func @transform_6(%arg0: i32) -> (i32, i32) {
    %c0_i32 = arith.constant 0 : i32
    %c0_i32_0 = arith.constant 0 : i32
    %c0_i32_1 = arith.constant 0 : i32
    return %c0_i32, %c0_i32_0 : i32, i32
  }
  func.func @transform_7(%arg0: i32) -> (i32, i32) {
    %c0_i32 = arith.constant 0 : i32
    %c0_i32_0 = arith.constant 0 : i32
    %c0_i32_1 = arith.constant 0 : i32
    return %c0_i32, %c0_i32_0 : i32, i32
  }
  func.func @transform_8(%arg0: i32) -> (i32, i32) {
    %c0_i32 = arith.constant 0 : i32
    %c0_i32_0 = arith.constant 0 : i32
    %c0_i32_1 = arith.constant 0 : i32
    return %c0_i32, %c0_i32_0 : i32, i32
  }
}

</mosaic_0001>

<sc_bundles>
// kernel: kernel.11.cloned.1.call-start
scs
__scs_entry_jumppad:
0x0: {  	(pc) =	sbr.rel $0x88, $3  }
0x1: {  	(tag) =	ssettag $0x0;
	lr =	simm.s32 $0x1  }
0x2: {  	[smem:$0x3F95] =	sst lr;
	_ =	strace $0xD0000000  }
0x3: {  	_ = 	snop  }
0x4: {  	_ = 	snop  }
0x5: {  	_ = 	snop  }
0x6: {  	_ = 	snop  }
0x7: {  	_ = 	snop  }
__scs_overlays_trampoline_lowered:
0x8: {  	[smem:$0x3FA4] =	sst s0  }
0x9: {  	[smem:$0x3FA5] =	sst s1  }
0xa: {  	[smem:$0x3FA6] =	sst s2  }
0xb: {  	[smem:$0x3FA7] =	sst s3  }
0xc: {  	[smem:$0x3FA8] =	sst s4  }
0xd: {  	[smem:$0x3FA9] =	sst s5  }
0xe: {  	[smem:$0x3FAA] =	sst s6  }
0xf: {  	[smem:$0x3FAB] =	sst s7  }
0x10: {  	[smem:$0x3FAC] =	sst s8  }
0x11: {  	[smem:$0x3FAD] =	sst s9;
	s0 =	simm.s32 @!p0 $0x0  }
0x12: {  	s1 =	sld [smem:$0x3F93];
	s0 =	simm.s32 @p0 $0x1  }
0x13: {  	[smem:$0x3FAE] =	sst s0;
	s0 =	simm.s32 @!p1 $0x0  }
0x14: {  	s2 =	sld [smem:$0x3F92];
	s0 =	simm.s32 @p1 $0x1  }
0x15: {  	[smem:$0x3FAF] =	sst s0;
	s0 =	simm.s32 @!p2 $0x0  }
0x16: {  	s3 =	sld [smem:$0x3FDB];
	s0 =	simm.s32 @p2 $0x1  }
0x17: {  	s4 =	simm.s32 $0x1BF5;
	[smem:$0x3FB1] =	sst s0  }
0x18: {  	s0 =	sld [smem:$0x3F94];
	_ =	swait.ge [sflag:s4], $0x0  }
0x19: {  	s7 =	sld [smem:$0x3F95]  }
0x1a: {  	s8 =	sadd.s32 $0xFFFFE003, lr  }
0x1b: {  	s9 =	sadd.s32 $0xFFFFFEF7, lr;
	s5 =	simm.s32 $0xFFFFFFFF;
	p2 =	slt.u32 s8, $0xFFFFF086  }
0x1c: {  	p1 =	slt.u32 s9, $0xF7A;
	s5 =	simm.s32 @!p2 $0x0  }
0x1d: {  	s5 =	simm.s32 @p1 $0x1;
	p0 =	seq.s32 s7, s2  }
0x1e: {  	s7 =	smul.u32 @!p0 $0xF7A, s2;
	p2 =	seq.s32 @!p0 s5, $0x0  }
0x1f: {  	s9 =	smul.u32 $0xF7A, s1;
	s8 =	simm.s32 @!p0 $0x1BF5;
	p2 =	por !p2, p0  }
0x20: {  	[sflag:s8] =	ssyncset.s32 @!p0 $0xFFFFF086;
	s6 =	sadd.s32 @!p0 s3, s7;
	s7 =	simm.s32 @!p0 $0x108  }
0x21: {  	s3 =	sadd.s32 s3, s9;
	s6 =	sadd.s32 @!p0 $0x88, s6;
	s7 =	simm.s32 @p2 $0x1082  }
0x22: {  	[simem:s7], [sflag:s8] =	dma.local @!p0 [hbm:s6], $0xF7A  }
0x23: {  	s9 =	sor.u32 $0xD0000000, s2;
	s6 =	simm.s32 $0x108;
	_ =	swait.ge @!p0 [sflag:s8], $0x0  }
0x24: {  	s3 =	sadd.s32 $0x88, s3;
	s6 =	simm.s32 @!p1 $0x1082;
	[sflag:s4] =	ssyncset.s32 $0xFFFFF086  }
0x25: {  	[simem:s6], [sflag:s4] =	dma.local [hbm:s3], $0xF7A  }
0x26: {  	[smem:$0x3F95] =	sst s1;
	(tag) =	ssettag s2;
	_ =	strace s9  }
0x27: {  	s1 =	sld [smem:$0x3FA5]  }
0x28: {  	s2 =	sld [smem:$0x3FA6]  }
0x29: {  	s4 =	sld [smem:$0x3FA8]  }
0x2a: {  	p0 =	seq.s32 s5, $0x0;
	s5 =	sld [smem:$0x3FA9]  }
0x2b: {  	s6 =	sld [smem:$0x3FAA]  }
0x2c: {  	s7 =	sld [smem:$0x3FAB]  }
0x2d: {  	s3 =	simm.s32 $0x108;
	s8 =	sld [smem:$0x3FAC]  }
0x2e: {  	s3 =	simm.s32 @!p0 $0x1082;
	s9 =	sld [smem:$0x3FAD]  }
0x2f: {  	lr =	sadd.s32 s0, s3;
	s0 =	sld [smem:$0x3FA4]  }
0x30: {  	s3 =	sld [smem:$0x3FA7]  }
0x31: {  	[smem:$0x3FB0] =	sst s10  }
0x32: {  	s10 =	sld [smem:$0x3FAE];
	_ =	sdelay $0x3  }
0x33: {  	p0 =	seq.s32 s10, $0x1;
	s10 =	sld [smem:$0x3FB0];
	_ =	sdelay $0x3  }
0x34: {  	[smem:$0x3FB0] =	sst s10  }
0x35: {  	s10 =	sld [smem:$0x3FAF];
	_ =	sdelay $0x3  }
0x36: {  	p1 =	seq.s32 s10, $0x1;
	s10 =	sld [smem:$0x3FB0];
	_ =	sdelay $0x3  }
0x37: {  	[smem:$0x3FB0] =	sst s10  }
0x38: {  	s10 =	sld [smem:$0x3FB1]  }
0x39: {  	_ = 	snop;
	(pc) =	sbr.ind lr, $3  }
0x3a: {  	_ = 	snop  }
0x3b: {  	_ = 	snop  }
0x3c: {  	p2 =	seq.s32 s10, $0x1;
	s10 =	sld [smem:$0x3FB0]  }
0x3d: {  	_ =	shalt  }
0x3e: {  	_ =	shalt  }
0x3f: {  	_ =	shalt  }
0x40: {  	_ =	shalt  }
0x41: {  	_ =	shalt  }
0x42: {  	_ =	shalt  }
0x43: {  	_ =	shalt  }
0x44: {  	_ =	shalt  }
0x45: {  	_ =	shalt  }
0x46: {  	_ =	shalt  }
0x47: {  	_ =	shalt  }
0x48: {  	_ =	shalt  }
0x49: {  	_ =	shalt  }
0x4a: {  	_ =	shalt  }
0x4b: {  	_ =	shalt  }
0x4c: {  	_ =	shalt  }
0x4d: {  	_ =	shalt  }
0x4e: {  	_ =	shalt  }
0x4f: {  	_ =	shalt  }
0x50: {  	_ =	shalt  }
0x51: {  	_ =	shalt  }
0x52: {  	_ =	shalt  }
0x53: {  	_ =	shalt  }
0x54: {  	_ =	shalt  }
0x55: {  	_ =	shalt  }
0x56: {  	_ =	shalt  }
0x57: {  	_ =	shalt  }
0x58: {  	_ =	shalt  }
0x59: {  	_ =	shalt  }
0x5a: {  	_ =	shalt  }
0x5b: {  	_ =	shalt  }
0x5c: {  	_ =	shalt  }
0x5d: {  	_ =	shalt  }
0x5e: {  	_ =	shalt  }
0x5f: {  	_ =	shalt  }
0x60: {  	_ =	shalt  }
0x61: {  	_ =	shalt  }
0x62: {  	_ =	shalt  }
0x63: {  	_ =	shalt  }
0x64: {  	_ =	shalt  }
0x65: {  	_ =	shalt  }
0x66: {  	_ =	shalt  }
0x67: {  	_ =	shalt  }
0x68: {  	_ =	shalt  }
0x69: {  	_ =	shalt  }
0x6a: {  	_ =	shalt  }
0x6b: {  	_ =	shalt  }
0x6c: {  	_ =	shalt  }
0x6d: {  	_ =	shalt  }
0x6e: {  	_ =	shalt  }
0x6f: {  	_ =	shalt  }
0x70: {  	_ =	shalt  }
0x71: {  	_ =	shalt  }
0x72: {  	_ =	shalt  }
0x73: {  	_ =	shalt  }
0x74: {  	_ =	shalt  }
0x75: {  	_ =	shalt  }
0x76: {  	_ =	shalt  }
0x77: {  	_ =	shalt  }
0x78: {  	_ =	shalt  }
0x79: {  	_ =	shalt  }
0x7a: {  	_ =	shalt  }
0x7b: {  	_ =	shalt  }
0x7c: {  	_ =	shalt  }
0x7d: {  	_ =	shalt  }
0x7e: {  	_ =	shalt  }
0x7f: {  	_ =	shalt  }
0x80: {  	_ =	shalt  }
0x81: {  	_ =	shalt  }
0x82: {  	_ =	shalt  }
0x83: {  	_ =	shalt  }
0x84: {  	_ =	shalt  }
0x85: {  	_ =	shalt  }
0x86: {  	_ =	shalt  }
0x87: {  	_ =	shalt  }
.Lfunc_end0:
.L_simem_size_0:
called_computation_lowered:
.L_overlay_start_0:
0x88: {  	s2 =	sld [smem:$0x3FD9]  }
0x89: {  	s3 =	sld [smem:$0x3FFE];
	_ =	sdelay $0x1  }
0x8a: {  	s1 =	srdreg.scid  }
0x8b: {  	s0 =	sand.u32 $0x1, s1  }
0x8c: {  	s17 =	sshll.u32 s0, $0xA;
	s2 =	sadd.s32 s3, s2  }
0x8d: {  	s2 =	sadd.s32 s2, s17  }
0x8e: {  	[smem:$0x3FBC] =	sst s2  }
0x8f: {  	_ = 	snop  }
0x90: {  	s2 =	sld [smem:$0x3FD0];
	(tm) =	ssettm $0x1  }
0x91: {  	s18 =	sld [smem:$0x3FFB];
	_ =	sdelay $0x3  }
0x92: {  	_ =	strace s18  }
0x93: {  	s3 =	sld [smem:$0x3FFC];
	_ =	sdelay $0x3  }
0x94: {  	_ =	strace s3  }
0x95: {  	s3 =	sld [smem:$0x3FFD];
	_ =	sdelay $0x3  }
0x96: {  	_ =	strace s3  }
0x97: {  	_ =	strace $0x8FFFFFFF  }
0x98: {  	s19 =	sld [smem:$0x3FDB];
	_ =	sdelay $0x1  }
0x99: {  	s4 =	simm.s32 $_scs_section_size  }
0x9a: {  	s5 =	simm.s32 $_size__tile_overlayer_lowered;
	s6 =	simm.s32 $_tile_overlayer_lowered  }
0x9b: {  	s22 =	simm.s32 $0x1BFF;
	s21 =	sshll.u32 s6, $0x1;
	s3 =	sadd.s32 s4, s19  }
0x9c: {  	s7 =	simm.s32 $0x0;
	s20 =	sshll.u32 s5, $0x1;
	s5 =	sadd.s32 s21, s3  }
0x9d: {  	[timem:s7], [sflag:s22] =	dma.local [hbm:s5], s20  }
0x9e: {  	_ =	swait.ge [sflag:s22], s20  }
0x9f: {  	s4 =	ssub.s32 $0x0, s20;
	[sflag:s22] =	ssyncset.done $0x0  }
0xa0: {  	[sflag:s22] =	ssyncadd.s32 s4;
	_ =	sdelay $0x1  }
0xa1: {  	s23 =	simm.s32 $0x1B8B  }
0xa2: {  	_ =	swait.ge [sflag:s23], $0x1  }
0xa3: {  	[sflag:s23] =	ssyncset.done $0x0  }
0xa4: {  	s25 =	simm.s32 $0x1B8E;
	s24 =	sld [smem:$0x3FFE];
	[sflag:s23] =	ssyncadd.s32 $0xFFFFFFFF  }
0xa5: {  	s26 =	simm.s32 $execute0_lowered;
	[smem:$0x3FD2] =	sst s25  }
0xa6: {  	s5 =	sshll.u32 s26, $0x1;
	_ =	strace $0x80000046;
	[dreg:$0x1] =	wrdreg $0xFFFFFFFF  }
0xa7: {  	s28 =	simm.s32 $_size_execute0_lowered;
	s3 =	sadd.s32 s3, s5;
	[dreg:$0x0] =	wrdreg $0x0  }
0xa8: {  	s5 =	sshll.u32 s28, $0x1;
	[dreg:$0x2] =	wrdreg s3  }
0xa9: {  	[dreg:$0x3] =	wrdreg s5  }
0xaa: {  	[dreg:$0x4] =	wrdreg $0xC0  }
0xab: {  	_ =	task [dreg:s7], $0x5FFFF  }
0xac: {  	[dreg:$0x1] =	wrdreg $0xFFFFFFFF  }
0xad: {  	[dreg:$0x0] =	wrdreg $0x60  }
0xae: {  	[dreg:$0x2] =	wrdreg s24  }
0xaf: {  	[dreg:$0x3] =	wrdreg s2  }
0xb0: {  	[dreg:$0x4] =	wrdreg $0x68000  }
0xb1: {  	[dreg:$0x5] =	wrdreg $0x9  }
0xb2: {  	_ =	task.clear_ibuf [dreg:s7], $0x6FFFF;
	_ =	strace $0x90000046  }
0xb3: {  	s29 =	simm.s32 $0x9;
	_ =	strace $0x80000048  }
0xb4: {  	_ =	swait.ge [sflag:s29], $0x1  }
0xb5: {  	[sflag:s29] =	ssyncadd.s32 $0xFFFFFFFF  }
0xb6: {  	_ =	strace $0x90000048  }
0xb7: {  	_ =	sfence  }
0xb8: {  	s30 =	sld [smem:$0x0];
	_ =	sdelay $0x2  }
0xb9: {  	s31 =	sshll.u32 s1, $0xD;
	s1 =	sshrl.u32 s1, $0x2  }
0xba: {  	s3 =	sand.u32 $0x4000, s31;
	s1 =	sadd.s32 s1, s30  }
0xbb: {  	s0 =	sor.u32 s3, s0;
	s1 =	sshll.u32 s1, $0x11  }
0xbc: {  	s0 =	sor.u32 s1, s0  }
0xbd: {  	s0 =	sadd.s32 $0x8F2B, s0  }
0xbe: {  	[sflag:s0] =	ssyncadd.remote.s32 $0x1  }
0xbf: {  	_ =	sfence.sel $0xFFFF  }
0xc0: {  	[dreg:$0x0] =	wrdreg $0xFFFFFFFF;
	(pc) =	sbr.abs _section_cstart, $3  }
0xc1: {  	[dreg:$0x1] =	wrdreg $0xFFFFFFFF  }
0xc2: {  	_ =	task.clear_ibuf [dreg:s7], $0x2FFFF;
	_ =	strace $0x9FFFFFFF  }
0xc3: {  	(tm) =	ssettm $0x7FFFFFFF  }
tec
execute0_lowered:
.L_overlay_start_1:
0x0: {  	(tag) =	ssettag $0x1  }
0x1: {  	s6 =	rddreg [dreg:$0x0]  }
0x2: {  	s2 =	rddreg [dreg:$0x1]  }
0x3: {  	s0 =	srdreg.scid;
	s3 =	rddreg [dreg:$0x2];
	s4 =	simm.s32 $0x0  }
0x4: {  	s13 =	simm.s32 $0x80;
	s5 =	sand.u32 $0x1, s0;
	s0 =	stileid.u32  }
0x5: {  	s14 =	simm.s32 $0x0;
	[smem:$0x7FF] =	sst s4;
	s8 =	smul.u32 $0x13C00, s0  }
0x6: {  	s1 =	sshll.u32 s5, $0x4;
	s9 =	smul.u32 $0x13C000, s5;
	s5 =	ssub.s32 $0x2, s5  }
0x7: {  	s29 =	smul.u32 $0x4F000, s0;
	s31 =	sshll.u32 s0, $0x6;
	s1 =	sor.u32 s0, s1  }
0x8: {  	s11 =	sshrl.u32 s5, $0x1;
	s7 =	smul.u32 $0x500, s1;
	s1 =	rddreg [dreg:$0x3]  }
0x9: {  	_ =	strace $0x80000047;
	s10 =	sshrl.u32 s8, $0x3;
	s8 =	sadd.s32 s8, s9  }
0xa: {  	s11 =	ssub.s32 s5, s11;
	s30 =	sshrl.u32 s29, $0x2;
	s10 =	sadd.s32 s10, s6  }
0xb: {  	s8 =	sshrl.u32 s8, $0x3;
	s12 =	sadd.s32 s30, s3;
	s9 =	smax.u32 s11, $0x1  }
0xc: {  	s11 =	simm.s32 $0x1;
	s7 =	sadd.s32 s7, s6;
	s8 =	sadd.s32 s8, s6  }
0xd: {  	s5 =	sadd.s32 $0x18A00, s10;
	s6 =	sor.u32 $0x1C01, s31;
	s10 =	sshrl.u32 s12, $0x3  }
0xe: {  	s12 =	simm.s32 $0x2800;
	s7 =	sadd.s32 $0x4A00, s7;
	s8 =	sadd.s32 $0x40200, s8  }
.LBB2_1:
0xf: {  	[spmem:s10], [sflag:s6] =	dma.local [hbm:s5], $0x2780  }
0x10: {  	_ =	swait.ge [sflag:s11], $0x2780  }
0x11: {  	[sflag:s11] =	ssyncset.done $0x0  }
0x12: {  	[sflag:s11] =	ssyncadd.s32 $0xFFFFD880  }
0x13: {  	[tilespmem:s4], [sflag:$0x1] =	stream.linear.gather [hbm4b:s7+s4], $0x2800, $0x38;
	[tilespmem:$0x1A400] =	vst v63  }
0x14: {  	_ =	swait.ge [sflag:s11], $0x2800  }
0x15: {  	[sflag:s11] =	ssyncset.done $0x0  }
0x16: {  	[sflag:s11] =	ssyncadd.s32 $0xFFFFD800  }
0x17: {  	[tilespmem:s12], [sflag:$0x1] =	stream.linear.gather [hbm4b:s2+s4], $0x4000, $0x38;
	[tilespmem:$0x1A400] =	vst v63  }
0x18: {  	_ =	swait.ge [sflag:s11], $0x4000  }
0x19: {  	[sflag:s11] =	ssyncset.done $0x0  }
0x1a: {  	[sflag:s11] =	ssyncadd.s32 $0xFFFFC000  }
0x1b: {  	s15 =	simm.s32 $0x0;
	[bflag:$0x0] =	sbarrier.arrive $0xFFFF  }
0x1c: {  	[spmem:s3] =	stream.indirect.scatter.add.f32 [tilespmem:s12], [sflag:$0x1], $0x80, s15, s13, $0xb8;
	[tilespmem:$0x1A400] =	vst v63  }
0x1d: {  	_ =	swait.ge [sflag:s11], $0x4000  }
0x1e: {  	s15 =	simm.s32 $0x200;
	[sflag:s11] =	ssyncset.done $0x0  }
.LBB2_2:
0x1f: {  	s16 =	sshra.s32 s15, $0x2;
	[sflag:s11] =	ssyncadd.s32 $0xFFFFC000;
	p0 =	sne.s32 s15, $0x9E00  }
0x20: {  	[spmem:s3] =	stream.indirect.scatter.add.f32 [tilespmem:s12], [sflag:$0x1], $0x80, s16, s13, $0xb8;
	[tilespmem:$0x1A400] =	vst v63  }
.Ltmp0:
0x21: {  	_ = 	snop;
	(pc) =	sbr.rel @p0 .LBB2_2-.Ltmp0, $4  }
0x22: {  	_ = 	snop  }
0x23: {  	s15 =	sadd.s32 $0x200, s15  }
0x24: {  	_ =	swait.ge [sflag:s11], $0x4000  }
0x25: {  	[sflag:s11] =	ssyncset.done $0x0  }
0x26: {  	s14 =	sadd.s32 $0x1, s14  }
0x27: {  	[sflag:s11] =	ssyncadd.s32 $0xFFFFC000;
	p0 =	sne.s32 s14, s9  }
.Ltmp1:
0x28: {  	[bflag:$0x0] =	sbarrier.arrive $0xFFFF;
	(pc) =	sbr.rel @p0 .LBB2_1-.Ltmp1, $4  }
0x29: {  	[hbm:s8], [sflag:s6] =	dma.local [spmem:s10], $0x2780  }
0x2a: {  	_ =	swait.ge [sflag:s11], $0x2780  }
0x2b: {  	[sflag:s11] =	ssyncset.done $0x0  }
0x2c: {  	[sflag:s11] =	ssyncadd.s32 $0xFFFFD880  }
0x2d: {  	_ =	sfence.sel $0x180000  }
0x2e: {  	[bflag:$0x0] =	sbarrier.arrive $0xFFFF  }
0x2f: {  	p0 =	sne.s32 s0, $0x0;
	_ =	strace $0x90000047  }
0x30: {  	s0 =	sadd.s32 @!p0 $0x100000, s1;
	[bflag:$0x2] =	sbarrier.arrive $0xFFFF  }
0x31: {  	[sflag:s0] =	ssyncadd.tile.s32 @!p0 $0x1;
	_ =	shalt  }
.Lfunc_end2:
_tile_overlayer_lowered:
.L_overlay_start_2:
0x32: {  	(tag) =	ssettag $0x2  }
0x33: {  	s0 =	rddreg [dreg:$0x0];
	s2 =	stileid.u32  }
0x34: {  	s1 =	rddreg [dreg:$0x1];
	p0 =	sne.s32 s2, $0x0  }
0x35: {  	s3 =	rddreg [dreg:$0x2];
	[bflag:$0x3] =	sbarrier.arrive $0xFFFF;
	s2 =	simm.s32 @!p0 $0x1C01  }
0x36: {  	[timem:s3], [sflag:s2] =	dma.local @!p0 [hbm:s0], s1  }
0x37: {  	s0 =	simm.s32 @!p0 $0x1  }
0x38: {  	_ =	swait.ge @!p0 [sflag:s0], s1  }
0x39: {  	s1 =	ssub.s32 @!p0 $0x0, s1;
	[sflag:s0] =	ssyncset.done @!p0 $0x0  }
0x3a: {  	[sflag:s0] =	ssyncadd.s32 @!p0 s1  }
0x3b: {  	[bflag:$0x3] =	sbarrier.arrive $0xFFFF  }
0x3c: {  	_ =	shalt  }

// kernel: kernel.14.cloned.1.call-start
scs
__scs_entry_jumppad:
0x0: {  	(pc) =	sbr.rel $0x88, $3  }
0x1: {  	(tag) =	ssettag $0x0;
	lr =	simm.s32 $0x1  }
0x2: {  	[smem:$0x3F95] =	sst lr;
	_ =	strace $0xD0000000  }
0x3: {  	_ = 	snop  }
0x4: {  	_ = 	snop  }
0x5: {  	_ = 	snop  }
0x6: {  	_ = 	snop  }
0x7: {  	_ = 	snop  }
__scs_overlays_trampoline_lowered:
0x8: {  	[smem:$0x3FA4] =	sst s0  }
0x9: {  	[smem:$0x3FA5] =	sst s1  }
0xa: {  	[smem:$0x3FA6] =	sst s2  }
0xb: {  	[smem:$0x3FA7] =	sst s3  }
0xc: {  	[smem:$0x3FA8] =	sst s4  }
0xd: {  	[smem:$0x3FA9] =	sst s5  }
0xe: {  	[smem:$0x3FAA] =	sst s6  }
0xf: {  	[smem:$0x3FAB] =	sst s7  }
0x10: {  	[smem:$0x3FAC] =	sst s8  }
0x11: {  	[smem:$0x3FAD] =	sst s9;
	s0 =	simm.s32 @!p0 $0x0  }
0x12: {  	s1 =	sld [smem:$0x3F93];
	s0 =	simm.s32 @p0 $0x1  }
0x13: {  	[smem:$0x3FAE] =	sst s0;
	s0 =	simm.s32 @!p1 $0x0  }
0x14: {  	s2 =	sld [smem:$0x3F92];
	s0 =	simm.s32 @p1 $0x1  }
0x15: {  	[smem:$0x3FAF] =	sst s0;
	s0 =	simm.s32 @!p2 $0x0  }
0x16: {  	s3 =	sld [smem:$0x3FDB];
	s0 =	simm.s32 @p2 $0x1  }
0x17: {  	s4 =	simm.s32 $0x1BF5;
	[smem:$0x3FB1] =	sst s0  }
0x18: {  	s0 =	sld [smem:$0x3F94];
	_ =	swait.ge [sflag:s4], $0x0  }
0x19: {  	s7 =	sld [smem:$0x3F95]  }
0x1a: {  	s8 =	sadd.s32 $0xFFFFE003, lr  }
0x1b: {  	s9 =	sadd.s32 $0xFFFFFEF7, lr;
	s5 =	simm.s32 $0xFFFFFFFF;
	p2 =	slt.u32 s8, $0xFFFFF086  }
0x1c: {  	p1 =	slt.u32 s9, $0xF7A;
	s5 =	simm.s32 @!p2 $0x0  }
0x1d: {  	s5 =	simm.s32 @p1 $0x1;
	p0 =	seq.s32 s7, s2  }
0x1e: {  	s7 =	smul.u32 @!p0 $0xF7A, s2;
	p2 =	seq.s32 @!p0 s5, $0x0  }
0x1f: {  	s9 =	smul.u32 $0xF7A, s1;
	s8 =	simm.s32 @!p0 $0x1BF5;
	p2 =	por !p2, p0  }
0x20: {  	[sflag:s8] =	ssyncset.s32 @!p0 $0xFFFFF086;
	s6 =	sadd.s32 @!p0 s3, s7;
	s7 =	simm.s32 @!p0 $0x108  }
0x21: {  	s3 =	sadd.s32 s3, s9;
	s6 =	sadd.s32 @!p0 $0x88, s6;
	s7 =	simm.s32 @p2 $0x1082  }
0x22: {  	[simem:s7], [sflag:s8] =	dma.local @!p0 [hbm:s6], $0xF7A  }
0x23: {  	s9 =	sor.u32 $0xD0000000, s2;
	s6 =	simm.s32 $0x108;
	_ =	swait.ge @!p0 [sflag:s8], $0x0  }
0x24: {  	s3 =	sadd.s32 $0x88, s3;
	s6 =	simm.s32 @!p1 $0x1082;
	[sflag:s4] =	ssyncset.s32 $0xFFFFF086  }
0x25: {  	[simem:s6], [sflag:s4] =	dma.local [hbm:s3], $0xF7A  }
0x26: {  	[smem:$0x3F95] =	sst s1;
	(tag) =	ssettag s2;
	_ =	strace s9  }
0x27: {  	s1 =	sld [smem:$0x3FA5]  }
0x28: {  	s2 =	sld [smem:$0x3FA6]  }
0x29: {  	s4 =	sld [smem:$0x3FA8]  }
0x2a: {  	p0 =	seq.s32 s5, $0x0;
	s5 =	sld [smem:$0x3FA9]  }
0x2b: {  	s6 =	sld [smem:$0x3FAA]  }
0x2c: {  	s7 =	sld [smem:$0x3FAB]  }
0x2d: {  	s3 =	simm.s32 $0x108;
	s8 =	sld [smem:$0x3FAC]  }
0x2e: {  	s3 =	simm.s32 @!p0 $0x1082;
	s9 =	sld [smem:$0x3FAD]  }
0x2f: {  	lr =	sadd.s32 s0, s3;
	s0 =	sld [smem:$0x3FA4]  }
0x30: {  	s3 =	sld [smem:$0x3FA7]  }
0x31: {  	[smem:$0x3FB0] =	sst s10  }
0x32: {  	s10 =	sld [smem:$0x3FAE];
	_ =	sdelay $0x3  }
0x33: {  	p0 =	seq.s32 s10, $0x1;
	s10 =	sld [smem:$0x3FB0];
	_ =	sdelay $0x3  }
0x34: {  	[smem:$0x3FB0] =	sst s10  }
0x35: {  	s10 =	sld [smem:$0x3FAF];
	_ =	sdelay $0x3  }
0x36: {  	p1 =	seq.s32 s10, $0x1;
	s10 =	sld [smem:$0x3FB0];
	_ =	sdelay $0x3  }
0x37: {  	[smem:$0x3FB0] =	sst s10  }
0x38: {  	s10 =	sld [smem:$0x3FB1]  }
0x39: {  	_ = 	snop;
	(pc) =	sbr.ind lr, $3  }
0x3a: {  	_ = 	snop  }
0x3b: {  	_ = 	snop  }
0x3c: {  	p2 =	seq.s32 s10, $0x1;
	s10 =	sld [smem:$0x3FB0]  }
0x3d: {  	_ =	shalt  }
0x3e: {  	_ =	shalt  }
0x3f: {  	_ =	shalt  }
0x40: {  	_ =	shalt  }
0x41: {  	_ =	shalt  }
0x42: {  	_ =	shalt  }
0x43: {  	_ =	shalt  }
0x44: {  	_ =	shalt  }
0x45: {  	_ =	shalt  }
0x46: {  	_ =	shalt  }
0x47: {  	_ =	shalt  }
0x48: {  	_ =	shalt  }
0x49: {  	_ =	shalt  }
0x4a: {  	_ =	shalt  }
0x4b: {  	_ =	shalt  }
0x4c: {  	_ =	shalt  }
0x4d: {  	_ =	shalt  }
0x4e: {  	_ =	shalt  }
0x4f: {  	_ =	shalt  }
0x50: {  	_ =	shalt  }
0x51: {  	_ =	shalt  }
0x52: {  	_ =	shalt  }
0x53: {  	_ =	shalt  }
0x54: {  	_ =	shalt  }
0x55: {  	_ =	shalt  }
0x56: {  	_ =	shalt  }
0x57: {  	_ =	shalt  }
0x58: {  	_ =	shalt  }
0x59: {  	_ =	shalt  }
0x5a: {  	_ =	shalt  }
0x5b: {  	_ =	shalt  }
0x5c: {  	_ =	shalt  }
0x5d: {  	_ =	shalt  }
0x5e: {  	_ =	shalt  }
0x5f: {  	_ =	shalt  }
0x60: {  	_ =	shalt  }
0x61: {  	_ =	shalt  }
0x62: {  	_ =	shalt  }
0x63: {  	_ =	shalt  }
0x64: {  	_ =	shalt  }
0x65: {  	_ =	shalt  }
0x66: {  	_ =	shalt  }
0x67: {  	_ =	shalt  }
0x68: {  	_ =	shalt  }
0x69: {  	_ =	shalt  }
0x6a: {  	_ =	shalt  }
0x6b: {  	_ =	shalt  }
0x6c: {  	_ =	shalt  }
0x6d: {  	_ =	shalt  }
0x6e: {  	_ =	shalt  }
0x6f: {  	_ =	shalt  }
0x70: {  	_ =	shalt  }
0x71: {  	_ =	shalt  }
0x72: {  	_ =	shalt  }
0x73: {  	_ =	shalt  }
0x74: {  	_ =	shalt  }
0x75: {  	_ =	shalt  }
0x76: {  	_ =	shalt  }
0x77: {  	_ =	shalt  }
0x78: {  	_ =	shalt  }
0x79: {  	_ =	shalt  }
0x7a: {  	_ =	shalt  }
0x7b: {  	_ =	shalt  }
0x7c: {  	_ =	shalt  }
0x7d: {  	_ =	shalt  }
0x7e: {  	_ =	shalt  }
0x7f: {  	_ =	shalt  }
0x80: {  	_ =	shalt  }
0x81: {  	_ =	shalt  }
0x82: {  	_ =	shalt  }
0x83: {  	_ =	shalt  }
0x84: {  	_ =	shalt  }
0x85: {  	_ =	shalt  }
0x86: {  	_ =	shalt  }
0x87: {  	_ =	shalt  }
.Lfunc_end0:
.L_simem_size_0:
called_computation.1_lowered:
.L_overlay_start_0:
0x88: {  	s2 =	sld [smem:$0x3FD9]  }
0x89: {  	s3 =	sld [smem:$0x3FFE];
	_ =	sdelay $0x1  }
0x8a: {  	s1 =	srdreg.scid  }
0x8b: {  	s0 =	sand.u32 $0x1, s1  }
0x8c: {  	s16 =	sshll.u32 s0, $0xA;
	s2 =	sadd.s32 s3, s2  }
0x8d: {  	s2 =	sadd.s32 s2, s16  }
0x8e: {  	[smem:$0x3FBC] =	sst s2  }
0x8f: {  	_ = 	snop  }
0x90: {  	(tm) =	ssettm $0x1  }
0x91: {  	s17 =	sld [smem:$0x3FFB];
	_ =	sdelay $0x3  }
0x92: {  	_ =	strace s17  }
0x93: {  	s2 =	sld [smem:$0x3FFC];
	_ =	sdelay $0x3  }
0x94: {  	_ =	strace s2  }
0x95: {  	s2 =	sld [smem:$0x3FFD];
	_ =	sdelay $0x3  }
0x96: {  	_ =	strace s2  }
0x97: {  	_ =	strace $0x8FFFFFFF  }
0x98: {  	s18 =	sld [smem:$0x3FDB];
	_ =	sdelay $0x1  }
0x99: {  	s19 =	simm.s32 $_scs_section_size  }
0x9a: {  	s4 =	simm.s32 $_size__tile_overlayer_lowered;
	s5 =	simm.s32 $_tile_overlayer_lowered  }
0x9b: {  	s22 =	simm.s32 $0x1BFF;
	s21 =	sshll.u32 s5, $0x1;
	s2 =	sadd.s32 s19, s18  }
0x9c: {  	s6 =	simm.s32 $0x0;
	s20 =	sshll.u32 s4, $0x1;
	s4 =	sadd.s32 s21, s2  }
0x9d: {  	[timem:s6], [sflag:s22] =	dma.local [hbm:s4], s20  }
0x9e: {  	_ =	swait.ge [sflag:s22], s20  }
0x9f: {  	s3 =	ssub.s32 $0x0, s20;
	[sflag:s22] =	ssyncset.done $0x0  }
0xa0: {  	[sflag:s22] =	ssyncadd.s32 s3;
	_ =	sdelay $0x1  }
0xa1: {  	s23 =	simm.s32 $0x1B8B  }
0xa2: {  	_ =	swait.ge [sflag:s23], $0x1  }
0xa3: {  	[sflag:s23] =	ssyncset.done $0x0  }
0xa4: {  	s25 =	simm.s32 $0x1B8E;
	s24 =	sld [smem:$0x3FFE];
	[sflag:s23] =	ssyncadd.s32 $0xFFFFFFFF  }
0xa5: {  	s26 =	simm.s32 $execute0_lowered;
	[smem:$0x3FD2] =	sst s25  }
0xa6: {  	s4 =	sshll.u32 s26, $0x1;
	_ =	strace $0x80000049;
	[dreg:$0x1] =	wrdreg $0xFFFFFFFF  }
0xa7: {  	s28 =	simm.s32 $_size_execute0_lowered;
	s2 =	sadd.s32 s2, s4;
	[dreg:$0x0] =	wrdreg $0x0  }
0xa8: {  	s4 =	sshll.u32 s28, $0x1;
	[dreg:$0x2] =	wrdreg s2  }
0xa9: {  	[dreg:$0x3] =	wrdreg s4  }
0xaa: {  	[dreg:$0x4] =	wrdreg $0xC0  }
0xab: {  	_ =	task [dreg:s6], $0x5FFFF  }
0xac: {  	[dreg:$0x1] =	wrdreg $0xFFFFFFFF  }
0xad: {  	[dreg:$0x0] =	wrdreg $0x60  }
0xae: {  	[dreg:$0x2] =	wrdreg s24  }
0xaf: {  	[dreg:$0x3] =	wrdreg $0xA8000  }
0xb0: {  	[dreg:$0x4] =	wrdreg $0x9  }
0xb1: {  	_ =	task.clear_ibuf [dreg:s6], $0x5FFFF;
	_ =	strace $0x90000049  }
0xb2: {  	s29 =	simm.s32 $0x9;
	_ =	strace $0x8000004B  }
0xb3: {  	_ =	swait.ge [sflag:s29], $0x1  }
0xb4: {  	[sflag:s29] =	ssyncadd.s32 $0xFFFFFFFF  }
0xb5: {  	_ =	strace $0x9000004B  }
0xb6: {  	_ =	sfence  }
0xb7: {  	s30 =	sld [smem:$0x0];
	_ =	sdelay $0x2  }
0xb8: {  	s31 =	sshll.u32 s1, $0xD;
	s1 =	sshrl.u32 s1, $0x2  }
0xb9: {  	s3 =	sand.u32 $0x4000, s31;
	s1 =	sadd.s32 s1, s30  }
0xba: {  	s0 =	sor.u32 s3, s0;
	s1 =	sshll.u32 s1, $0x11  }
0xbb: {  	s0 =	sor.u32 s1, s0  }
0xbc: {  	s0 =	sadd.s32 $0x8F2B, s0  }
0xbd: {  	[sflag:s0] =	ssyncadd.remote.s32 $0x1  }
0xbe: {  	_ =	sfence.sel $0xFFFF  }
0xbf: {  	[dreg:$0x0] =	wrdreg $0xFFFFFFFF;
	(pc) =	sbr.abs _section_cstart, $3  }
0xc0: {  	[dreg:$0x1] =	wrdreg $0xFFFFFFFF  }
0xc1: {  	_ =	task.clear_ibuf [dreg:s6], $0x2FFFF;
	_ =	strace $0x9FFFFFFF  }
0xc2: {  	(tm) =	ssettm $0x7FFFFFFF  }
0xc3: {  	_ =	shalt  }
tec
execute0_lowered:
.L_overlay_start_1:
0x0: {  	(tag) =	ssettag $0x1  }
0x1: {  	s5 =	rddreg [dreg:$0x0]  }
0x2: {  	s2 =	rddreg [dreg:$0x1]  }
0x3: {  	s0 =	rddreg [dreg:$0x2]  }
0x4: {  	s3 =	simm.s32 $0x0;
	s1 =	stileid.u32;
	s4 =	srdreg.scid  }
0x5: {  	s16 =	simm.s32 $0x80;
	s17 =	simm.s32 $0x2800;
	s18 =	simm.s32 $0x1  }
0x6: {  	s19 =	simm.s32 $0x6800;
	s20 =	simm.s32 $0x2;
	s21 =	simm.s32 $0x1380  }
0x7: {  	s22 =	simm.s32 $0x2700;
	s23 =	simm.s32 $0x2780;
	s24 =	simm.s32 $0x0  }
0x8: {  	[smem:$0x7FF] =	sst s3;
	s6 =	smul.u32 $0x13C00, s1;
	s7 =	sand.u32 $0x1, s4  }
0x9: {  	s4 =	sadd.s32 $0x40200, s5;
	s9 =	sadd.s32 $0xEA00, s5;
	s10 =	sadd.s32 $0x4A00, s5  }
0xa: {  	s12 =	smul.u32 $0x4F000, s1;
	s30 =	sshll.u32 s1, $0x6;
	_ =	strace $0x8000004A  }
0xb: {  	s8 =	smul.u32 $0x13C000, s7;
	s28 =	sshll.u32 s7, $0x4;
	s7 =	ssub.s32 $0x2, s7  }
0xc: {  	s11 =	sshrl.u32 s6, $0x3;
	s13 =	sshrl.u32 s7, $0x1;
	s29 =	sshrl.u32 s12, $0x2  }
0xd: {  	s11 =	sadd.s32 s11, s5;
	s6 =	sadd.s32 s6, s8;
	s8 =	sor.u32 s1, s28  }
0xe: {  	s13 =	ssub.s32 s7, s13;
	s15 =	sadd.s32 s29, s2;
	s6 =	sshrl.u32 s6, $0x3  }
0xf: {  	s8 =	smul.u32 $0x2800, s8;
	s12 =	smax.u32 s13, $0x1;
	s13 =	sshrl.u32 s15, $0x3  }
0x10: {  	s15 =	simm.s32 $0x1400;
	s14 =	sadd.s32 s6, s5;
	s5 =	sadd.s32 $0x18A00, s11  }
0x11: {  	s6 =	sor.u32 $0x1C03, s30;
	s8 =	sshrl.u32 s8, $0x3;
	s11 =	sadd.s32 $0x67400, s14  }
0x12: {  	s14 =	simm.s32 $0x3;
	s31 =	sadd.s32 $0x280, s8;
	s7 =	sadd.s32 s9, s8  }
0x13: {  	s8 =	sadd.s32 s10, s8;
	s9 =	sadd.s32 s9, s31;
	s10 =	sadd.s32 s10, s31  }
.LBB2_1:
0x14: {  	[spmem:s13], [sflag:s6] =	dma.local [hbm:s5], $0x2780  }
0x15: {  	_ =	swait.ge [sflag:s14], $0x2780  }
0x16: {  	[sflag:s14] =	ssyncset.done $0x0  }
0x17: {  	[sflag:s14] =	ssyncadd.s32 $0xFFFFD880  }
0x18: {  	[bflag:$0x0] =	sbarrier.arrive $0xFFFF  }
0x19: {  	[tilespmem:s3], [sflag:$0x3] =	stream.linear.gather [hbm4b:s7+s3], $0x1400, $0x38;
	[tilespmem:$0x1E400] =	vst v63  }
0x1a: {  	_ =	swait.ge [sflag:s14], $0x1400  }
0x1b: {  	[sflag:s14] =	ssyncset.done $0x0  }
0x1c: {  	[sflag:s14] =	ssyncadd.s32 $0xFFFFEC00  }
0x1d: {  	[tilespmem:s15], [sflag:$0x3] =	stream.linear.gather [hbm4b:s8+s3], $0x1400, $0x38;
	[tilespmem:$0x1E400] =	vst v63  }
0x1e: {  	_ =	swait.ge [sflag:s14], $0x1400  }
0x1f: {  	[sflag:s14] =	ssyncset.done $0x0  }
0x20: {  	[sflag:s14] =	ssyncadd.s32 $0xFFFFEC00  }
0x21: {  	[tilespmem:s17], [sflag:$0x1] =	stream.indirect.gather [hbm4b:s4+s16], $0x80, s3, s16, $0xb8;
	[tilespmem:$0x1E400] =	vst v63  }
0x22: {  	_ =	swait.ge [sflag:s18], $0x4000  }
0x23: {  	[sflag:s18] =	ssyncset.done $0x0  }
0x24: {  	s25 =	simm.s32 $0x80;
	[sflag:s18] =	ssyncadd.s32 $0xFFFFC000  }
0x25: {  	[tilespmem:s19], [sflag:$0x2] =	stream.indirect.gather [hbm4b:s4+s16], $0x80, s25, s16, $0xb8;
	[tilespmem:$0x1E400] =	vst v63  }
0x26: {  	s29 =	simm.s32 $0x1400  }
0x27: {  	[spmem:s2] =	stream.indirect.scatter.add.f32 [tilespmem:s17], [sflag:$0x3], $0x80, s29, s16, $0xb8;
	[tilespmem:$0x1E400] =	vst v63  }
0x28: {  	_ =	swait.ge [sflag:s14], $0x4000  }
0x29: {  	[sflag:s14] =	ssyncset.done $0x0  }
0x2a: {  	[sflag:s14] =	ssyncadd.s32 $0xFFFFC000  }
0x2b: {  	_ =	swait.ge [sflag:s20], $0x4000  }
0x2c: {  	[sflag:s20] =	ssyncset.done $0x0  }
0x2d: {  	s30 =	simm.s32 $0x100;
	[sflag:s20] =	ssyncadd.s32 $0xFFFFC000  }
0x2e: {  	[tilespmem:s17], [sflag:$0x1] =	stream.indirect.gather [hbm4b:s4+s16], $0x80, s30, s16, $0xb8;
	[tilespmem:$0x1E400] =	vst v63  }
0x2f: {  	s31 =	simm.s32 $0x1480  }
0x30: {  	[spmem:s2] =	stream.indirect.scatter.add.f32 [tilespmem:s19], [sflag:$0x3], $0x80, s31, s16, $0xb8;
	[tilespmem:$0x1E400] =	vst v63  }
0x31: {  	_ =	swait.ge [sflag:s14], $0x4000  }
0x32: {  	s25 =	simm.s32 $0x400;
	[sflag:s14] =	ssyncset.done $0x0  }
.LBB2_2:
0x33: {  	p0 =	sne.s32 s25, $0x4800  }
0x34: {  	[sflag:s14] =	ssyncadd.s32 $0xFFFFC000;
	s26 =	smov.u32 s25;
	s25 =	sadd.s32 $0x400, s25  }
0x35: {  	_ = 	snop  }
0x36: {  	_ =	swait.ge [sflag:s18], $0x4000  }
0x37: {  	s26 =	sshra.s32 s26, $0x2;
	[sflag:s18] =	ssyncset.done $0x0  }
0x38: {  	s28 =	sadd.s32 $0x80, s26;
	[sflag:s18] =	ssyncadd.s32 $0xFFFFC000  }
0x39: {  	[tilespmem:s19], [sflag:$0x2] =	stream.indirect.gather [hbm4b:s4+s16], $0x80, s28, s16, $0xb8;
	[tilespmem:$0x1E400] =	vst v63  }
0x3a: {  	s28 =	sadd.s32 $0x1400, s26  }
0x3b: {  	[spmem:s2] =	stream.indirect.scatter.add.f32 [tilespmem:s17], [sflag:$0x3], $0x80, s28, s16, $0xb8;
	[tilespmem:$0x1E400] =	vst v63  }
0x3c: {  	_ =	swait.ge [sflag:s14], $0x4000  }
0x3d: {  	[sflag:s14] =	ssyncset.done $0x0  }
0x3e: {  	[sflag:s14] =	ssyncadd.s32 $0xFFFFC000  }
0x3f: {  	_ =	swait.ge [sflag:s20], $0x4000  }
0x40: {  	[sflag:s20] =	ssyncset.done $0x0  }
0x41: {  	s28 =	sadd.s32 $0x100, s26;
	[sflag:s20] =	ssyncadd.s32 $0xFFFFC000  }
0x42: {  	[tilespmem:s17], [sflag:$0x1] =	stream.indirect.gather [hbm4b:s4+s16], $0x80, s28, s16, $0xb8;
	[tilespmem:$0x1E400] =	vst v63  }
.Ltmp0:
0x43: {  	_ = 	snop;
	(pc) =	sbr.rel @p0 .LBB2_2-.Ltmp0, $4  }
0x44: {  	s26 =	sadd.s32 $0x1480, s26  }
0x45: {  	[spmem:s2] =	stream.indirect.scatter.add.f32 [tilespmem:s19], [sflag:$0x3], $0x80, s26, s16, $0xb8;
	[tilespmem:$0x1E400] =	vst v63  }
0x46: {  	_ =	swait.ge [sflag:s14], $0x4000  }
0x47: {  	[sflag:s14] =	ssyncset.done $0x0  }
0x48: {  	[sflag:s14] =	ssyncadd.s32 $0xFFFFC000  }
0x49: {  	_ =	swait.ge [sflag:s18], $0x4000  }
0x4a: {  	[sflag:s18] =	ssyncset.done $0x0  }
0x4b: {  	[sflag:s18] =	ssyncadd.s32 $0xFFFFC000  }
0x4c: {  	[tilespmem:s19], [sflag:$0x2] =	stream.indirect.gather [hbm4b:s4+s16], $0x80, s21, s16, $0xb8;
	[tilespmem:$0x1E400] =	vst v63  }
0x4d: {  	_ = 	snop  }
0x4e: {  	[spmem:s2] =	stream.indirect.scatter.add.f32 [tilespmem:s17], [sflag:$0x3], $0x80, s22, s16, $0xb8;
	[tilespmem:$0x1E400] =	vst v63  }
0x4f: {  	_ =	swait.ge [sflag:s14], $0x4000  }
0x50: {  	[sflag:s14] =	ssyncset.done $0x0  }
0x51: {  	[sflag:s14] =	ssyncadd.s32 $0xFFFFC000  }
0x52: {  	_ =	swait.ge [sflag:s20], $0x4000  }
0x53: {  	[sflag:s20] =	ssyncset.done $0x0  }
0x54: {  	[sflag:s20] =	ssyncadd.s32 $0xFFFFC000  }
0x55: {  	[spmem:s2] =	stream.indirect.scatter.add.f32 [tilespmem:s19], [sflag:$0x3], $0x80, s23, s16, $0xb8;
	[tilespmem:$0x1E400] =	vst v63  }
0x56: {  	_ =	swait.ge [sflag:s14], $0x4000  }
0x57: {  	[sflag:s14] =	ssyncset.done $0x0  }
0x58: {  	s25 =	simm.s32 $0x0;
	[sflag:s14] =	ssyncadd.s32 $0xFFFFC000  }
0x59: {  	[tilespmem:s25], [sflag:$0x3] =	stream.linear.gather [hbm4b:s9+s25], $0x1400, $0x38;
	[tilespmem:$0x1E400] =	vst v63  }
0x5a: {  	_ =	swait.ge [sflag:s14], $0x1400  }
0x5b: {  	[sflag:s14] =	ssyncset.done $0x0  }
0x5c: {  	[sflag:s14] =	ssyncadd.s32 $0xFFFFEC00  }
0x5d: {  	[tilespmem:s15], [sflag:$0x3] =	stream.linear.gather [hbm4b:s10+s25], $0x1400, $0x38;
	[tilespmem:$0x1E400] =	vst v63  }
0x5e: {  	_ =	swait.ge [sflag:s14], $0x1400  }
0x5f: {  	[sflag:s14] =	ssyncset.done $0x0  }
0x60: {  	[sflag:s14] =	ssyncadd.s32 $0xFFFFEC00  }
0x61: {  	[tilespmem:s17], [sflag:$0x1] =	stream.indirect.gather [hbm4b:s4+s16], $0x80, s25, s16, $0xb8;
	[tilespmem:$0x1E400] =	vst v63  }
0x62: {  	_ =	swait.ge [sflag:s18], $0x4000  }
0x63: {  	[sflag:s18] =	ssyncset.done $0x0  }
0x64: {  	s28 =	simm.s32 $0x80;
	[sflag:s18] =	ssyncadd.s32 $0xFFFFC000  }
0x65: {  	[tilespmem:s19], [sflag:$0x2] =	stream.indirect.gather [hbm4b:s4+s16], $0x80, s28, s16, $0xb8;
	[tilespmem:$0x1E400] =	vst v63  }
0x66: {  	s29 =	simm.s32 $0x1400  }
0x67: {  	[spmem:s2] =	stream.indirect.scatter.add.f32 [tilespmem:s17], [sflag:$0x3], $0x80, s29, s16, $0xb8;
	[tilespmem:$0x1E400] =	vst v63  }
0x68: {  	_ =	swait.ge [sflag:s14], $0x4000  }
0x69: {  	[sflag:s14] =	ssyncset.done $0x0  }
0x6a: {  	[sflag:s14] =	ssyncadd.s32 $0xFFFFC000  }
0x6b: {  	_ =	swait.ge [sflag:s20], $0x4000  }
0x6c: {  	[sflag:s20] =	ssyncset.done $0x0  }
0x6d: {  	s30 =	simm.s32 $0x100;
	[sflag:s20] =	ssyncadd.s32 $0xFFFFC000  }
0x6e: {  	[tilespmem:s17], [sflag:$0x1] =	stream.indirect.gather [hbm4b:s4+s16], $0x80, s30, s16, $0xb8;
	[tilespmem:$0x1E400] =	vst v63  }
0x6f: {  	s31 =	simm.s32 $0x1480  }
0x70: {  	[spmem:s2] =	stream.indirect.scatter.add.f32 [tilespmem:s19], [sflag:$0x3], $0x80, s31, s16, $0xb8;
	[tilespmem:$0x1E400] =	vst v63  }
0x71: {  	_ =	swait.ge [sflag:s14], $0x4000  }
0x72: {  	s25 =	simm.s32 $0x400;
	[sflag:s14] =	ssyncset.done $0x0  }
.LBB2_4:
0x73: {  	p0 =	sne.s32 s25, $0x4800  }
0x74: {  	[sflag:s14] =	ssyncadd.s32 $0xFFFFC000;
	s26 =	smov.u32 s25;
	s25 =	sadd.s32 $0x400, s25  }
0x75: {  	_ = 	snop  }
0x76: {  	_ =	swait.ge [sflag:s18], $0x4000  }
0x77: {  	s26 =	sshra.s32 s26, $0x2;
	[sflag:s18] =	ssyncset.done $0x0  }
0x78: {  	s28 =	sadd.s32 $0x80, s26;
	[sflag:s18] =	ssyncadd.s32 $0xFFFFC000  }
0x79: {  	[tilespmem:s19], [sflag:$0x2] =	stream.indirect.gather [hbm4b:s4+s16], $0x80, s28, s16, $0xb8;
	[tilespmem:$0x1E400] =	vst v63  }
0x7a: {  	s28 =	sadd.s32 $0x1400, s26  }
0x7b: {  	[spmem:s2] =	stream.indirect.scatter.add.f32 [tilespmem:s17], [sflag:$0x3], $0x80, s28, s16, $0xb8;
	[tilespmem:$0x1E400] =	vst v63  }
0x7c: {  	_ =	swait.ge [sflag:s14], $0x4000  }
0x7d: {  	[sflag:s14] =	ssyncset.done $0x0  }
0x7e: {  	[sflag:s14] =	ssyncadd.s32 $0xFFFFC000  }
0x7f: {  	_ =	swait.ge [sflag:s20], $0x4000  }
0x80: {  	[sflag:s20] =	ssyncset.done $0x0  }
0x81: {  	s28 =	sadd.s32 $0x100, s26;
	[sflag:s20] =	ssyncadd.s32 $0xFFFFC000  }
0x82: {  	[tilespmem:s17], [sflag:$0x1] =	stream.indirect.gather [hbm4b:s4+s16], $0x80, s28, s16, $0xb8;
	[tilespmem:$0x1E400] =	vst v63  }
.Ltmp1:
0x83: {  	_ = 	snop;
	(pc) =	sbr.rel @p0 .LBB2_4-.Ltmp1, $4  }
0x84: {  	s26 =	sadd.s32 $0x1480, s26  }
0x85: {  	[spmem:s2] =	stream.indirect.scatter.add.f32 [tilespmem:s19], [sflag:$0x3], $0x80, s26, s16, $0xb8;
	[tilespmem:$0x1E400] =	vst v63  }
0x86: {  	_ =	swait.ge [sflag:s14], $0x4000  }
0x87: {  	[sflag:s14] =	ssyncset.done $0x0  }
0x88: {  	[sflag:s14] =	ssyncadd.s32 $0xFFFFC000  }
0x89: {  	_ =	swait.ge [sflag:s18], $0x4000  }
0x8a: {  	[sflag:s18] =	ssyncset.done $0x0  }
0x8b: {  	[sflag:s18] =	ssyncadd.s32 $0xFFFFC000  }
0x8c: {  	[tilespmem:s19], [sflag:$0x2] =	stream.indirect.gather [hbm4b:s4+s16], $0x80, s21, s16, $0xb8;
	[tilespmem:$0x1E400] =	vst v63  }
0x8d: {  	_ = 	snop  }
0x8e: {  	[spmem:s2] =	stream.indirect.scatter.add.f32 [tilespmem:s17], [sflag:$0x3], $0x80, s22, s16, $0xb8;
	[tilespmem:$0x1E400] =	vst v63  }
0x8f: {  	_ =	swait.ge [sflag:s14], $0x4000  }
0x90: {  	[sflag:s14] =	ssyncset.done $0x0  }
0x91: {  	[sflag:s14] =	ssyncadd.s32 $0xFFFFC000  }
0x92: {  	_ =	swait.ge [sflag:s20], $0x4000  }
0x93: {  	[sflag:s20] =	ssyncset.done $0x0  }
0x94: {  	[sflag:s20] =	ssyncadd.s32 $0xFFFFC000  }
0x95: {  	[spmem:s2] =	stream.indirect.scatter.add.f32 [tilespmem:s19], [sflag:$0x3], $0x80, s23, s16, $0xb8;
	[tilespmem:$0x1E400] =	vst v63  }
0x96: {  	_ =	swait.ge [sflag:s14], $0x4000  }
0x97: {  	s24 =	sadd.s32 $0x1, s24;
	[sflag:s14] =	ssyncset.done $0x0  }
0x98: {  	p0 =	sne.s32 s24, s12;
	[sflag:s14] =	ssyncadd.s32 $0xFFFFC000  }
.Ltmp2:
0x99: {  	[bflag:$0x0] =	sbarrier.arrive $0xFFFF;
	(pc) =	sbr.rel @p0 .LBB2_1-.Ltmp2, $4  }
0x9a: {  	[hbm:s11], [sflag:s6] =	dma.local [spmem:s13], $0x2780  }
0x9b: {  	_ =	swait.ge [sflag:s14], $0x2780  }
0x9c: {  	[sflag:s14] =	ssyncset.done $0x0  }
0x9d: {  	[sflag:s14] =	ssyncadd.s32 $0xFFFFD880  }
0x9e: {  	_ =	sfence.sel $0x180000  }
0x9f: {  	[bflag:$0x0] =	sbarrier.arrive $0xFFFF  }
0xa0: {  	p0 =	sne.s32 s1, $0x0;
	_ =	strace $0x9000004A  }
0xa1: {  	s0 =	sadd.s32 @!p0 $0x100000, s0;
	[bflag:$0x2] =	sbarrier.arrive $0xFFFF  }
0xa2: {  	[sflag:s0] =	ssyncadd.tile.s32 @!p0 $0x1;
	_ =	shalt  }
.Lfunc_end2:
_tile_overlayer_lowered:
.L_overlay_start_2:
0xa3: {  	(tag) =	ssettag $0x2  }
0xa4: {  	s0 =	rddreg [dreg:$0x0];
	s2 =	stileid.u32  }
0xa5: {  	s1 =	rddreg [dreg:$0x1];
	p0 =	sne.s32 s2, $0x0  }
0xa6: {  	s3 =	rddreg [dreg:$0x2];
	[bflag:$0x3] =	sbarrier.arrive $0xFFFF;
	s2 =	simm.s32 @!p0 $0x1C03  }
0xa7: {  	[timem:s3], [sflag:s2] =	dma.local @!p0 [hbm:s0], s1  }
0xa8: {  	s0 =	simm.s32 @!p0 $0x3  }
0xa9: {  	_ =	swait.ge @!p0 [sflag:s0], s1  }
0xaa: {  	s1 =	ssub.s32 @!p0 $0x0, s1;
	[sflag:s0] =	ssyncset.done @!p0 $0x0  }
0xab: {  	[sflag:s0] =	ssyncadd.s32 @!p0 s1  }
0xac: {  	[bflag:$0x3] =	sbarrier.arrive $0xFFFF  }
0xad: {  	_ =	shalt  }

// kernel: kernel.17.cloned.1.call-start
scs
__scs_entry_jumppad:
0x0: {  	(pc) =	sbr.rel $0x88, $3  }
0x1: {  	(tag) =	ssettag $0x0;
	lr =	simm.s32 $0x1  }
0x2: {  	[smem:$0x3F95] =	sst lr;
	_ =	strace $0xD0000000  }
0x3: {  	_ = 	snop  }
0x4: {  	_ = 	snop  }
0x5: {  	_ = 	snop  }
0x6: {  	_ = 	snop  }
0x7: {  	_ = 	snop  }
__scs_overlays_trampoline_lowered:
0x8: {  	[smem:$0x3FA4] =	sst s0  }
0x9: {  	[smem:$0x3FA5] =	sst s1  }
0xa: {  	[smem:$0x3FA6] =	sst s2  }
0xb: {  	[smem:$0x3FA7] =	sst s3  }
0xc: {  	[smem:$0x3FA8] =	sst s4  }
0xd: {  	[smem:$0x3FA9] =	sst s5  }
0xe: {  	[smem:$0x3FAA] =	sst s6  }
0xf: {  	[smem:$0x3FAB] =	sst s7  }
0x10: {  	[smem:$0x3FAC] =	sst s8  }
0x11: {  	[smem:$0x3FAD] =	sst s9;
	s0 =	simm.s32 @!p0 $0x0  }
0x12: {  	s1 =	sld [smem:$0x3F93];
	s0 =	simm.s32 @p0 $0x1  }
0x13: {  	[smem:$0x3FAE] =	sst s0;
	s0 =	simm.s32 @!p1 $0x0  }
0x14: {  	s2 =	sld [smem:$0x3F92];
	s0 =	simm.s32 @p1 $0x1  }
0x15: {  	[smem:$0x3FAF] =	sst s0;
	s0 =	simm.s32 @!p2 $0x0  }
0x16: {  	s3 =	sld [smem:$0x3FDB];
	s0 =	simm.s32 @p2 $0x1  }
0x17: {  	s4 =	simm.s32 $0x1BF5;
	[smem:$0x3FB1] =	sst s0  }
0x18: {  	s0 =	sld [smem:$0x3F94];
	_ =	swait.ge [sflag:s4], $0x0  }
0x19: {  	s7 =	sld [smem:$0x3F95]  }
0x1a: {  	s8 =	sadd.s32 $0xFFFFE003, lr  }
0x1b: {  	s9 =	sadd.s32 $0xFFFFFEF7, lr;
	s5 =	simm.s32 $0xFFFFFFFF;
	p2 =	slt.u32 s8, $0xFFFFF086  }
0x1c: {  	p1 =	slt.u32 s9, $0xF7A;
	s5 =	simm.s32 @!p2 $0x0  }
0x1d: {  	s5 =	simm.s32 @p1 $0x1;
	p0 =	seq.s32 s7, s2  }
0x1e: {  	s7 =	smul.u32 @!p0 $0xF7A, s2;
	p2 =	seq.s32 @!p0 s5, $0x0  }
0x1f: {  	s9 =	smul.u32 $0xF7A, s1;
	s8 =	simm.s32 @!p0 $0x1BF5;
	p2 =	por !p2, p0  }
0x20: {  	[sflag:s8] =	ssyncset.s32 @!p0 $0xFFFFF086;
	s6 =	sadd.s32 @!p0 s3, s7;
	s7 =	simm.s32 @!p0 $0x108  }
0x21: {  	s3 =	sadd.s32 s3, s9;
	s6 =	sadd.s32 @!p0 $0x88, s6;
	s7 =	simm.s32 @p2 $0x1082  }
0x22: {  	[simem:s7], [sflag:s8] =	dma.local @!p0 [hbm:s6], $0xF7A  }
0x23: {  	s9 =	sor.u32 $0xD0000000, s2;
	s6 =	simm.s32 $0x108;
	_ =	swait.ge @!p0 [sflag:s8], $0x0  }
0x24: {  	s3 =	sadd.s32 $0x88, s3;
	s6 =	simm.s32 @!p1 $0x1082;
	[sflag:s4] =	ssyncset.s32 $0xFFFFF086  }
0x25: {  	[simem:s6], [sflag:s4] =	dma.local [hbm:s3], $0xF7A  }
0x26: {  	[smem:$0x3F95] =	sst s1;
	(tag) =	ssettag s2;
	_ =	strace s9  }
0x27: {  	s1 =	sld [smem:$0x3FA5]  }
0x28: {  	s2 =	sld [smem:$0x3FA6]  }
0x29: {  	s4 =	sld [smem:$0x3FA8]  }
0x2a: {  	p0 =	seq.s32 s5, $0x0;
	s5 =	sld [smem:$0x3FA9]  }
0x2b: {  	s6 =	sld [smem:$0x3FAA]  }
0x2c: {  	s7 =	sld [smem:$0x3FAB]  }
0x2d: {  	s3 =	simm.s32 $0x108;
	s8 =	sld [smem:$0x3FAC]  }
0x2e: {  	s3 =	simm.s32 @!p0 $0x1082;
	s9 =	sld [smem:$0x3FAD]  }
0x2f: {  	lr =	sadd.s32 s0, s3;
	s0 =	sld [smem:$0x3FA4]  }
0x30: {  	s3 =	sld [smem:$0x3FA7]  }
0x31: {  	[smem:$0x3FB0] =	sst s10  }
0x32: {  	s10 =	sld [smem:$0x3FAE];
	_ =	sdelay $0x3  }
0x33: {  	p0 =	seq.s32 s10, $0x1;
	s10 =	sld [smem:$0x3FB0];
	_ =	sdelay $0x3  }
0x34: {  	[smem:$0x3FB0] =	sst s10  }
0x35: {  	s10 =	sld [smem:$0x3FAF];
	_ =	sdelay $0x3  }
0x36: {  	p1 =	seq.s32 s10, $0x1;
	s10 =	sld [smem:$0x3FB0];
	_ =	sdelay $0x3  }
0x37: {  	[smem:$0x3FB0] =	sst s10  }
0x38: {  	s10 =	sld [smem:$0x3FB1]  }
0x39: {  	_ = 	snop;
	(pc) =	sbr.ind lr, $3  }
0x3a: {  	_ = 	snop  }
0x3b: {  	_ = 	snop  }
0x3c: {  	p2 =	seq.s32 s10, $0x1;
	s10 =	sld [smem:$0x3FB0]  }
0x3d: {  	_ =	shalt  }
0x3e: {  	_ =	shalt  }
0x3f: {  	_ =	shalt  }
0x40: {  	_ =	shalt  }
0x41: {  	_ =	shalt  }
0x42: {  	_ =	shalt  }
0x43: {  	_ =	shalt  }
0x44: {  	_ =	shalt  }
0x45: {  	_ =	shalt  }
0x46: {  	_ =	shalt  }
0x47: {  	_ =	shalt  }
0x48: {  	_ =	shalt  }
0x49: {  	_ =	shalt  }
0x4a: {  	_ =	shalt  }
0x4b: {  	_ =	shalt  }
0x4c: {  	_ =	shalt  }
0x4d: {  	_ =	shalt  }
0x4e: {  	_ =	shalt  }
0x4f: {  	_ =	shalt  }
0x50: {  	_ =	shalt  }
0x51: {  	_ =	shalt  }
0x52: {  	_ =	shalt  }
0x53: {  	_ =	shalt  }
0x54: {  	_ =	shalt  }
0x55: {  	_ =	shalt  }
0x56: {  	_ =	shalt  }
0x57: {  	_ =	shalt  }
0x58: {  	_ =	shalt  }
0x59: {  	_ =	shalt  }
0x5a: {  	_ =	shalt  }
0x5b: {  	_ =	shalt  }
0x5c: {  	_ =	shalt  }
0x5d: {  	_ =	shalt  }
0x5e: {  	_ =	shalt  }
0x5f: {  	_ =	shalt  }
0x60: {  	_ =	shalt  }
0x61: {  	_ =	shalt  }
0x62: {  	_ =	shalt  }
0x63: {  	_ =	shalt  }
0x64: {  	_ =	shalt  }
0x65: {  	_ =	shalt  }
0x66: {  	_ =	shalt  }
0x67: {  	_ =	shalt  }
0x68: {  	_ =	shalt  }
0x69: {  	_ =	shalt  }
0x6a: {  	_ =	shalt  }
0x6b: {  	_ =	shalt  }
0x6c: {  	_ =	shalt  }
0x6d: {  	_ =	shalt  }
0x6e: {  	_ =	shalt  }
0x6f: {  	_ =	shalt  }
0x70: {  	_ =	shalt  }
0x71: {  	_ =	shalt  }
0x72: {  	_ =	shalt  }
0x73: {  	_ =	shalt  }
0x74: {  	_ =	shalt  }
0x75: {  	_ =	shalt  }
0x76: {  	_ =	shalt  }
0x77: {  	_ =	shalt  }
0x78: {  	_ =	shalt  }
0x79: {  	_ =	shalt  }
0x7a: {  	_ =	shalt  }
0x7b: {  	_ =	shalt  }
0x7c: {  	_ =	shalt  }
0x7d: {  	_ =	shalt  }
0x7e: {  	_ =	shalt  }
0x7f: {  	_ =	shalt  }
0x80: {  	_ =	shalt  }
0x81: {  	_ =	shalt  }
0x82: {  	_ =	shalt  }
0x83: {  	_ =	shalt  }
0x84: {  	_ =	shalt  }
0x85: {  	_ =	shalt  }
0x86: {  	_ =	shalt  }
0x87: {  	_ =	shalt  }
.Lfunc_end0:
.L_simem_size_0:
called_computation.2_lowered:
.L_overlay_start_0:
0x88: {  	s2 =	sld [smem:$0x3FD9]  }
0x89: {  	s3 =	sld [smem:$0x3FFE];
	_ =	sdelay $0x1  }
0x8a: {  	s1 =	srdreg.scid  }
0x8b: {  	s0 =	sand.u32 $0x1, s1  }
0x8c: {  	s16 =	sshll.u32 s0, $0xA;
	s2 =	sadd.s32 s3, s2  }
0x8d: {  	s2 =	sadd.s32 s2, s16  }
0x8e: {  	[smem:$0x3FBC] =	sst s2  }
0x8f: {  	_ = 	snop  }
0x90: {  	(tm) =	ssettm $0x1  }
0x91: {  	s17 =	sld [smem:$0x3FFB];
	_ =	sdelay $0x3  }
0x92: {  	_ =	strace s17  }
0x93: {  	s2 =	sld [smem:$0x3FFC];
	_ =	sdelay $0x3  }
0x94: {  	_ =	strace s2  }
0x95: {  	s2 =	sld [smem:$0x3FFD];
	_ =	sdelay $0x3  }
0x96: {  	_ =	strace s2  }
0x97: {  	_ =	strace $0x8FFFFFFF  }
0x98: {  	s18 =	sld [smem:$0x3FDB];
	_ =	sdelay $0x1  }
0x99: {  	s19 =	simm.s32 $_scs_section_size  }
0x9a: {  	s4 =	simm.s32 $_size__tile_overlayer_lowered;
	s5 =	simm.s32 $_tile_overlayer_lowered  }
0x9b: {  	s22 =	simm.s32 $0x1BFF;
	s21 =	sshll.u32 s5, $0x1;
	s2 =	sadd.s32 s19, s18  }
0x9c: {  	s6 =	simm.s32 $0x0;
	s20 =	sshll.u32 s4, $0x1;
	s4 =	sadd.s32 s21, s2  }
0x9d: {  	[timem:s6], [sflag:s22] =	dma.local [hbm:s4], s20  }
0x9e: {  	_ =	swait.ge [sflag:s22], s20  }
0x9f: {  	s3 =	ssub.s32 $0x0, s20;
	[sflag:s22] =	ssyncset.done $0x0  }
0xa0: {  	[sflag:s22] =	ssyncadd.s32 s3;
	_ =	sdelay $0x1  }
0xa1: {  	s23 =	simm.s32 $0x1B8B  }
0xa2: {  	_ =	swait.ge [sflag:s23], $0x1  }
0xa3: {  	[sflag:s23] =	ssyncset.done $0x0  }
0xa4: {  	s25 =	simm.s32 $0x1B8E;
	s24 =	sld [smem:$0x3FFE];
	[sflag:s23] =	ssyncadd.s32 $0xFFFFFFFF  }
0xa5: {  	s26 =	simm.s32 $execute0_lowered;
	[smem:$0x3FD2] =	sst s25  }
0xa6: {  	s4 =	sshll.u32 s26, $0x1;
	_ =	strace $0x8000004C;
	[dreg:$0x1] =	wrdreg $0xFFFFFFFF  }
0xa7: {  	s28 =	simm.s32 $_size_execute0_lowered;
	s2 =	sadd.s32 s2, s4;
	[dreg:$0x0] =	wrdreg $0x0  }
0xa8: {  	s4 =	sshll.u32 s28, $0x1;
	[dreg:$0x2] =	wrdreg s2  }
0xa9: {  	[dreg:$0x3] =	wrdreg s4  }
0xaa: {  	[dreg:$0x4] =	wrdreg $0xC0  }
0xab: {  	_ =	task [dreg:s6], $0x5FFFF  }
0xac: {  	[dreg:$0x1] =	wrdreg $0xFFFFFFFF  }
0xad: {  	[dreg:$0x0] =	wrdreg $0x60  }
0xae: {  	[dreg:$0x2] =	wrdreg s24  }
0xaf: {  	[dreg:$0x3] =	wrdreg $0xA8000  }
0xb0: {  	[dreg:$0x4] =	wrdreg $0x9  }
0xb1: {  	_ =	task.clear_ibuf [dreg:s6], $0x5FFFF;
	_ =	strace $0x9000004C  }
0xb2: {  	s29 =	simm.s32 $0x9;
	_ =	strace $0x8000004E  }
0xb3: {  	_ =	swait.ge [sflag:s29], $0x1  }
0xb4: {  	[sflag:s29] =	ssyncadd.s32 $0xFFFFFFFF  }
0xb5: {  	_ =	strace $0x9000004E  }
0xb6: {  	_ =	sfence  }
0xb7: {  	s30 =	sld [smem:$0x0];
	_ =	sdelay $0x2  }
0xb8: {  	s31 =	sshll.u32 s1, $0xD;
	s1 =	sshrl.u32 s1, $0x2  }
0xb9: {  	s3 =	sand.u32 $0x4000, s31;
	s1 =	sadd.s32 s1, s30  }
0xba: {  	s0 =	sor.u32 s3, s0;
	s1 =	sshll.u32 s1, $0x11  }
0xbb: {  	s0 =	sor.u32 s1, s0  }
0xbc: {  	s0 =	sadd.s32 $0x8F2B, s0  }
0xbd: {  	[sflag:s0] =	ssyncadd.remote.s32 $0x1  }
0xbe: {  	_ =	sfence.sel $0xFFFF  }
0xbf: {  	[dreg:$0x0] =	wrdreg $0xFFFFFFFF;
	(pc) =	sbr.abs _section_cstart, $3  }
0xc0: {  	[dreg:$0x1] =	wrdreg $0xFFFFFFFF  }
0xc1: {  	_ =	task.clear_ibuf [dreg:s6], $0x2FFFF;
	_ =	strace $0x9FFFFFFF  }
0xc2: {  	(tm) =	ssettm $0x7FFFFFFF  }
0xc3: {  	_ =	shalt  }
tec
execute0_lowered:
.L_overlay_start_1:
0x0: {  	(tag) =	ssettag $0x1  }
0x1: {  	s5 =	rddreg [dreg:$0x0]  }
0x2: {  	s2 =	rddreg [dreg:$0x1]  }
0x3: {  	s0 =	rddreg [dreg:$0x2]  }
0x4: {  	s3 =	simm.s32 $0x0;
	s1 =	stileid.u32;
	s4 =	srdreg.scid  }
0x5: {  	s16 =	simm.s32 $0x80;
	s17 =	simm.s32 $0x2800;
	s18 =	simm.s32 $0x1  }
0x6: {  	s19 =	simm.s32 $0x6800;
	s20 =	simm.s32 $0x2;
	s21 =	simm.s32 $0x1380  }
0x7: {  	s22 =	simm.s32 $0x2700;
	s23 =	simm.s32 $0x2780;
	s24 =	simm.s32 $0x0  }
0x8: {  	[smem:$0x7FF] =	sst s3;
	s6 =	smul.u32 $0x13C00, s1;
	s7 =	sand.u32 $0x1, s4  }
0x9: {  	s4 =	sadd.s32 $0x40200, s5;
	s9 =	sadd.s32 $0xEA00, s5;
	s10 =	sadd.s32 $0x4A00, s5  }
0xa: {  	s12 =	smul.u32 $0x4F000, s1;
	s30 =	sshll.u32 s1, $0x6;
	_ =	strace $0x8000004D  }
0xb: {  	s8 =	smul.u32 $0x13C000, s7;
	s28 =	sshll.u32 s7, $0x4;
	s7 =	ssub.s32 $0x2, s7  }
0xc: {  	s11 =	sshrl.u32 s6, $0x3;
	s13 =	sshrl.u32 s7, $0x1;
	s29 =	sshrl.u32 s12, $0x2  }
0xd: {  	s11 =	sadd.s32 s11, s5;
	s6 =	sadd.s32 s6, s8;
	s8 =	sor.u32 s1, s28  }
0xe: {  	s13 =	ssub.s32 s7, s13;
	s15 =	sadd.s32 s29, s2;
	s6 =	sshrl.u32 s6, $0x3  }
0xf: {  	s8 =	smul.u32 $0x2800, s8;
	s12 =	smax.u32 s13, $0x1;
	s13 =	sshrl.u32 s15, $0x3  }
0x10: {  	s15 =	simm.s32 $0x1400;
	s14 =	sadd.s32 s6, s5;
	s5 =	sadd.s32 $0x18A00, s11  }
0x11: {  	s6 =	sor.u32 $0x1C03, s30;
	s8 =	sshrl.u32 s8, $0x3;
	s11 =	sadd.s32 $0x67400, s14  }
0x12: {  	s14 =	simm.s32 $0x3;
	s31 =	sadd.s32 $0x280, s8;
	s7 =	sadd.s32 s9, s8  }
0x13: {  	s8 =	sadd.s32 s10, s8;
	s9 =	sadd.s32 s9, s31;
	s10 =	sadd.s32 s10, s31  }
.LBB2_1:
0x14: {  	[spmem:s13], [sflag:s6] =	dma.local [hbm:s5], $0x2780  }
0x15: {  	_ =	swait.ge [sflag:s14], $0x2780  }
0x16: {  	[sflag:s14] =	ssyncset.done $0x0  }
0x17: {  	[sflag:s14] =	ssyncadd.s32 $0xFFFFD880  }
0x18: {  	[bflag:$0x0] =	sbarrier.arrive $0xFFFF  }
0x19: {  	[tilespmem:s3], [sflag:$0x3] =	stream.linear.gather [hbm4b:s7+s3], $0x1400, $0x38;
	[tilespmem:$0x1E400] =	vst v63  }
0x1a: {  	_ =	swait.ge [sflag:s14], $0x1400  }
0x1b: {  	[sflag:s14] =	ssyncset.done $0x0  }
0x1c: {  	[sflag:s14] =	ssyncadd.s32 $0xFFFFEC00  }
0x1d: {  	[tilespmem:s15], [sflag:$0x3] =	stream.linear.gather [hbm4b:s8+s3], $0x1400, $0x38;
	[tilespmem:$0x1E400] =	vst v63  }
0x1e: {  	_ =	swait.ge [sflag:s14], $0x1400  }
0x1f: {  	[sflag:s14] =	ssyncset.done $0x0  }
0x20: {  	[sflag:s14] =	ssyncadd.s32 $0xFFFFEC00  }
0x21: {  	[tilespmem:s17], [sflag:$0x1] =	stream.indirect.gather [hbm4b:s4+s16], $0x80, s3, s16, $0xb8;
	[tilespmem:$0x1E400] =	vst v63  }
0x22: {  	_ =	swait.ge [sflag:s18], $0x4000  }
0x23: {  	[sflag:s18] =	ssyncset.done $0x0  }
0x24: {  	s25 =	simm.s32 $0x80;
	[sflag:s18] =	ssyncadd.s32 $0xFFFFC000  }
0x25: {  	[tilespmem:s19], [sflag:$0x2] =	stream.indirect.gather [hbm4b:s4+s16], $0x80, s25, s16, $0xb8;
	[tilespmem:$0x1E400] =	vst v63  }
0x26: {  	s29 =	simm.s32 $0x1400  }
0x27: {  	[spmem:s2] =	stream.indirect.scatter.add.f32 [tilespmem:s17], [sflag:$0x3], $0x80, s29, s16, $0xb8;
	[tilespmem:$0x1E400] =	vst v63  }
0x28: {  	_ =	swait.ge [sflag:s14], $0x4000  }
0x29: {  	[sflag:s14] =	ssyncset.done $0x0  }
0x2a: {  	[sflag:s14] =	ssyncadd.s32 $0xFFFFC000  }
0x2b: {  	_ =	swait.ge [sflag:s20], $0x4000  }
0x2c: {  	[sflag:s20] =	ssyncset.done $0x0  }
0x2d: {  	s30 =	simm.s32 $0x100;
	[sflag:s20] =	ssyncadd.s32 $0xFFFFC000  }
0x2e: {  	[tilespmem:s17], [sflag:$0x1] =	stream.indirect.gather [hbm4b:s4+s16], $0x80, s30, s16, $0xb8;
	[tilespmem:$0x1E400] =	vst v63  }
0x2f: {  	s31 =	simm.s32 $0x1480  }
0x30: {  	[spmem:s2] =	stream.indirect.scatter.add.f32 [tilespmem:s19], [sflag:$0x3], $0x80, s31, s16, $0xb8;
	[tilespmem:$0x1E400] =	vst v63  }
0x31: {  	_ =	swait.ge [sflag:s14], $0x4000  }
0x32: {  	s25 =	simm.s32 $0x400;
	[sflag:s14] =	ssyncset.done $0x0  }
.LBB2_2:
0x33: {  	p0 =	sne.s32 s25, $0x4800  }
0x34: {  	[sflag:s14] =	ssyncadd.s32 $0xFFFFC000;
	s26 =	smov.u32 s25;
	s25 =	sadd.s32 $0x400, s25  }
0x35: {  	_ = 	snop  }
0x36: {  	_ =	swait.ge [sflag:s18], $0x4000  }
0x37: {  	s26 =	sshra.s32 s26, $0x2;
	[sflag:s18] =	ssyncset.done $0x0  }
0x38: {  	s28 =	sadd.s32 $0x80, s26;
	[sflag:s18] =	ssyncadd.s32 $0xFFFFC000  }
0x39: {  	[tilespmem:s19], [sflag:$0x2] =	stream.indirect.gather [hbm4b:s4+s16], $0x80, s28, s16, $0xb8;
	[tilespmem:$0x1E400] =	vst v63  }
0x3a: {  	s28 =	sadd.s32 $0x1400, s26  }
0x3b: {  	[spmem:s2] =	stream.indirect.scatter.add.f32 [tilespmem:s17], [sflag:$0x3], $0x80, s28, s16, $0xb8;
	[tilespmem:$0x1E400] =	vst v63  }
0x3c: {  	_ =	swait.ge [sflag:s14], $0x4000  }
0x3d: {  	[sflag:s14] =	ssyncset.done $0x0  }
0x3e: {  	[sflag:s14] =	ssyncadd.s32 $0xFFFFC000  }
0x3f: {  	_ =	swait.ge [sflag:s20], $0x4000  }
0x40: {  	[sflag:s20] =	ssyncset.done $0x0  }
0x41: {  	s28 =	sadd.s32 $0x100, s26;
	[sflag:s20] =	ssyncadd.s32 $0xFFFFC000  }
0x42: {  	[tilespmem:s17], [sflag:$0x1] =	stream.indirect.gather [hbm4b:s4+s16], $0x80, s28, s16, $0xb8;
	[tilespmem:$0x1E400] =	vst v63  }
.Ltmp0:
0x43: {  	_ = 	snop;
	(pc) =	sbr.rel @p0 .LBB2_2-.Ltmp0, $4  }
0x44: {  	s26 =	sadd.s32 $0x1480, s26  }
0x45: {  	[spmem:s2] =	stream.indirect.scatter.add.f32 [tilespmem:s19], [sflag:$0x3], $0x80, s26, s16, $0xb8;
	[tilespmem:$0x1E400] =	vst v63  }
0x46: {  	_ =	swait.ge [sflag:s14], $0x4000  }
0x47: {  	[sflag:s14] =	ssyncset.done $0x0  }
0x48: {  	[sflag:s14] =	ssyncadd.s32 $0xFFFFC000  }
0x49: {  	_ =	swait.ge [sflag:s18], $0x4000  }
0x4a: {  	[sflag:s18] =	ssyncset.done $0x0  }
0x4b: {  	[sflag:s18] =	ssyncadd.s32 $0xFFFFC000  }
0x4c: {  	[tilespmem:s19], [sflag:$0x2] =	stream.indirect.gather [hbm4b:s4+s16], $0x80, s21, s16, $0xb8;
	[tilespmem:$0x1E400] =	vst v63  }
0x4d: {  	_ = 	snop  }
0x4e: {  	[spmem:s2] =	stream.indirect.scatter.add.f32 [tilespmem:s17], [sflag:$0x3], $0x80, s22, s16, $0xb8;
	[tilespmem:$0x1E400] =	vst v63  }
0x4f: {  	_ =	swait.ge [sflag:s14], $0x4000  }
0x50: {  	[sflag:s14] =	ssyncset.done $0x0  }
0x51: {  	[sflag:s14] =	ssyncadd.s32 $0xFFFFC000  }
0x52: {  	_ =	swait.ge [sflag:s20], $0x4000  }
0x53: {  	[sflag:s20] =	ssyncset.done $0x0  }
0x54: {  	[sflag:s20] =	ssyncadd.s32 $0xFFFFC000  }
0x55: {  	[spmem:s2] =	stream.indirect.scatter.add.f32 [tilespmem:s19], [sflag:$0x3], $0x80, s23, s16, $0xb8;
	[tilespmem:$0x1E400] =	vst v63  }
0x56: {  	_ =	swait.ge [sflag:s14], $0x4000  }
0x57: {  	[sflag:s14] =	ssyncset.done $0x0  }
0x58: {  	s25 =	simm.s32 $0x0;
	[sflag:s14] =	ssyncadd.s32 $0xFFFFC000  }
0x59: {  	[tilespmem:s25], [sflag:$0x3] =	stream.linear.gather [hbm4b:s9+s25], $0x1400, $0x38;
	[tilespmem:$0x1E400] =	vst v63  }
0x5a: {  	_ =	swait.ge [sflag:s14], $0x1400  }
0x5b: {  	[sflag:s14] =	ssyncset.done $0x0  }
0x5c: {  	[sflag:s14] =	ssyncadd.s32 $0xFFFFEC00  }
0x5d: {  	[tilespmem:s15], [sflag:$0x3] =	stream.linear.gather [hbm4b:s10+s25], $0x1400, $0x38;
	[tilespmem:$0x1E400] =	vst v63  }
0x5e: {  	_ =	swait.ge [sflag:s14], $0x1400  }
0x5f: {  	[sflag:s14] =	ssyncset.done $0x0  }
0x60: {  	[sflag:s14] =	ssyncadd.s32 $0xFFFFEC00  }
0x61: {  	[tilespmem:s17], [sflag:$0x1] =	stream.indirect.gather [hbm4b:s4+s16], $0x80, s25, s16, $0xb8;
	[tilespmem:$0x1E400] =	vst v63  }
0x62: {  	_ =	swait.ge [sflag:s18], $0x4000  }
0x63: {  	[sflag:s18] =	ssyncset.done $0x0  }
0x64: {  	s28 =	simm.s32 $0x80;
	[sflag:s18] =	ssyncadd.s32 $0xFFFFC000  }
0x65: {  	[tilespmem:s19], [sflag:$0x2] =	stream.indirect.gather [hbm4b:s4+s16], $0x80, s28, s16, $0xb8;
	[tilespmem:$0x1E400] =	vst v63  }
0x66: {  	s29 =	simm.s32 $0x1400  }
0x67: {  	[spmem:s2] =	stream.indirect.scatter.add.f32 [tilespmem:s17], [sflag:$0x3], $0x80, s29, s16, $0xb8;
	[tilespmem:$0x1E400] =	vst v63  }
0x68: {  	_ =	swait.ge [sflag:s14], $0x4000  }
0x69: {  	[sflag:s14] =	ssyncset.done $0x0  }
0x6a: {  	[sflag:s14] =	ssyncadd.s32 $0xFFFFC000  }
0x6b: {  	_ =	swait.ge [sflag:s20], $0x4000  }
0x6c: {  	[sflag:s20] =	ssyncset.done $0x0  }
0x6d: {  	s30 =	simm.s32 $0x100;
	[sflag:s20] =	ssyncadd.s32 $0xFFFFC000  }
0x6e: {  	[tilespmem:s17], [sflag:$0x1] =	stream.indirect.gather [hbm4b:s4+s16], $0x80, s30, s16, $0xb8;
	[tilespmem:$0x1E400] =	vst v63  }
0x6f: {  	s31 =	simm.s32 $0x1480  }
0x70: {  	[spmem:s2] =	stream.indirect.scatter.add.f32 [tilespmem:s19], [sflag:$0x3], $0x80, s31, s16, $0xb8;
	[tilespmem:$0x1E400] =	vst v63  }
0x71: {  	_ =	swait.ge [sflag:s14], $0x4000  }
0x72: {  	s25 =	simm.s32 $0x400;
	[sflag:s14] =	ssyncset.done $0x0  }
.LBB2_4:
0x73: {  	p0 =	sne.s32 s25, $0x4800  }
0x74: {  	[sflag:s14] =	ssyncadd.s32 $0xFFFFC000;
	s26 =	smov.u32 s25;
	s25 =	sadd.s32 $0x400, s25  }
0x75: {  	_ = 	snop  }
0x76: {  	_ =	swait.ge [sflag:s18], $0x4000  }
0x77: {  	s26 =	sshra.s32 s26, $0x2;
	[sflag:s18] =	ssyncset.done $0x0  }
0x78: {  	s28 =	sadd.s32 $0x80, s26;
	[sflag:s18] =	ssyncadd.s32 $0xFFFFC000  }
0x79: {  	[tilespmem:s19], [sflag:$0x2] =	stream.indirect.gather [hbm4b:s4+s16], $0x80, s28, s16, $0xb8;
	[tilespmem:$0x1E400] =	vst v63  }
0x7a: {  	s28 =	sadd.s32 $0x1400, s26  }
0x7b: {  	[spmem:s2] =	stream.indirect.scatter.add.f32 [tilespmem:s17], [sflag:$0x3], $0x80, s28, s16, $0xb8;
	[tilespmem:$0x1E400] =	vst v63  }
0x7c: {  	_ =	swait.ge [sflag:s14], $0x4000  }
0x7d: {  	[sflag:s14] =	ssyncset.done $0x0  }
0x7e: {  	[sflag:s14] =	ssyncadd.s32 $0xFFFFC000  }
0x7f: {  	_ =	swait.ge [sflag:s20], $0x4000  }
0x80: {  	[sflag:s20] =	ssyncset.done $0x0  }
0x81: {  	s28 =	sadd.s32 $0x100, s26;
	[sflag:s20] =	ssyncadd.s32 $0xFFFFC000  }
0x82: {  	[tilespmem:s17], [sflag:$0x1] =	stream.indirect.gather [hbm4b:s4+s16], $0x80, s28, s16, $0xb8;
	[tilespmem:$0x1E400] =	vst v63  }
.Ltmp1:
0x83: {  	_ = 	snop;
	(pc) =	sbr.rel @p0 .LBB2_4-.Ltmp1, $4  }
0x84: {  	s26 =	sadd.s32 $0x1480, s26  }
0x85: {  	[spmem:s2] =	stream.indirect.scatter.add.f32 [tilespmem:s19], [sflag:$0x3], $0x80, s26, s16, $0xb8;
	[tilespmem:$0x1E400] =	vst v63  }
0x86: {  	_ =	swait.ge [sflag:s14], $0x4000  }
0x87: {  	[sflag:s14] =	ssyncset.done $0x0  }
0x88: {  	[sflag:s14] =	ssyncadd.s32 $0xFFFFC000  }
0x89: {  	_ =	swait.ge [sflag:s18], $0x4000  }
0x8a: {  	[sflag:s18] =	ssyncset.done $0x0  }
0x8b: {  	[sflag:s18] =	ssyncadd.s32 $0xFFFFC000  }
0x8c: {  	[tilespmem:s19], [sflag:$0x2] =	stream.indirect.gather [hbm4b:s4+s16], $0x80, s21, s16, $0xb8;
	[tilespmem:$0x1E400] =	vst v63  }
0x8d: {  	_ = 	snop  }
0x8e: {  	[spmem:s2] =	stream.indirect.scatter.add.f32 [tilespmem:s17], [sflag:$0x3], $0x80, s22, s16, $0xb8;
	[tilespmem:$0x1E400] =	vst v63  }
0x8f: {  	_ =	swait.ge [sflag:s14], $0x4000  }
0x90: {  	[sflag:s14] =	ssyncset.done $0x0  }
0x91: {  	[sflag:s14] =	ssyncadd.s32 $0xFFFFC000  }
0x92: {  	_ =	swait.ge [sflag:s20], $0x4000  }
0x93: {  	[sflag:s20] =	ssyncset.done $0x0  }
0x94: {  	[sflag:s20] =	ssyncadd.s32 $0xFFFFC000  }
0x95: {  	[spmem:s2] =	stream.indirect.scatter.add.f32 [tilespmem:s19], [sflag:$0x3], $0x80, s23, s16, $0xb8;
	[tilespmem:$0x1E400] =	vst v63  }
0x96: {  	_ =	swait.ge [sflag:s14], $0x4000  }
0x97: {  	s24 =	sadd.s32 $0x1, s24;
	[sflag:s14] =	ssyncset.done $0x0  }
0x98: {  	p0 =	sne.s32 s24, s12;
	[sflag:s14] =	ssyncadd.s32 $0xFFFFC000  }
.Ltmp2:
0x99: {  	[bflag:$0x0] =	sbarrier.arrive $0xFFFF;
	(pc) =	sbr.rel @p0 .LBB2_1-.Ltmp2, $4  }
0x9a: {  	[hbm:s11], [sflag:s6] =	dma.local [spmem:s13], $0x2780  }
0x9b: {  	_ =	swait.ge [sflag:s14], $0x2780  }
0x9c: {  	[sflag:s14] =	ssyncset.done $0x0  }
0x9d: {  	[sflag:s14] =	ssyncadd.s32 $0xFFFFD880  }
0x9e: {  	_ =	sfence.sel $0x180000  }
0x9f: {  	[bflag:$0x0] =	sbarrier.arrive $0xFFFF  }
0xa0: {  	p0 =	sne.s32 s1, $0x0;
	_ =	strace $0x9000004D  }
0xa1: {  	s0 =	sadd.s32 @!p0 $0x100000, s0;
	[bflag:$0x2] =	sbarrier.arrive $0xFFFF  }
0xa2: {  	[sflag:s0] =	ssyncadd.tile.s32 @!p0 $0x1;
	_ =	shalt  }
.Lfunc_end2:
_tile_overlayer_lowered:
.L_overlay_start_2:
0xa3: {  	(tag) =	ssettag $0x2  }
0xa4: {  	s0 =	rddreg [dreg:$0x0];
	s2 =	stileid.u32  }
0xa5: {  	s1 =	rddreg [dreg:$0x1];
	p0 =	sne.s32 s2, $0x0  }
0xa6: {  	s3 =	rddreg [dreg:$0x2];
	[bflag:$0x3] =	sbarrier.arrive $0xFFFF;
	s2 =	simm.s32 @!p0 $0x1C03  }
0xa7: {  	[timem:s3], [sflag:s2] =	dma.local @!p0 [hbm:s0], s1  }
0xa8: {  	s0 =	simm.s32 @!p0 $0x3  }
0xa9: {  	_ =	swait.ge @!p0 [sflag:s0], s1  }
0xaa: {  	s1 =	ssub.s32 @!p0 $0x0, s1;
	[sflag:s0] =	ssyncset.done @!p0 $0x0  }
0xab: {  	[sflag:s0] =	ssyncadd.s32 @!p0 s1  }
0xac: {  	[bflag:$0x3] =	sbarrier.arrive $0xFFFF  }
0xad: {  	_ =	shalt  }

// kernel: kernel.20.cloned.1.call-start
scs
__scs_entry_jumppad:
0x0: {  	(pc) =	sbr.rel $0x88, $3  }
0x1: {  	(tag) =	ssettag $0x0;
	lr =	simm.s32 $0x1  }
0x2: {  	[smem:$0x3F95] =	sst lr;
	_ =	strace $0xD0000000  }
0x3: {  	_ = 	snop  }
0x4: {  	_ = 	snop  }
0x5: {  	_ = 	snop  }
0x6: {  	_ = 	snop  }
0x7: {  	_ = 	snop  }
__scs_overlays_trampoline_lowered:
0x8: {  	[smem:$0x3FA4] =	sst s0  }
0x9: {  	[smem:$0x3FA5] =	sst s1  }
0xa: {  	[smem:$0x3FA6] =	sst s2  }
0xb: {  	[smem:$0x3FA7] =	sst s3  }
0xc: {  	[smem:$0x3FA8] =	sst s4  }
0xd: {  	[smem:$0x3FA9] =	sst s5  }
0xe: {  	[smem:$0x3FAA] =	sst s6  }
0xf: {  	[smem:$0x3FAB] =	sst s7  }
0x10: {  	[smem:$0x3FAC] =	sst s8  }
0x11: {  	[smem:$0x3FAD] =	sst s9;
	s0 =	simm.s32 @!p0 $0x0  }
0x12: {  	s1 =	sld [smem:$0x3F93];
	s0 =	simm.s32 @p0 $0x1  }
0x13: {  	[smem:$0x3FAE] =	sst s0;
	s0 =	simm.s32 @!p1 $0x0  }
0x14: {  	s2 =	sld [smem:$0x3F92];
	s0 =	simm.s32 @p1 $0x1  }
0x15: {  	[smem:$0x3FAF] =	sst s0;
	s0 =	simm.s32 @!p2 $0x0  }
0x16: {  	s3 =	sld [smem:$0x3FDB];
	s0 =	simm.s32 @p2 $0x1  }
0x17: {  	s4 =	simm.s32 $0x1BF5;
	[smem:$0x3FB1] =	sst s0  }
0x18: {  	s0 =	sld [smem:$0x3F94];
	_ =	swait.ge [sflag:s4], $0x0  }
0x19: {  	s7 =	sld [smem:$0x3F95]  }
0x1a: {  	s8 =	sadd.s32 $0xFFFFE003, lr  }
0x1b: {  	s9 =	sadd.s32 $0xFFFFFEF7, lr;
	s5 =	simm.s32 $0xFFFFFFFF;
	p2 =	slt.u32 s8, $0xFFFFF086  }
0x1c: {  	p1 =	slt.u32 s9, $0xF7A;
	s5 =	simm.s32 @!p2 $0x0  }
0x1d: {  	s5 =	simm.s32 @p1 $0x1;
	p0 =	seq.s32 s7, s2  }
0x1e: {  	s7 =	smul.u32 @!p0 $0xF7A, s2;
	p2 =	seq.s32 @!p0 s5, $0x0  }
0x1f: {  	s9 =	smul.u32 $0xF7A, s1;
	s8 =	simm.s32 @!p0 $0x1BF5;
	p2 =	por !p2, p0  }
0x20: {  	[sflag:s8] =	ssyncset.s32 @!p0 $0xFFFFF086;
	s6 =	sadd.s32 @!p0 s3, s7;
	s7 =	simm.s32 @!p0 $0x108  }
0x21: {  	s3 =	sadd.s32 s3, s9;
	s6 =	sadd.s32 @!p0 $0x88, s6;
	s7 =	simm.s32 @p2 $0x1082  }
0x22: {  	[simem:s7], [sflag:s8] =	dma.local @!p0 [hbm:s6], $0xF7A  }
0x23: {  	s9 =	sor.u32 $0xD0000000, s2;
	s6 =	simm.s32 $0x108;
	_ =	swait.ge @!p0 [sflag:s8], $0x0  }
0x24: {  	s3 =	sadd.s32 $0x88, s3;
	s6 =	simm.s32 @!p1 $0x1082;
	[sflag:s4] =	ssyncset.s32 $0xFFFFF086  }
0x25: {  	[simem:s6], [sflag:s4] =	dma.local [hbm:s3], $0xF7A  }
0x26: {  	[smem:$0x3F95] =	sst s1;
	(tag) =	ssettag s2;
	_ =	strace s9  }
0x27: {  	s1 =	sld [smem:$0x3FA5]  }
0x28: {  	s2 =	sld [smem:$0x3FA6]  }
0x29: {  	s4 =	sld [smem:$0x3FA8]  }
0x2a: {  	p0 =	seq.s32 s5, $0x0;
	s5 =	sld [smem:$0x3FA9]  }
0x2b: {  	s6 =	sld [smem:$0x3FAA]  }
0x2c: {  	s7 =	sld [smem:$0x3FAB]  }
0x2d: {  	s3 =	simm.s32 $0x108;
	s8 =	sld [smem:$0x3FAC]  }
0x2e: {  	s3 =	simm.s32 @!p0 $0x1082;
	s9 =	sld [smem:$0x3FAD]  }
0x2f: {  	lr =	sadd.s32 s0, s3;
	s0 =	sld [smem:$0x3FA4]  }
0x30: {  	s3 =	sld [smem:$0x3FA7]  }
0x31: {  	[smem:$0x3FB0] =	sst s10  }
0x32: {  	s10 =	sld [smem:$0x3FAE];
	_ =	sdelay $0x3  }
0x33: {  	p0 =	seq.s32 s10, $0x1;
	s10 =	sld [smem:$0x3FB0];
	_ =	sdelay $0x3  }
0x34: {  	[smem:$0x3FB0] =	sst s10  }
0x35: {  	s10 =	sld [smem:$0x3FAF];
	_ =	sdelay $0x3  }
0x36: {  	p1 =	seq.s32 s10, $0x1;
	s10 =	sld [smem:$0x3FB0];
	_ =	sdelay $0x3  }
0x37: {  	[smem:$0x3FB0] =	sst s10  }
0x38: {  	s10 =	sld [smem:$0x3FB1]  }
0x39: {  	_ = 	snop;
	(pc) =	sbr.ind lr, $3  }
0x3a: {  	_ = 	snop  }
0x3b: {  	_ = 	snop  }
0x3c: {  	p2 =	seq.s32 s10, $0x1;
	s10 =	sld [smem:$0x3FB0]  }
0x3d: {  	_ =	shalt  }
0x3e: {  	_ =	shalt  }
0x3f: {  	_ =	shalt  }
0x40: {  	_ =	shalt  }
0x41: {  	_ =	shalt  }
0x42: {  	_ =	shalt  }
0x43: {  	_ =	shalt  }
0x44: {  	_ =	shalt  }
0x45: {  	_ =	shalt  }
0x46: {  	_ =	shalt  }
0x47: {  	_ =	shalt  }
0x48: {  	_ =	shalt  }
0x49: {  	_ =	shalt  }
0x4a: {  	_ =	shalt  }
0x4b: {  	_ =	shalt  }
0x4c: {  	_ =	shalt  }
0x4d: {  	_ =	shalt  }
0x4e: {  	_ =	shalt  }
0x4f: {  	_ =	shalt  }
0x50: {  	_ =	shalt  }
0x51: {  	_ =	shalt  }
0x52: {  	_ =	shalt  }
0x53: {  	_ =	shalt  }
0x54: {  	_ =	shalt  }
0x55: {  	_ =	shalt  }
0x56: {  	_ =	shalt  }
0x57: {  	_ =	shalt  }
0x58: {  	_ =	shalt  }
0x59: {  	_ =	shalt  }
0x5a: {  	_ =	shalt  }
0x5b: {  	_ =	shalt  }
0x5c: {  	_ =	shalt  }
0x5d: {  	_ =	shalt  }
0x5e: {  	_ =	shalt  }
0x5f: {  	_ =	shalt  }
0x60: {  	_ =	shalt  }
0x61: {  	_ =	shalt  }
0x62: {  	_ =	shalt  }
0x63: {  	_ =	shalt  }
0x64: {  	_ =	shalt  }
0x65: {  	_ =	shalt  }
0x66: {  	_ =	shalt  }
0x67: {  	_ =	shalt  }
0x68: {  	_ =	shalt  }
0x69: {  	_ =	shalt  }
0x6a: {  	_ =	shalt  }
0x6b: {  	_ =	shalt  }
0x6c: {  	_ =	shalt  }
0x6d: {  	_ =	shalt  }
0x6e: {  	_ =	shalt  }
0x6f: {  	_ =	shalt  }
0x70: {  	_ =	shalt  }
0x71: {  	_ =	shalt  }
0x72: {  	_ =	shalt  }
0x73: {  	_ =	shalt  }
0x74: {  	_ =	shalt  }
0x75: {  	_ =	shalt  }
0x76: {  	_ =	shalt  }
0x77: {  	_ =	shalt  }
0x78: {  	_ =	shalt  }
0x79: {  	_ =	shalt  }
0x7a: {  	_ =	shalt  }
0x7b: {  	_ =	shalt  }
0x7c: {  	_ =	shalt  }
0x7d: {  	_ =	shalt  }
0x7e: {  	_ =	shalt  }
0x7f: {  	_ =	shalt  }
0x80: {  	_ =	shalt  }
0x81: {  	_ =	shalt  }
0x82: {  	_ =	shalt  }
0x83: {  	_ =	shalt  }
0x84: {  	_ =	shalt  }
0x85: {  	_ =	shalt  }
0x86: {  	_ =	shalt  }
0x87: {  	_ =	shalt  }
.Lfunc_end0:
.L_simem_size_0:
called_computation.3_lowered:
.L_overlay_start_0:
0x88: {  	s2 =	sld [smem:$0x3FD9]  }
0x89: {  	s3 =	sld [smem:$0x3FFE];
	_ =	sdelay $0x1  }
0x8a: {  	s1 =	srdreg.scid  }
0x8b: {  	s0 =	sand.u32 $0x1, s1  }
0x8c: {  	s16 =	sshll.u32 s0, $0xA;
	s2 =	sadd.s32 s3, s2  }
0x8d: {  	s2 =	sadd.s32 s2, s16  }
0x8e: {  	[smem:$0x3FBC] =	sst s2  }
0x8f: {  	_ = 	snop  }
0x90: {  	(tm) =	ssettm $0x1  }
0x91: {  	s17 =	sld [smem:$0x3FFB];
	_ =	sdelay $0x3  }
0x92: {  	_ =	strace s17  }
0x93: {  	s2 =	sld [smem:$0x3FFC];
	_ =	sdelay $0x3  }
0x94: {  	_ =	strace s2  }
0x95: {  	s2 =	sld [smem:$0x3FFD];
	_ =	sdelay $0x3  }
0x96: {  	_ =	strace s2  }
0x97: {  	_ =	strace $0x8FFFFFFF  }
0x98: {  	s18 =	sld [smem:$0x3FDB];
	_ =	sdelay $0x1  }
0x99: {  	s19 =	simm.s32 $_scs_section_size  }
0x9a: {  	s4 =	simm.s32 $_size__tile_overlayer_lowered;
	s5 =	simm.s32 $_tile_overlayer_lowered  }
0x9b: {  	s22 =	simm.s32 $0x1BFF;
	s21 =	sshll.u32 s5, $0x1;
	s2 =	sadd.s32 s19, s18  }
0x9c: {  	s6 =	simm.s32 $0x0;
	s20 =	sshll.u32 s4, $0x1;
	s4 =	sadd.s32 s21, s2  }
0x9d: {  	[timem:s6], [sflag:s22] =	dma.local [hbm:s4], s20  }
0x9e: {  	_ =	swait.ge [sflag:s22], s20  }
0x9f: {  	s3 =	ssub.s32 $0x0, s20;
	[sflag:s22] =	ssyncset.done $0x0  }
0xa0: {  	[sflag:s22] =	ssyncadd.s32 s3;
	_ =	sdelay $0x1  }
0xa1: {  	s23 =	simm.s32 $0x1B8B  }
0xa2: {  	_ =	swait.ge [sflag:s23], $0x1  }
0xa3: {  	[sflag:s23] =	ssyncset.done $0x0  }
0xa4: {  	s25 =	simm.s32 $0x1B8E;
	s24 =	sld [smem:$0x3FFE];
	[sflag:s23] =	ssyncadd.s32 $0xFFFFFFFF  }
0xa5: {  	s26 =	simm.s32 $execute0_lowered;
	[smem:$0x3FD2] =	sst s25  }
0xa6: {  	s4 =	sshll.u32 s26, $0x1;
	_ =	strace $0x8000004F;
	[dreg:$0x1] =	wrdreg $0xFFFFFFFF  }
0xa7: {  	s28 =	simm.s32 $_size_execute0_lowered;
	s2 =	sadd.s32 s2, s4;
	[dreg:$0x0] =	wrdreg $0x0  }
0xa8: {  	s4 =	sshll.u32 s28, $0x1;
	[dreg:$0x2] =	wrdreg s2  }
0xa9: {  	[dreg:$0x3] =	wrdreg s4  }
0xaa: {  	[dreg:$0x4] =	wrdreg $0xC0  }
0xab: {  	_ =	task [dreg:s6], $0x5FFFF  }
0xac: {  	[dreg:$0x1] =	wrdreg $0xFFFFFFFF  }
0xad: {  	[dreg:$0x0] =	wrdreg $0x60  }
0xae: {  	[dreg:$0x2] =	wrdreg s24  }
0xaf: {  	[dreg:$0x3] =	wrdreg $0xA8000  }
0xb0: {  	[dreg:$0x4] =	wrdreg $0x9  }
0xb1: {  	_ =	task.clear_ibuf [dreg:s6], $0x5FFFF;
	_ =	strace $0x9000004F  }
0xb2: {  	s29 =	simm.s32 $0x9;
	_ =	strace $0x80000051  }
0xb3: {  	_ =	swait.ge [sflag:s29], $0x1  }
0xb4: {  	[sflag:s29] =	ssyncadd.s32 $0xFFFFFFFF  }
0xb5: {  	_ =	strace $0x90000051  }
0xb6: {  	_ =	sfence  }
0xb7: {  	s30 =	sld [smem:$0x0];
	_ =	sdelay $0x2  }
0xb8: {  	s31 =	sshll.u32 s1, $0xD;
	s1 =	sshrl.u32 s1, $0x2  }
0xb9: {  	s3 =	sand.u32 $0x4000, s31;
	s1 =	sadd.s32 s1, s30  }
0xba: {  	s0 =	sor.u32 s3, s0;
	s1 =	sshll.u32 s1, $0x11  }
0xbb: {  	s0 =	sor.u32 s1, s0  }
0xbc: {  	s0 =	sadd.s32 $0x8F2B, s0  }
0xbd: {  	[sflag:s0] =	ssyncadd.remote.s32 $0x1  }
0xbe: {  	_ =	sfence.sel $0xFFFF  }
0xbf: {  	[dreg:$0x0] =	wrdreg $0xFFFFFFFF;
	(pc) =	sbr.abs _section_cstart, $3  }
0xc0: {  	[dreg:$0x1] =	wrdreg $0xFFFFFFFF  }
0xc1: {  	_ =	task.clear_ibuf [dreg:s6], $0x2FFFF;
	_ =	strace $0x9FFFFFFF  }
0xc2: {  	(tm) =	ssettm $0x7FFFFFFF  }
0xc3: {  	_ =	shalt  }
tec
execute0_lowered:
.L_overlay_start_1:
0x0: {  	(tag) =	ssettag $0x1  }
0x1: {  	s5 =	rddreg [dreg:$0x0]  }
0x2: {  	s2 =	rddreg [dreg:$0x1]  }
0x3: {  	s0 =	rddreg [dreg:$0x2]  }
0x4: {  	s3 =	simm.s32 $0x0;
	s1 =	stileid.u32;
	s4 =	srdreg.scid  }
0x5: {  	s16 =	simm.s32 $0x80;
	s17 =	simm.s32 $0x2800;
	s18 =	simm.s32 $0x1  }
0x6: {  	s19 =	simm.s32 $0x6800;
	s20 =	simm.s32 $0x2;
	s21 =	simm.s32 $0x1380  }
0x7: {  	s22 =	simm.s32 $0x2700;
	s23 =	simm.s32 $0x2780;
	s24 =	simm.s32 $0x0  }
0x8: {  	[smem:$0x7FF] =	sst s3;
	s6 =	smul.u32 $0x13C00, s1;
	s7 =	sand.u32 $0x1, s4  }
0x9: {  	s4 =	sadd.s32 $0x40200, s5;
	s9 =	sadd.s32 $0xEA00, s5;
	s10 =	sadd.s32 $0x4A00, s5  }
0xa: {  	s12 =	smul.u32 $0x4F000, s1;
	s30 =	sshll.u32 s1, $0x6;
	_ =	strace $0x80000050  }
0xb: {  	s8 =	smul.u32 $0x13C000, s7;
	s28 =	sshll.u32 s7, $0x4;
	s7 =	ssub.s32 $0x2, s7  }
0xc: {  	s11 =	sshrl.u32 s6, $0x3;
	s13 =	sshrl.u32 s7, $0x1;
	s29 =	sshrl.u32 s12, $0x2  }
0xd: {  	s11 =	sadd.s32 s11, s5;
	s6 =	sadd.s32 s6, s8;
	s8 =	sor.u32 s1, s28  }
0xe: {  	s13 =	ssub.s32 s7, s13;
	s15 =	sadd.s32 s29, s2;
	s6 =	sshrl.u32 s6, $0x3  }
0xf: {  	s8 =	smul.u32 $0x2800, s8;
	s12 =	smax.u32 s13, $0x1;
	s13 =	sshrl.u32 s15, $0x3  }
0x10: {  	s15 =	simm.s32 $0x1400;
	s14 =	sadd.s32 s6, s5;
	s5 =	sadd.s32 $0x18A00, s11  }
0x11: {  	s6 =	sor.u32 $0x1C03, s30;
	s8 =	sshrl.u32 s8, $0x3;
	s11 =	sadd.s32 $0x67400, s14  }
0x12: {  	s14 =	simm.s32 $0x3;
	s31 =	sadd.s32 $0x280, s8;
	s7 =	sadd.s32 s9, s8  }
0x13: {  	s8 =	sadd.s32 s10, s8;
	s9 =	sadd.s32 s9, s31;
	s10 =	sadd.s32 s10, s31  }
.LBB2_1:
0x14: {  	[spmem:s13], [sflag:s6] =	dma.local [hbm:s5], $0x2780  }
0x15: {  	_ =	swait.ge [sflag:s14], $0x2780  }
0x16: {  	[sflag:s14] =	ssyncset.done $0x0  }
0x17: {  	[sflag:s14] =	ssyncadd.s32 $0xFFFFD880  }
0x18: {  	[bflag:$0x0] =	sbarrier.arrive $0xFFFF  }
0x19: {  	[tilespmem:s3], [sflag:$0x3] =	stream.linear.gather [hbm4b:s7+s3], $0x1400, $0x38;
	[tilespmem:$0x1E400] =	vst v63  }
0x1a: {  	_ =	swait.ge [sflag:s14], $0x1400  }
0x1b: {  	[sflag:s14] =	ssyncset.done $0x0  }
0x1c: {  	[sflag:s14] =	ssyncadd.s32 $0xFFFFEC00  }
0x1d: {  	[tilespmem:s15], [sflag:$0x3] =	stream.linear.gather [hbm4b:s8+s3], $0x1400, $0x38;
	[tilespmem:$0x1E400] =	vst v63  }
0x1e: {  	_ =	swait.ge [sflag:s14], $0x1400  }
0x1f: {  	[sflag:s14] =	ssyncset.done $0x0  }
0x20: {  	[sflag:s14] =	ssyncadd.s32 $0xFFFFEC00  }
0x21: {  	[tilespmem:s17], [sflag:$0x1] =	stream.indirect.gather [hbm4b:s4+s16], $0x80, s3, s16, $0xb8;
	[tilespmem:$0x1E400] =	vst v63  }
0x22: {  	_ =	swait.ge [sflag:s18], $0x4000  }
0x23: {  	[sflag:s18] =	ssyncset.done $0x0  }
0x24: {  	s25 =	simm.s32 $0x80;
	[sflag:s18] =	ssyncadd.s32 $0xFFFFC000  }
0x25: {  	[tilespmem:s19], [sflag:$0x2] =	stream.indirect.gather [hbm4b:s4+s16], $0x80, s25, s16, $0xb8;
	[tilespmem:$0x1E400] =	vst v63  }
0x26: {  	s29 =	simm.s32 $0x1400  }
0x27: {  	[spmem:s2] =	stream.indirect.scatter.add.f32 [tilespmem:s17], [sflag:$0x3], $0x80, s29, s16, $0xb8;
	[tilespmem:$0x1E400] =	vst v63  }
0x28: {  	_ =	swait.ge [sflag:s14], $0x4000  }
0x29: {  	[sflag:s14] =	ssyncset.done $0x0  }
0x2a: {  	[sflag:s14] =	ssyncadd.s32 $0xFFFFC000  }
0x2b: {  	_ =	swait.ge [sflag:s20], $0x4000  }
0x2c: {  	[sflag:s20] =	ssyncset.done $0x0  }
0x2d: {  	s30 =	simm.s32 $0x100;
	[sflag:s20] =	ssyncadd.s32 $0xFFFFC000  }
0x2e: {  	[tilespmem:s17], [sflag:$0x1] =	stream.indirect.gather [hbm4b:s4+s16], $0x80, s30, s16, $0xb8;
	[tilespmem:$0x1E400] =	vst v63  }
0x2f: {  	s31 =	simm.s32 $0x1480  }
0x30: {  	[spmem:s2] =	stream.indirect.scatter.add.f32 [tilespmem:s19], [sflag:$0x3], $0x80, s31, s16, $0xb8;
	[tilespmem:$0x1E400] =	vst v63  }
0x31: {  	_ =	swait.ge [sflag:s14], $0x4000  }
0x32: {  	s25 =	simm.s32 $0x400;
	[sflag:s14] =	ssyncset.done $0x0  }
.LBB2_2:
0x33: {  	p0 =	sne.s32 s25, $0x4800  }
0x34: {  	[sflag:s14] =	ssyncadd.s32 $0xFFFFC000;
	s26 =	smov.u32 s25;
	s25 =	sadd.s32 $0x400, s25  }
0x35: {  	_ = 	snop  }
0x36: {  	_ =	swait.ge [sflag:s18], $0x4000  }
0x37: {  	s26 =	sshra.s32 s26, $0x2;
	[sflag:s18] =	ssyncset.done $0x0  }
0x38: {  	s28 =	sadd.s32 $0x80, s26;
	[sflag:s18] =	ssyncadd.s32 $0xFFFFC000  }
0x39: {  	[tilespmem:s19], [sflag:$0x2] =	stream.indirect.gather [hbm4b:s4+s16], $0x80, s28, s16, $0xb8;
	[tilespmem:$0x1E400] =	vst v63  }
0x3a: {  	s28 =	sadd.s32 $0x1400, s26  }
0x3b: {  	[spmem:s2] =	stream.indirect.scatter.add.f32 [tilespmem:s17], [sflag:$0x3], $0x80, s28, s16, $0xb8;
	[tilespmem:$0x1E400] =	vst v63  }
0x3c: {  	_ =	swait.ge [sflag:s14], $0x4000  }
0x3d: {  	[sflag:s14] =	ssyncset.done $0x0  }
0x3e: {  	[sflag:s14] =	ssyncadd.s32 $0xFFFFC000  }
0x3f: {  	_ =	swait.ge [sflag:s20], $0x4000  }
0x40: {  	[sflag:s20] =	ssyncset.done $0x0  }
0x41: {  	s28 =	sadd.s32 $0x100, s26;
	[sflag:s20] =	ssyncadd.s32 $0xFFFFC000  }
0x42: {  	[tilespmem:s17], [sflag:$0x1] =	stream.indirect.gather [hbm4b:s4+s16], $0x80, s28, s16, $0xb8;
	[tilespmem:$0x1E400] =	vst v63  }
.Ltmp0:
0x43: {  	_ = 	snop;
	(pc) =	sbr.rel @p0 .LBB2_2-.Ltmp0, $4  }
0x44: {  	s26 =	sadd.s32 $0x1480, s26  }
0x45: {  	[spmem:s2] =	stream.indirect.scatter.add.f32 [tilespmem:s19], [sflag:$0x3], $0x80, s26, s16, $0xb8;
	[tilespmem:$0x1E400] =	vst v63  }
0x46: {  	_ =	swait.ge [sflag:s14], $0x4000  }
0x47: {  	[sflag:s14] =	ssyncset.done $0x0  }
0x48: {  	[sflag:s14] =	ssyncadd.s32 $0xFFFFC000  }
0x49: {  	_ =	swait.ge [sflag:s18], $0x4000  }
0x4a: {  	[sflag:s18] =	ssyncset.done $0x0  }
0x4b: {  	[sflag:s18] =	ssyncadd.s32 $0xFFFFC000  }
0x4c: {  	[tilespmem:s19], [sflag:$0x2] =	stream.indirect.gather [hbm4b:s4+s16], $0x80, s21, s16, $0xb8;
	[tilespmem:$0x1E400] =	vst v63  }
0x4d: {  	_ = 	snop  }
0x4e: {  	[spmem:s2] =	stream.indirect.scatter.add.f32 [tilespmem:s17], [sflag:$0x3], $0x80, s22, s16, $0xb8;
	[tilespmem:$0x1E400] =	vst v63  }
0x4f: {  	_ =	swait.ge [sflag:s14], $0x4000  }
0x50: {  	[sflag:s14] =	ssyncset.done $0x0  }
0x51: {  	[sflag:s14] =	ssyncadd.s32 $0xFFFFC000  }
0x52: {  	_ =	swait.ge [sflag:s20], $0x4000  }
0x53: {  	[sflag:s20] =	ssyncset.done $0x0  }
0x54: {  	[sflag:s20] =	ssyncadd.s32 $0xFFFFC000  }
0x55: {  	[spmem:s2] =	stream.indirect.scatter.add.f32 [tilespmem:s19], [sflag:$0x3], $0x80, s23, s16, $0xb8;
	[tilespmem:$0x1E400] =	vst v63  }
0x56: {  	_ =	swait.ge [sflag:s14], $0x4000  }
0x57: {  	[sflag:s14] =	ssyncset.done $0x0  }
0x58: {  	s25 =	simm.s32 $0x0;
	[sflag:s14] =	ssyncadd.s32 $0xFFFFC000  }
0x59: {  	[tilespmem:s25], [sflag:$0x3] =	stream.linear.gather [hbm4b:s9+s25], $0x1400, $0x38;
	[tilespmem:$0x1E400] =	vst v63  }
0x5a: {  	_ =	swait.ge [sflag:s14], $0x1400  }
0x5b: {  	[sflag:s14] =	ssyncset.done $0x0  }
0x5c: {  	[sflag:s14] =	ssyncadd.s32 $0xFFFFEC00  }
0x5d: {  	[tilespmem:s15], [sflag:$0x3] =	stream.linear.gather [hbm4b:s10+s25], $0x1400, $0x38;
	[tilespmem:$0x1E400] =	vst v63  }
0x5e: {  	_ =	swait.ge [sflag:s14], $0x1400  }
0x5f: {  	[sflag:s14] =	ssyncset.done $0x0  }
0x60: {  	[sflag:s14] =	ssyncadd.s32 $0xFFFFEC00  }
0x61: {  	[tilespmem:s17], [sflag:$0x1] =	stream.indirect.gather [hbm4b:s4+s16], $0x80, s25, s16, $0xb8;
	[tilespmem:$0x1E400] =	vst v63  }
0x62: {  	_ =	swait.ge [sflag:s18], $0x4000  }
0x63: {  	[sflag:s18] =	ssyncset.done $0x0  }
0x64: {  	s28 =	simm.s32 $0x80;
	[sflag:s18] =	ssyncadd.s32 $0xFFFFC000  }
0x65: {  	[tilespmem:s19], [sflag:$0x2] =	stream.indirect.gather [hbm4b:s4+s16], $0x80, s28, s16, $0xb8;
	[tilespmem:$0x1E400] =	vst v63  }
0x66: {  	s29 =	simm.s32 $0x1400  }
0x67: {  	[spmem:s2] =	stream.indirect.scatter.add.f32 [tilespmem:s17], [sflag:$0x3], $0x80, s29, s16, $0xb8;
	[tilespmem:$0x1E400] =	vst v63  }
0x68: {  	_ =	swait.ge [sflag:s14], $0x4000  }
0x69: {  	[sflag:s14] =	ssyncset.done $0x0  }
0x6a: {  	[sflag:s14] =	ssyncadd.s32 $0xFFFFC000  }
0x6b: {  	_ =	swait.ge [sflag:s20], $0x4000  }
0x6c: {  	[sflag:s20] =	ssyncset.done $0x0  }
0x6d: {  	s30 =	simm.s32 $0x100;
	[sflag:s20] =	ssyncadd.s32 $0xFFFFC000  }
0x6e: {  	[tilespmem:s17], [sflag:$0x1] =	stream.indirect.gather [hbm4b:s4+s16], $0x80, s30, s16, $0xb8;
	[tilespmem:$0x1E400] =	vst v63  }
0x6f: {  	s31 =	simm.s32 $0x1480  }
0x70: {  	[spmem:s2] =	stream.indirect.scatter.add.f32 [tilespmem:s19], [sflag:$0x3], $0x80, s31, s16, $0xb8;
	[tilespmem:$0x1E400] =	vst v63  }
0x71: {  	_ =	swait.ge [sflag:s14], $0x4000  }
0x72: {  	s25 =	simm.s32 $0x400;
	[sflag:s14] =	ssyncset.done $0x0  }
.LBB2_4:
0x73: {  	p0 =	sne.s32 s25, $0x4800  }
0x74: {  	[sflag:s14] =	ssyncadd.s32 $0xFFFFC000;
	s26 =	smov.u32 s25;
	s25 =	sadd.s32 $0x400, s25  }
0x75: {  	_ = 	snop  }
0x76: {  	_ =	swait.ge [sflag:s18], $0x4000  }
0x77: {  	s26 =	sshra.s32 s26, $0x2;
	[sflag:s18] =	ssyncset.done $0x0  }
0x78: {  	s28 =	sadd.s32 $0x80, s26;
	[sflag:s18] =	ssyncadd.s32 $0xFFFFC000  }
0x79: {  	[tilespmem:s19], [sflag:$0x2] =	stream.indirect.gather [hbm4b:s4+s16], $0x80, s28, s16, $0xb8;
	[tilespmem:$0x1E400] =	vst v63  }
0x7a: {  	s28 =	sadd.s32 $0x1400, s26  }
0x7b: {  	[spmem:s2] =	stream.indirect.scatter.add.f32 [tilespmem:s17], [sflag:$0x3], $0x80, s28, s16, $0xb8;
	[tilespmem:$0x1E400] =	vst v63  }
0x7c: {  	_ =	swait.ge [sflag:s14], $0x4000  }
0x7d: {  	[sflag:s14] =	ssyncset.done $0x0  }
0x7e: {  	[sflag:s14] =	ssyncadd.s32 $0xFFFFC000  }
0x7f: {  	_ =	swait.ge [sflag:s20], $0x4000  }
0x80: {  	[sflag:s20] =	ssyncset.done $0x0  }
0x81: {  	s28 =	sadd.s32 $0x100, s26;
	[sflag:s20] =	ssyncadd.s32 $0xFFFFC000  }
0x82: {  	[tilespmem:s17], [sflag:$0x1] =	stream.indirect.gather [hbm4b:s4+s16], $0x80, s28, s16, $0xb8;
	[tilespmem:$0x1E400] =	vst v63  }
.Ltmp1:
0x83: {  	_ = 	snop;
	(pc) =	sbr.rel @p0 .LBB2_4-.Ltmp1, $4  }
0x84: {  	s26 =	sadd.s32 $0x1480, s26  }
0x85: {  	[spmem:s2] =	stream.indirect.scatter.add.f32 [tilespmem:s19], [sflag:$0x3], $0x80, s26, s16, $0xb8;
	[tilespmem:$0x1E400] =	vst v63  }
0x86: {  	_ =	swait.ge [sflag:s14], $0x4000  }
0x87: {  	[sflag:s14] =	ssyncset.done $0x0  }
0x88: {  	[sflag:s14] =	ssyncadd.s32 $0xFFFFC000  }
0x89: {  	_ =	swait.ge [sflag:s18], $0x4000  }
0x8a: {  	[sflag:s18] =	ssyncset.done $0x0  }
0x8b: {  	[sflag:s18] =	ssyncadd.s32 $0xFFFFC000  }
0x8c: {  	[tilespmem:s19], [sflag:$0x2] =	stream.indirect.gather [hbm4b:s4+s16], $0x80, s21, s16, $0xb8;
	[tilespmem:$0x1E400] =	vst v63  }
0x8d: {  	_ = 	snop  }
0x8e: {  	[spmem:s2] =	stream.indirect.scatter.add.f32 [tilespmem:s17], [sflag:$0x3], $0x80, s22, s16, $0xb8;
	[tilespmem:$0x1E400] =	vst v63  }
0x8f: {  	_ =	swait.ge [sflag:s14], $0x4000  }
0x90: {  	[sflag:s14] =	ssyncset.done $0x0  }
0x91: {  	[sflag:s14] =	ssyncadd.s32 $0xFFFFC000  }
0x92: {  	_ =	swait.ge [sflag:s20], $0x4000  }
0x93: {  	[sflag:s20] =	ssyncset.done $0x0  }
0x94: {  	[sflag:s20] =	ssyncadd.s32 $0xFFFFC000  }
0x95: {  	[spmem:s2] =	stream.indirect.scatter.add.f32 [tilespmem:s19], [sflag:$0x3], $0x80, s23, s16, $0xb8;
	[tilespmem:$0x1E400] =	vst v63  }
0x96: {  	_ =	swait.ge [sflag:s14], $0x4000  }
0x97: {  	s24 =	sadd.s32 $0x1, s24;
	[sflag:s14] =	ssyncset.done $0x0  }
0x98: {  	p0 =	sne.s32 s24, s12;
	[sflag:s14] =	ssyncadd.s32 $0xFFFFC000  }
.Ltmp2:
0x99: {  	[bflag:$0x0] =	sbarrier.arrive $0xFFFF;
	(pc) =	sbr.rel @p0 .LBB2_1-.Ltmp2, $4  }
0x9a: {  	[hbm:s11], [sflag:s6] =	dma.local [spmem:s13], $0x2780  }
0x9b: {  	_ =	swait.ge [sflag:s14], $0x2780  }
0x9c: {  	[sflag:s14] =	ssyncset.done $0x0  }
0x9d: {  	[sflag:s14] =	ssyncadd.s32 $0xFFFFD880  }
0x9e: {  	_ =	sfence.sel $0x180000  }
0x9f: {  	[bflag:$0x0] =	sbarrier.arrive $0xFFFF  }
0xa0: {  	p0 =	sne.s32 s1, $0x0;
	_ =	strace $0x90000050  }
0xa1: {  	s0 =	sadd.s32 @!p0 $0x100000, s0;
	[bflag:$0x2] =	sbarrier.arrive $0xFFFF  }
0xa2: {  	[sflag:s0] =	ssyncadd.tile.s32 @!p0 $0x1;
	_ =	shalt  }
.Lfunc_end2:
_tile_overlayer_lowered:
.L_overlay_start_2:
0xa3: {  	(tag) =	ssettag $0x2  }
0xa4: {  	s0 =	rddreg [dreg:$0x0];
	s2 =	stileid.u32  }
0xa5: {  	s1 =	rddreg [dreg:$0x1];
	p0 =	sne.s32 s2, $0x0  }
0xa6: {  	s3 =	rddreg [dreg:$0x2];
	[bflag:$0x3] =	sbarrier.arrive $0xFFFF;
	s2 =	simm.s32 @!p0 $0x1C03  }
0xa7: {  	[timem:s3], [sflag:s2] =	dma.local @!p0 [hbm:s0], s1  }
0xa8: {  	s0 =	simm.s32 @!p0 $0x3  }
0xa9: {  	_ =	swait.ge @!p0 [sflag:s0], s1  }
0xaa: {  	s1 =	ssub.s32 @!p0 $0x0, s1;
	[sflag:s0] =	ssyncset.done @!p0 $0x0  }
0xab: {  	[sflag:s0] =	ssyncadd.s32 @!p0 s1  }
0xac: {  	[bflag:$0x3] =	sbarrier.arrive $0xFFFF  }
0xad: {  	_ =	shalt  }

</sc_bundles>
